<compile_context>
chip_gen: v7x
topology: tpu7x:2x2x1
jax: 0.10.2.dev20260603
libtpu: 0.0.44.dev20260713+nightly
codegen_flags: <defaults>
</compile_context>

<pallas_src>
import functools
import math

import jax
import jax.numpy as jnp
from jax import lax
from jax.experimental import pallas as pl
from jax.experimental.pallas import tpu as pltpu
from jax.experimental.pallas import tpu_sc as plsc


@functools.partial(jax.jit, static_argnames=("B", "D"))
def _sc_embed(idx2d, table, B, D):
    info = plsc.get_sparse_core_info()
    NC, NS, L = info.num_cores, info.num_subcores, info.num_lanes
    NW = NC * NS
    b_per_w = B // NW
    C = 64
    n_chunks = b_per_w // C
    NBUF = 8
    assert n_chunks % NBUF == 0
    scale = math.sqrt(D)

    mesh = plsc.VectorSubcoreMesh(core_axis_name="c", subcore_axis_name="s")

    @functools.partial(
        pl.kernel,
        mesh=mesh,
        out_type=jax.ShapeDtypeStruct((B, D), jnp.float32),
        scratch_types=(
            [pltpu.VMEM((n_chunks, C), jnp.int32)]
            + [pltpu.VMEM((C, D), jnp.float32) for _ in range(NBUF)]
            + [pltpu.SemaphoreType.DMA for _ in range(2 * NBUF)]
        ),
    )
    def k(idx_hbm, table_hbm, out_hbm, idx_v, *bufs):
        rows = bufs[:NBUF]
        gsem = bufs[NBUF:2 * NBUF]
        ssem = bufs[2 * NBUF:]
        wid = lax.axis_index("s") * NC + lax.axis_index("c")
        out_base = wid * b_per_w

        pltpu.sync_copy(idx_hbm.at[pl.ds(wid * n_chunks, n_chunks)], idx_v)

        def gather_start(g, j):
            pltpu.async_copy(table_hbm.at[idx_v.at[g]], rows[j], gsem[j])

        def gather_wait(j):
            pltpu.make_async_copy(
                table_hbm.at[idx_v.at[0]], rows[j], gsem[j]).wait()

        def scale_rows(j):
            r = rows[j]
            def row_body(i, carry):
                for c in range(D // L):
                    sl = pl.ds(c * L, L)
                    r[i, sl] = r[i, sl] * scale
                return carry
            lax.fori_loop(0, C, row_body, 0)

        def scatter_start(g, j):
            pltpu.async_copy(
                rows[j], out_hbm.at[pl.ds(out_base + g * C, C)], ssem[j])

        def scatter_wait(j):
            pltpu.make_async_copy(
                rows[j], out_hbm.at[pl.ds(out_base, C)], ssem[j]).wait()

        LAG = 4

        def outer(o, carry):
            gbase = o * NBUF
            for j in range(NBUF):
                g = gbase + j
                @pl.when(o > 0)
                def _(j=j):
                    scatter_wait(j)
                gather_start(g, j)
                jp = (j + NBUF - LAG) % NBUF
                if j < LAG:
                    @pl.when(o > 0)
                    def _(g=g, jp=jp):
                        gather_wait(jp)
                        scale_rows(jp)
                        scatter_start(g - LAG, jp)
                else:
                    gather_wait(jp)
                    scale_rows(jp)
                    scatter_start(g - LAG, jp)
            return carry

        lax.fori_loop(0, n_chunks // NBUF, outer, 0)

        for t in range(LAG):
            g = n_chunks - LAG + t
            gather_wait(g % NBUF)
            scale_rows(g % NBUF)
            scatter_start(g, g % NBUF)
        for j in range(NBUF):
            scatter_wait(j)

    return k(idx2d, table)


def kernel(tokens, table):
    Bt, T = tokens.shape
    V, D = table.shape
    B = Bt * T
    C = 64
    idx2d = tokens.reshape(B // C, C).astype(jnp.int32)
    out = _sc_embed(idx2d, table, B=B, D=D)
    return out.reshape(Bt, T, D)

# --- scband reference (transcript-rebuilt; emitter-appended) ---
"""Pipeline reference for scband-token-embedding-10960756539490 (READ-ONLY COPY).

The authoritative reference and input builder live on the scoring server;
editing this copy changes nothing except your own understanding.
"""

import jax, jax.numpy as jnp
import numpy as np
import math

VOCAB = 100000
EMB = 128

def setup_inputs(seed: int = 0) -> dict:
    key = jax.random.key(seed)
    k1, k2 = jax.random.split(key)
    tokens = jax.random.randint(k1, (4096, 200), 0, VOCAB, dtype=jnp.int64 if jax.config.jax_enable_x64 else jnp.int32)
    table = jax.random.normal(k2, (VOCAB, EMB), dtype=jnp.float32)
    return {"tokens": tokens, "table": table}

def reference(tokens, table):
    # embedding lookup followed by sqrt(emb_size) scaling
    emb = jnp.take(table, tokens, axis=0)
    return emb * math.sqrt(EMB)

if __name__ == "__main__":
    import jax
    _d = setup_inputs()
    print(jax.jit(kernel)(*tuple(_d.values())))

</pallas_src>

<mosaic_0001>
#map = affine_map<(d0, d1) -> (0, 0)>
module attributes {stable_mosaic.version = 14 : i64} {
  func.func @k(%arg0: i32, %arg1: i32, %arg2: memref<12800x64xi32, #tpu.memory_space<hbm>>, %arg3: memref<100000x128xf32, #tpu.memory_space<hbm>>, %arg4: memref<819200x128xf32, #tpu.memory_space<hbm>>, %arg5: memref<400x64xi32, #tpu.memory_space<vmem>>, %arg6: memref<64x128xf32, #tpu.memory_space<vmem>>, %arg7: memref<64x128xf32, #tpu.memory_space<vmem>>, %arg8: memref<64x128xf32, #tpu.memory_space<vmem>>, %arg9: memref<64x128xf32, #tpu.memory_space<vmem>>, %arg10: memref<64x128xf32, #tpu.memory_space<vmem>>, %arg11: memref<64x128xf32, #tpu.memory_space<vmem>>, %arg12: memref<64x128xf32, #tpu.memory_space<vmem>>, %arg13: memref<64x128xf32, #tpu.memory_space<vmem>>, %arg14: memref<!tpu.dma_semaphore, #tpu.memory_space<semaphore_mem>>, %arg15: memref<!tpu.dma_semaphore, #tpu.memory_space<semaphore_mem>>, %arg16: memref<!tpu.dma_semaphore, #tpu.memory_space<semaphore_mem>>, %arg17: memref<!tpu.dma_semaphore, #tpu.memory_space<semaphore_mem>>, %arg18: memref<!tpu.dma_semaphore, #tpu.memory_space<semaphore_mem>>, %arg19: memref<!tpu.dma_semaphore, #tpu.memory_space<semaphore_mem>>, %arg20: memref<!tpu.dma_semaphore, #tpu.memory_space<semaphore_mem>>, %arg21: memref<!tpu.dma_semaphore, #tpu.memory_space<semaphore_mem>>, %arg22: memref<!tpu.dma_semaphore, #tpu.memory_space<semaphore_mem>>, %arg23: memref<!tpu.dma_semaphore, #tpu.memory_space<semaphore_mem>>, %arg24: memref<!tpu.dma_semaphore, #tpu.memory_space<semaphore_mem>>, %arg25: memref<!tpu.dma_semaphore, #tpu.memory_space<semaphore_mem>>, %arg26: memref<!tpu.dma_semaphore, #tpu.memory_space<semaphore_mem>>, %arg27: memref<!tpu.dma_semaphore, #tpu.memory_space<semaphore_mem>>, %arg28: memref<!tpu.dma_semaphore, #tpu.memory_space<semaphore_mem>>, %arg29: memref<!tpu.dma_semaphore, #tpu.memory_space<semaphore_mem>>) attributes {dimension_semantics = [#tpu.dimension_semantics<core_parallel>, #tpu.dimension_semantics<subcore_parallel>], iteration_bounds = array<i64: 2, 16>, scalar_prefetch = 0 : i64, scratch_operands = 25 : i64, tpu.core_type = #tpu.core_type<sc_vector_subcore>, window_params = [{transform_indices = #map}, {transform_indices = #map}, {transform_indices = #map}]} {
    %mul3A = arith.constant 2 : i32
    %mul3A_0 = arith.muli %arg1, %mul3A : i32
    %add3A = arith.addi %mul3A_0, %arg0 : i32
    %mul3A_1 = arith.constant 25600 : i32
    %mul3A_2 = arith.muli %add3A, %mul3A_1 : i32
    %mul3A_3 = arith.constant 400 : i32
    %mul3A_4 = arith.muli %add3A, %mul3A_3 : i32
    "tpu.region"() ({
      %run_scoped3A = tpu.sem_alloc : memref<!tpu.dma_semaphore, #tpu.memory_space<semaphore_mem>>
      %dma_start3A_116 = arith.constant 0 : i32
      %dma_start3A_117 = tpu.memref_slice %arg2[%mul3A_4, %dma_start3A_116] : memref<12800x64xi32, #tpu.memory_space<hbm>> -> memref<400x64xi32, #tpu.memory_space<hbm>>
      %dma_start3A_118 = arith.constant 0 : i32
      %dma_start3A_119 = tpu.memref_slice %arg2[%mul3A_4, %dma_start3A_118] : memref<12800x64xi32, #tpu.memory_space<hbm>> -> memref<400x64xi32, #tpu.memory_space<hbm>>
      tpu.enqueue_dma source(%dma_start3A_119 : memref<400x64xi32, #tpu.memory_space<hbm>>) target(%arg5 : memref<400x64xi32, #tpu.memory_space<vmem>>) target_semaphore(%run_scoped3A : memref<!tpu.dma_semaphore, #tpu.memory_space<semaphore_mem>>)
      %dma_wait3A_120 = arith.constant 0 : i32
      %dma_wait3A_121 = tpu.memref_slice %arg2[%mul3A_4, %dma_wait3A_120] : memref<12800x64xi32, #tpu.memory_space<hbm>> -> memref<400x64xi32, #tpu.memory_space<hbm>>
      %dma_wait3A_122 = arith.constant 0 : i32
      %dma_wait3A_123 = tpu.memref_slice %arg2[%mul3A_4, %dma_wait3A_122] : memref<12800x64xi32, #tpu.memory_space<hbm>> -> memref<400x64xi32, #tpu.memory_space<hbm>>
      tpu.wait_dma2 semaphore(%run_scoped3A : memref<!tpu.dma_semaphore, #tpu.memory_space<semaphore_mem>>) src(%dma_wait3A_123 : memref<400x64xi32, #tpu.memory_space<hbm>>) dst(%arg5 : memref<400x64xi32, #tpu.memory_space<vmem>>)
      tpu.yield
    }) : () -> ()
    %scan3A = arith.constant 0 : i32
    %scan3A_5 = arith.constant 0 : i32
    %scan3A_6 = arith.constant 50 : i32
    %scan3A_7 = arith.addi %scan3A_5, %scan3A_6 : i32
    %scan3A_8 = arith.constant 1 : i32
    scf.for %scan3A_116 = %scan3A_5 to %scan3A_7 step %scan3A_8  : i32 {
      %mul3A_117 = arith.constant 8 : i32
      %mul3A_118 = arith.muli %scan3A_116, %mul3A_117 : i32
      %add3A_119 = arith.constant 0 : i32
      %add3A_120 = arith.addi %mul3A_118, %add3A_119 : i32
      %gt3A = arith.constant 0 : i32
      %gt3A_121 = arith.cmpi sgt, %scan3A_116, %gt3A : i32
      %convert_element_type3A = arith.extui %gt3A_121 : i1 to i32
      %cond3A = arith.constant 0 : i32
      %cond3A_122 = arith.cmpi ne, %convert_element_type3A, %cond3A : i32
      scf.if %cond3A_122 {
        %dma_wait3A_327 = arith.constant 0 : i32
        %dma_wait3A_328 = tpu.memref_slice %arg4[%mul3A_2, %dma_wait3A_327] : memref<819200x128xf32, #tpu.memory_space<hbm>> -> memref<64x128xf32, #tpu.memory_space<hbm>>
        %dma_wait3A_329 = arith.constant 0 : i32
        %dma_wait3A_330 = tpu.memref_slice %arg4[%mul3A_2, %dma_wait3A_329] : memref<819200x128xf32, #tpu.memory_space<hbm>> -> memref<64x128xf32, #tpu.memory_space<hbm>>
        tpu.wait_dma2 semaphore(%arg22 : memref<!tpu.dma_semaphore, #tpu.memory_space<semaphore_mem>>) src(%arg6 : memref<64x128xf32, #tpu.memory_space<vmem>>) dst(%dma_wait3A_330 : memref<64x128xf32, #tpu.memory_space<hbm>>)
      } else {
      }
      %dma_start3A_123 = arith.constant 0 : i32
      %dma_start3A_124 = tpu.memref_slice %arg5[%add3A_120, %dma_start3A_123] : memref<400x64xi32, #tpu.memory_space<vmem>> -> memref<1x64xi32, #tpu.memory_space<vmem>>
      %dma_start3A_125 = tpu.memref_squeeze %dma_start3A_124 : memref<1x64xi32, #tpu.memory_space<vmem>> -> memref<64xi32, #tpu.memory_space<vmem>>
      %dma_start3A_126 = arith.constant 0 : i32
      %dma_start3A_127 = arith.constant 0 : i32
      %dma_start3A_128 = tpu.memref_slice %arg3[%dma_start3A_126, %dma_start3A_127] : memref<100000x128xf32, #tpu.memory_space<hbm>> -> memref<100000x128xf32, #tpu.memory_space<hbm>>
      tpu.enqueue_indirect_dma source(%dma_start3A_128 : memref<100000x128xf32, #tpu.memory_space<hbm>>) target(%arg6 : memref<64x128xf32, #tpu.memory_space<vmem>>) offsets(%dma_start3A_125 : memref<64xi32, #tpu.memory_space<vmem>>) semaphore(%arg14 : memref<!tpu.dma_semaphore, #tpu.memory_space<semaphore_mem>>)
      %gt3A_129 = arith.constant 0 : i32
      %gt3A_130 = arith.cmpi sgt, %scan3A_116, %gt3A_129 : i32
      %convert_element_type3A_131 = arith.extui %gt3A_130 : i1 to i32
      %cond3A_132 = arith.constant 0 : i32
      %cond3A_133 = arith.cmpi ne, %convert_element_type3A_131, %cond3A_132 : i32
      scf.if %cond3A_133 {
        %dma_wait3A_327 = arith.constant 0 : i32
        %dma_wait3A_328 = arith.constant 0 : i32
        %dma_wait3A_329 = tpu.memref_slice %arg5[%dma_wait3A_327, %dma_wait3A_328] : memref<400x64xi32, #tpu.memory_space<vmem>> -> memref<1x64xi32, #tpu.memory_space<vmem>>
        %dma_wait3A_330 = tpu.memref_squeeze %dma_wait3A_329 : memref<1x64xi32, #tpu.memory_space<vmem>> -> memref<64xi32, #tpu.memory_space<vmem>>
        %dma_wait3A_331 = arith.constant 0 : i32
        %dma_wait3A_332 = arith.constant 0 : i32
        %dma_wait3A_333 = tpu.memref_slice %arg3[%dma_wait3A_331, %dma_wait3A_332] : memref<100000x128xf32, #tpu.memory_space<hbm>> -> memref<100000x128xf32, #tpu.memory_space<hbm>>
        tpu.wait_indirect_dma semaphore(%arg18 : memref<!tpu.dma_semaphore, #tpu.memory_space<semaphore_mem>>) src(%dma_wait3A_333 : memref<100000x128xf32, #tpu.memory_space<hbm>>) dst(%arg10 : memref<64x128xf32, #tpu.memory_space<vmem>>)
        %scan3A_334 = arith.constant 0 : i32
        %scan3A_335 = arith.constant 0 : i32
        %scan3A_336 = arith.constant 64 : i32
        %scan3A_337 = arith.addi %scan3A_335, %scan3A_336 : i32
        %scan3A_338 = arith.constant 1 : i32
        scf.for %scan3A_349 = %scan3A_335 to %scan3A_337 step %scan3A_338  : i32 {
          %get3A = arith.index_cast %scan3A_349 : i32 to index
          %get3A_350 = arith.constant 0 : index
          %get3A_351 = tpu.vector_load %arg10[%get3A, %get3A_350] {strides = array<i32>} : memref<64x128xf32, #tpu.memory_space<vmem>>, vector<1x16xf32>,
          %get3A_352 = vector.shape_cast %get3A_351 : vector<1x16xf32> to vector<16xf32>
          %mul3A_353 = arith.constant 11.3137083 : f32
          %mul3A_354 = vector.broadcast %mul3A_353 : f32 to vector<16xf32>
          %mul3A_355 = arith.mulf %get3A_352, %mul3A_354 : vector<16xf32>
          %swap3A = arith.index_cast %scan3A_349 : i32 to index
          %swap3A_356 = arith.constant 0 : index
          %swap3A_357 = tpu.vector_load %arg10[%swap3A, %swap3A_356] {strides = array<i32>} : memref<64x128xf32, #tpu.memory_space<vmem>>, vector<1x16xf32>,
          %swap3A_358 = vector.shape_cast %swap3A_357 : vector<1x16xf32> to vector<16xf32>
          %swap3A_359 = vector.shape_cast %mul3A_355 : vector<16xf32> to vector<1x16xf32>
          tpu.vector_store %arg10[%swap3A, %swap3A_356], %swap3A_359 {strides = array<i32>} : memref<64x128xf32, #tpu.memory_space<vmem>>, vector<1x16xf32>,
          %get3A_360 = arith.index_cast %scan3A_349 : i32 to index
          %get3A_361 = arith.constant 16 : index
          %get3A_362 = tpu.vector_load %arg10[%get3A_360, %get3A_361] {strides = array<i32>} : memref<64x128xf32, #tpu.memory_space<vmem>>, vector<1x16xf32>,
          %get3A_363 = vector.shape_cast %get3A_362 : vector<1x16xf32> to vector<16xf32>
          %mul3A_364 = arith.constant 11.3137083 : f32
          %mul3A_365 = vector.broadcast %mul3A_364 : f32 to vector<16xf32>
          %mul3A_366 = arith.mulf %get3A_363, %mul3A_365 : vector<16xf32>
          %swap3A_367 = arith.index_cast %scan3A_349 : i32 to index
          %swap3A_368 = arith.constant 16 : index
          %swap3A_369 = tpu.vector_load %arg10[%swap3A_367, %swap3A_368] {strides = array<i32>} : memref<64x128xf32, #tpu.memory_space<vmem>>, vector<1x16xf32>,
          %swap3A_370 = vector.shape_cast %swap3A_369 : vector<1x16xf32> to vector<16xf32>
          %swap3A_371 = vector.shape_cast %mul3A_366 : vector<16xf32> to vector<1x16xf32>
          tpu.vector_store %arg10[%swap3A_367, %swap3A_368], %swap3A_371 {strides = array<i32>} : memref<64x128xf32, #tpu.memory_space<vmem>>, vector<1x16xf32>,
          %get3A_372 = arith.index_cast %scan3A_349 : i32 to index
          %get3A_373 = arith.constant 32 : index
          %get3A_374 = tpu.vector_load %arg10[%get3A_372, %get3A_373] {strides = array<i32>} : memref<64x128xf32, #tpu.memory_space<vmem>>, vector<1x16xf32>,
          %get3A_375 = vector.shape_cast %get3A_374 : vector<1x16xf32> to vector<16xf32>
          %mul3A_376 = arith.constant 11.3137083 : f32
          %mul3A_377 = vector.broadcast %mul3A_376 : f32 to vector<16xf32>
          %mul3A_378 = arith.mulf %get3A_375, %mul3A_377 : vector<16xf32>
          %swap3A_379 = arith.index_cast %scan3A_349 : i32 to index
          %swap3A_380 = arith.constant 32 : index
          %swap3A_381 = tpu.vector_load %arg10[%swap3A_379, %swap3A_380] {strides = array<i32>} : memref<64x128xf32, #tpu.memory_space<vmem>>, vector<1x16xf32>,
          %swap3A_382 = vector.shape_cast %swap3A_381 : vector<1x16xf32> to vector<16xf32>
          %swap3A_383 = vector.shape_cast %mul3A_378 : vector<16xf32> to vector<1x16xf32>
          tpu.vector_store %arg10[%swap3A_379, %swap3A_380], %swap3A_383 {strides = array<i32>} : memref<64x128xf32, #tpu.memory_space<vmem>>, vector<1x16xf32>,
          %get3A_384 = arith.index_cast %scan3A_349 : i32 to index
          %get3A_385 = arith.constant 48 : index
          %get3A_386 = tpu.vector_load %arg10[%get3A_384, %get3A_385] {strides = array<i32>} : memref<64x128xf32, #tpu.memory_space<vmem>>, vector<1x16xf32>,
          %get3A_387 = vector.shape_cast %get3A_386 : vector<1x16xf32> to vector<16xf32>
          %mul3A_388 = arith.constant 11.3137083 : f32
          %mul3A_389 = vector.broadcast %mul3A_388 : f32 to vector<16xf32>
          %mul3A_390 = arith.mulf %get3A_387, %mul3A_389 : vector<16xf32>
          %swap3A_391 = arith.index_cast %scan3A_349 : i32 to index
          %swap3A_392 = arith.constant 48 : index
          %swap3A_393 = tpu.vector_load %arg10[%swap3A_391, %swap3A_392] {strides = array<i32>} : memref<64x128xf32, #tpu.memory_space<vmem>>, vector<1x16xf32>,
          %swap3A_394 = vector.shape_cast %swap3A_393 : vector<1x16xf32> to vector<16xf32>
          %swap3A_395 = vector.shape_cast %mul3A_390 : vector<16xf32> to vector<1x16xf32>
          tpu.vector_store %arg10[%swap3A_391, %swap3A_392], %swap3A_395 {strides = array<i32>} : memref<64x128xf32, #tpu.memory_space<vmem>>, vector<1x16xf32>,
          %get3A_396 = arith.index_cast %scan3A_349 : i32 to index
          %get3A_397 = arith.constant 64 : index
          %get3A_398 = tpu.vector_load %arg10[%get3A_396, %get3A_397] {strides = array<i32>} : memref<64x128xf32, #tpu.memory_space<vmem>>, vector<1x16xf32>,
          %get3A_399 = vector.shape_cast %get3A_398 : vector<1x16xf32> to vector<16xf32>
          %mul3A_400 = arith.constant 11.3137083 : f32
          %mul3A_401 = vector.broadcast %mul3A_400 : f32 to vector<16xf32>
          %mul3A_402 = arith.mulf %get3A_399, %mul3A_401 : vector<16xf32>
          %swap3A_403 = arith.index_cast %scan3A_349 : i32 to index
          %swap3A_404 = arith.constant 64 : index
          %swap3A_405 = tpu.vector_load %arg10[%swap3A_403, %swap3A_404] {strides = array<i32>} : memref<64x128xf32, #tpu.memory_space<vmem>>, vector<1x16xf32>,
          %swap3A_406 = vector.shape_cast %swap3A_405 : vector<1x16xf32> to vector<16xf32>
          %swap3A_407 = vector.shape_cast %mul3A_402 : vector<16xf32> to vector<1x16xf32>
          tpu.vector_store %arg10[%swap3A_403, %swap3A_404], %swap3A_407 {strides = array<i32>} : memref<64x128xf32, #tpu.memory_space<vmem>>, vector<1x16xf32>,
          %get3A_408 = arith.index_cast %scan3A_349 : i32 to index
          %get3A_409 = arith.constant 80 : index
          %get3A_410 = tpu.vector_load %arg10[%get3A_408, %get3A_409] {strides = array<i32>} : memref<64x128xf32, #tpu.memory_space<vmem>>, vector<1x16xf32>,
          %get3A_411 = vector.shape_cast %get3A_410 : vector<1x16xf32> to vector<16xf32>
          %mul3A_412 = arith.constant 11.3137083 : f32
          %mul3A_413 = vector.broadcast %mul3A_412 : f32 to vector<16xf32>
          %mul3A_414 = arith.mulf %get3A_411, %mul3A_413 : vector<16xf32>
          %swap3A_415 = arith.index_cast %scan3A_349 : i32 to index
          %swap3A_416 = arith.constant 80 : index
          %swap3A_417 = tpu.vector_load %arg10[%swap3A_415, %swap3A_416] {strides = array<i32>} : memref<64x128xf32, #tpu.memory_space<vmem>>, vector<1x16xf32>,
          %swap3A_418 = vector.shape_cast %swap3A_417 : vector<1x16xf32> to vector<16xf32>
          %swap3A_419 = vector.shape_cast %mul3A_414 : vector<16xf32> to vector<1x16xf32>
          tpu.vector_store %arg10[%swap3A_415, %swap3A_416], %swap3A_419 {strides = array<i32>} : memref<64x128xf32, #tpu.memory_space<vmem>>, vector<1x16xf32>,
          %get3A_420 = arith.index_cast %scan3A_349 : i32 to index
          %get3A_421 = arith.constant 96 : index
          %get3A_422 = tpu.vector_load %arg10[%get3A_420, %get3A_421] {strides = array<i32>} : memref<64x128xf32, #tpu.memory_space<vmem>>, vector<1x16xf32>,
          %get3A_423 = vector.shape_cast %get3A_422 : vector<1x16xf32> to vector<16xf32>
          %mul3A_424 = arith.constant 11.3137083 : f32
          %mul3A_425 = vector.broadcast %mul3A_424 : f32 to vector<16xf32>
          %mul3A_426 = arith.mulf %get3A_423, %mul3A_425 : vector<16xf32>
          %swap3A_427 = arith.index_cast %scan3A_349 : i32 to index
          %swap3A_428 = arith.constant 96 : index
          %swap3A_429 = tpu.vector_load %arg10[%swap3A_427, %swap3A_428] {strides = array<i32>} : memref<64x128xf32, #tpu.memory_space<vmem>>, vector<1x16xf32>,
          %swap3A_430 = vector.shape_cast %swap3A_429 : vector<1x16xf32> to vector<16xf32>
          %swap3A_431 = vector.shape_cast %mul3A_426 : vector<16xf32> to vector<1x16xf32>
          tpu.vector_store %arg10[%swap3A_427, %swap3A_428], %swap3A_431 {strides = array<i32>} : memref<64x128xf32, #tpu.memory_space<vmem>>, vector<1x16xf32>,
          %get3A_432 = arith.index_cast %scan3A_349 : i32 to index
          %get3A_433 = arith.constant 112 : index
          %get3A_434 = tpu.vector_load %arg10[%get3A_432, %get3A_433] {strides = array<i32>} : memref<64x128xf32, #tpu.memory_space<vmem>>, vector<1x16xf32>,
          %get3A_435 = vector.shape_cast %get3A_434 : vector<1x16xf32> to vector<16xf32>
          %mul3A_436 = arith.constant 11.3137083 : f32
          %mul3A_437 = vector.broadcast %mul3A_436 : f32 to vector<16xf32>
          %mul3A_438 = arith.mulf %get3A_435, %mul3A_437 : vector<16xf32>
          %swap3A_439 = arith.index_cast %scan3A_349 : i32 to index
          %swap3A_440 = arith.constant 112 : index
          %swap3A_441 = tpu.vector_load %arg10[%swap3A_439, %swap3A_440] {strides = array<i32>} : memref<64x128xf32, #tpu.memory_space<vmem>>, vector<1x16xf32>,
          %swap3A_442 = vector.shape_cast %swap3A_441 : vector<1x16xf32> to vector<16xf32>
          %swap3A_443 = vector.shape_cast %mul3A_438 : vector<16xf32> to vector<1x16xf32>
          tpu.vector_store %arg10[%swap3A_439, %swap3A_440], %swap3A_443 {strides = array<i32>} : memref<64x128xf32, #tpu.memory_space<vmem>>, vector<1x16xf32>,
        }
        %scan3A_339 = arith.constant 64 : i32
        %sub3A_340 = arith.constant 4 : i32
        %sub3A_341 = arith.subi %add3A_120, %sub3A_340 : i32
        %mul3A_342 = arith.constant 64 : i32
        %mul3A_343 = arith.muli %sub3A_341, %mul3A_342 : i32
        %add3A_344 = arith.addi %mul3A_2, %mul3A_343 : i32
        %dma_start3A_345 = arith.constant 0 : i32
        %dma_start3A_346 = tpu.memref_slice %arg4[%add3A_344, %dma_start3A_345] : memref<819200x128xf32, #tpu.memory_space<hbm>> -> memref<64x128xf32, #tpu.memory_space<hbm>>
        %dma_start3A_347 = arith.constant 0 : i32
        %dma_start3A_348 = tpu.memref_slice %arg4[%add3A_344, %dma_start3A_347] : memref<819200x128xf32, #tpu.memory_space<hbm>> -> memref<64x128xf32, #tpu.memory_space<hbm>>
        tpu.enqueue_dma source(%arg10 : memref<64x128xf32, #tpu.memory_space<vmem>>) target(%dma_start3A_348 : memref<64x128xf32, #tpu.memory_space<hbm>>) target_semaphore(%arg26 : memref<!tpu.dma_semaphore, #tpu.memory_space<semaphore_mem>>)
      } else {
      }
      %add3A_134 = arith.constant 1 : i32
      %add3A_135 = arith.addi %mul3A_118, %add3A_134 : i32
      %gt3A_136 = arith.constant 0 : i32
      %gt3A_137 = arith.cmpi sgt, %scan3A_116, %gt3A_136 : i32
      %convert_element_type3A_138 = arith.extui %gt3A_137 : i1 to i32
      %cond3A_139 = arith.constant 0 : i32
      %cond3A_140 = arith.cmpi ne, %convert_element_type3A_138, %cond3A_139 : i32
      scf.if %cond3A_140 {
        %dma_wait3A_327 = arith.constant 0 : i32
        %dma_wait3A_328 = tpu.memref_slice %arg4[%mul3A_2, %dma_wait3A_327] : memref<819200x128xf32, #tpu.memory_space<hbm>> -> memref<64x128xf32, #tpu.memory_space<hbm>>
        %dma_wait3A_329 = arith.constant 0 : i32
        %dma_wait3A_330 = tpu.memref_slice %arg4[%mul3A_2, %dma_wait3A_329] : memref<819200x128xf32, #tpu.memory_space<hbm>> -> memref<64x128xf32, #tpu.memory_space<hbm>>
        tpu.wait_dma2 semaphore(%arg23 : memref<!tpu.dma_semaphore, #tpu.memory_space<semaphore_mem>>) src(%arg7 : memref<64x128xf32, #tpu.memory_space<vmem>>) dst(%dma_wait3A_330 : memref<64x128xf32, #tpu.memory_space<hbm>>)
      } else {
      }
      %dma_start3A_141 = arith.constant 0 : i32
      %dma_start3A_142 = tpu.memref_slice %arg5[%add3A_135, %dma_start3A_141] : memref<400x64xi32, #tpu.memory_space<vmem>> -> memref<1x64xi32, #tpu.memory_space<vmem>>
      %dma_start3A_143 = tpu.memref_squeeze %dma_start3A_142 : memref<1x64xi32, #tpu.memory_space<vmem>> -> memref<64xi32, #tpu.memory_space<vmem>>
      %dma_start3A_144 = arith.constant 0 : i32
      %dma_start3A_145 = arith.constant 0 : i32
      %dma_start3A_146 = tpu.memref_slice %arg3[%dma_start3A_144, %dma_start3A_145] : memref<100000x128xf32, #tpu.memory_space<hbm>> -> memref<100000x128xf32, #tpu.memory_space<hbm>>
      tpu.enqueue_indirect_dma source(%dma_start3A_146 : memref<100000x128xf32, #tpu.memory_space<hbm>>) target(%arg7 : memref<64x128xf32, #tpu.memory_space<vmem>>) offsets(%dma_start3A_143 : memref<64xi32, #tpu.memory_space<vmem>>) semaphore(%arg15 : memref<!tpu.dma_semaphore, #tpu.memory_space<semaphore_mem>>)
      %gt3A_147 = arith.constant 0 : i32
      %gt3A_148 = arith.cmpi sgt, %scan3A_116, %gt3A_147 : i32
      %convert_element_type3A_149 = arith.extui %gt3A_148 : i1 to i32
      %cond3A_150 = arith.constant 0 : i32
      %cond3A_151 = arith.cmpi ne, %convert_element_type3A_149, %cond3A_150 : i32
      scf.if %cond3A_151 {
        %dma_wait3A_327 = arith.constant 0 : i32
        %dma_wait3A_328 = arith.constant 0 : i32
        %dma_wait3A_329 = tpu.memref_slice %arg5[%dma_wait3A_327, %dma_wait3A_328] : memref<400x64xi32, #tpu.memory_space<vmem>> -> memref<1x64xi32, #tpu.memory_space<vmem>>
        %dma_wait3A_330 = tpu.memref_squeeze %dma_wait3A_329 : memref<1x64xi32, #tpu.memory_space<vmem>> -> memref<64xi32, #tpu.memory_space<vmem>>
        %dma_wait3A_331 = arith.constant 0 : i32
        %dma_wait3A_332 = arith.constant 0 : i32
        %dma_wait3A_333 = tpu.memref_slice %arg3[%dma_wait3A_331, %dma_wait3A_332] : memref<100000x128xf32, #tpu.memory_space<hbm>> -> memref<100000x128xf32, #tpu.memory_space<hbm>>
        tpu.wait_indirect_dma semaphore(%arg19 : memref<!tpu.dma_semaphore, #tpu.memory_space<semaphore_mem>>) src(%dma_wait3A_333 : memref<100000x128xf32, #tpu.memory_space<hbm>>) dst(%arg11 : memref<64x128xf32, #tpu.memory_space<vmem>>)
        %scan3A_334 = arith.constant 0 : i32
        %scan3A_335 = arith.constant 0 : i32
        %scan3A_336 = arith.constant 64 : i32
        %scan3A_337 = arith.addi %scan3A_335, %scan3A_336 : i32
        %scan3A_338 = arith.constant 1 : i32
        scf.for %scan3A_349 = %scan3A_335 to %scan3A_337 step %scan3A_338  : i32 {
          %get3A = arith.index_cast %scan3A_349 : i32 to index
          %get3A_350 = arith.constant 0 : index
          %get3A_351 = tpu.vector_load %arg11[%get3A, %get3A_350] {strides = array<i32>} : memref<64x128xf32, #tpu.memory_space<vmem>>, vector<1x16xf32>,
          %get3A_352 = vector.shape_cast %get3A_351 : vector<1x16xf32> to vector<16xf32>
          %mul3A_353 = arith.constant 11.3137083 : f32
          %mul3A_354 = vector.broadcast %mul3A_353 : f32 to vector<16xf32>
          %mul3A_355 = arith.mulf %get3A_352, %mul3A_354 : vector<16xf32>
          %swap3A = arith.index_cast %scan3A_349 : i32 to index
          %swap3A_356 = arith.constant 0 : index
          %swap3A_357 = tpu.vector_load %arg11[%swap3A, %swap3A_356] {strides = array<i32>} : memref<64x128xf32, #tpu.memory_space<vmem>>, vector<1x16xf32>,
          %swap3A_358 = vector.shape_cast %swap3A_357 : vector<1x16xf32> to vector<16xf32>
          %swap3A_359 = vector.shape_cast %mul3A_355 : vector<16xf32> to vector<1x16xf32>
          tpu.vector_store %arg11[%swap3A, %swap3A_356], %swap3A_359 {strides = array<i32>} : memref<64x128xf32, #tpu.memory_space<vmem>>, vector<1x16xf32>,
          %get3A_360 = arith.index_cast %scan3A_349 : i32 to index
          %get3A_361 = arith.constant 16 : index
          %get3A_362 = tpu.vector_load %arg11[%get3A_360, %get3A_361] {strides = array<i32>} : memref<64x128xf32, #tpu.memory_space<vmem>>, vector<1x16xf32>,
          %get3A_363 = vector.shape_cast %get3A_362 : vector<1x16xf32> to vector<16xf32>
          %mul3A_364 = arith.constant 11.3137083 : f32
          %mul3A_365 = vector.broadcast %mul3A_364 : f32 to vector<16xf32>
          %mul3A_366 = arith.mulf %get3A_363, %mul3A_365 : vector<16xf32>
          %swap3A_367 = arith.index_cast %scan3A_349 : i32 to index
          %swap3A_368 = arith.constant 16 : index
          %swap3A_369 = tpu.vector_load %arg11[%swap3A_367, %swap3A_368] {strides = array<i32>} : memref<64x128xf32, #tpu.memory_space<vmem>>, vector<1x16xf32>,
          %swap3A_370 = vector.shape_cast %swap3A_369 : vector<1x16xf32> to vector<16xf32>
          %swap3A_371 = vector.shape_cast %mul3A_366 : vector<16xf32> to vector<1x16xf32>
          tpu.vector_store %arg11[%swap3A_367, %swap3A_368], %swap3A_371 {strides = array<i32>} : memref<64x128xf32, #tpu.memory_space<vmem>>, vector<1x16xf32>,
          %get3A_372 = arith.index_cast %scan3A_349 : i32 to index
          %get3A_373 = arith.constant 32 : index
          %get3A_374 = tpu.vector_load %arg11[%get3A_372, %get3A_373] {strides = array<i32>} : memref<64x128xf32, #tpu.memory_space<vmem>>, vector<1x16xf32>,
          %get3A_375 = vector.shape_cast %get3A_374 : vector<1x16xf32> to vector<16xf32>
          %mul3A_376 = arith.constant 11.3137083 : f32
          %mul3A_377 = vector.broadcast %mul3A_376 : f32 to vector<16xf32>
          %mul3A_378 = arith.mulf %get3A_375, %mul3A_377 : vector<16xf32>
          %swap3A_379 = arith.index_cast %scan3A_349 : i32 to index
          %swap3A_380 = arith.constant 32 : index
          %swap3A_381 = tpu.vector_load %arg11[%swap3A_379, %swap3A_380] {strides = array<i32>} : memref<64x128xf32, #tpu.memory_space<vmem>>, vector<1x16xf32>,
          %swap3A_382 = vector.shape_cast %swap3A_381 : vector<1x16xf32> to vector<16xf32>
          %swap3A_383 = vector.shape_cast %mul3A_378 : vector<16xf32> to vector<1x16xf32>
          tpu.vector_store %arg11[%swap3A_379, %swap3A_380], %swap3A_383 {strides = array<i32>} : memref<64x128xf32, #tpu.memory_space<vmem>>, vector<1x16xf32>,
          %get3A_384 = arith.index_cast %scan3A_349 : i32 to index
          %get3A_385 = arith.constant 48 : index
          %get3A_386 = tpu.vector_load %arg11[%get3A_384, %get3A_385] {strides = array<i32>} : memref<64x128xf32, #tpu.memory_space<vmem>>, vector<1x16xf32>,
          %get3A_387 = vector.shape_cast %get3A_386 : vector<1x16xf32> to vector<16xf32>
          %mul3A_388 = arith.constant 11.3137083 : f32
          %mul3A_389 = vector.broadcast %mul3A_388 : f32 to vector<16xf32>
          %mul3A_390 = arith.mulf %get3A_387, %mul3A_389 : vector<16xf32>
          %swap3A_391 = arith.index_cast %scan3A_349 : i32 to index
          %swap3A_392 = arith.constant 48 : index
          %swap3A_393 = tpu.vector_load %arg11[%swap3A_391, %swap3A_392] {strides = array<i32>} : memref<64x128xf32, #tpu.memory_space<vmem>>, vector<1x16xf32>,
          %swap3A_394 = vector.shape_cast %swap3A_393 : vector<1x16xf32> to vector<16xf32>
          %swap3A_395 = vector.shape_cast %mul3A_390 : vector<16xf32> to vector<1x16xf32>
          tpu.vector_store %arg11[%swap3A_391, %swap3A_392], %swap3A_395 {strides = array<i32>} : memref<64x128xf32, #tpu.memory_space<vmem>>, vector<1x16xf32>,
          %get3A_396 = arith.index_cast %scan3A_349 : i32 to index
          %get3A_397 = arith.constant 64 : index
          %get3A_398 = tpu.vector_load %arg11[%get3A_396, %get3A_397] {strides = array<i32>} : memref<64x128xf32, #tpu.memory_space<vmem>>, vector<1x16xf32>,
          %get3A_399 = vector.shape_cast %get3A_398 : vector<1x16xf32> to vector<16xf32>
          %mul3A_400 = arith.constant 11.3137083 : f32
          %mul3A_401 = vector.broadcast %mul3A_400 : f32 to vector<16xf32>
          %mul3A_402 = arith.mulf %get3A_399, %mul3A_401 : vector<16xf32>
          %swap3A_403 = arith.index_cast %scan3A_349 : i32 to index
          %swap3A_404 = arith.constant 64 : index
          %swap3A_405 = tpu.vector_load %arg11[%swap3A_403, %swap3A_404] {strides = array<i32>} : memref<64x128xf32, #tpu.memory_space<vmem>>, vector<1x16xf32>,
          %swap3A_406 = vector.shape_cast %swap3A_405 : vector<1x16xf32> to vector<16xf32>
          %swap3A_407 = vector.shape_cast %mul3A_402 : vector<16xf32> to vector<1x16xf32>
          tpu.vector_store %arg11[%swap3A_403, %swap3A_404], %swap3A_407 {strides = array<i32>} : memref<64x128xf32, #tpu.memory_space<vmem>>, vector<1x16xf32>,
          %get3A_408 = arith.index_cast %scan3A_349 : i32 to index
          %get3A_409 = arith.constant 80 : index
          %get3A_410 = tpu.vector_load %arg11[%get3A_408, %get3A_409] {strides = array<i32>} : memref<64x128xf32, #tpu.memory_space<vmem>>, vector<1x16xf32>,
          %get3A_411 = vector.shape_cast %get3A_410 : vector<1x16xf32> to vector<16xf32>
          %mul3A_412 = arith.constant 11.3137083 : f32
          %mul3A_413 = vector.broadcast %mul3A_412 : f32 to vector<16xf32>
          %mul3A_414 = arith.mulf %get3A_411, %mul3A_413 : vector<16xf32>
          %swap3A_415 = arith.index_cast %scan3A_349 : i32 to index
          %swap3A_416 = arith.constant 80 : index
          %swap3A_417 = tpu.vector_load %arg11[%swap3A_415, %swap3A_416] {strides = array<i32>} : memref<64x128xf32, #tpu.memory_space<vmem>>, vector<1x16xf32>,
          %swap3A_418 = vector.shape_cast %swap3A_417 : vector<1x16xf32> to vector<16xf32>
          %swap3A_419 = vector.shape_cast %mul3A_414 : vector<16xf32> to vector<1x16xf32>
          tpu.vector_store %arg11[%swap3A_415, %swap3A_416], %swap3A_419 {strides = array<i32>} : memref<64x128xf32, #tpu.memory_space<vmem>>, vector<1x16xf32>,
          %get3A_420 = arith.index_cast %scan3A_349 : i32 to index
          %get3A_421 = arith.constant 96 : index
          %get3A_422 = tpu.vector_load %arg11[%get3A_420, %get3A_421] {strides = array<i32>} : memref<64x128xf32, #tpu.memory_space<vmem>>, vector<1x16xf32>,
          %get3A_423 = vector.shape_cast %get3A_422 : vector<1x16xf32> to vector<16xf32>
          %mul3A_424 = arith.constant 11.3137083 : f32
          %mul3A_425 = vector.broadcast %mul3A_424 : f32 to vector<16xf32>
          %mul3A_426 = arith.mulf %get3A_423, %mul3A_425 : vector<16xf32>
          %swap3A_427 = arith.index_cast %scan3A_349 : i32 to index
          %swap3A_428 = arith.constant 96 : index
          %swap3A_429 = tpu.vector_load %arg11[%swap3A_427, %swap3A_428] {strides = array<i32>} : memref<64x128xf32, #tpu.memory_space<vmem>>, vector<1x16xf32>,
          %swap3A_430 = vector.shape_cast %swap3A_429 : vector<1x16xf32> to vector<16xf32>
          %swap3A_431 = vector.shape_cast %mul3A_426 : vector<16xf32> to vector<1x16xf32>
          tpu.vector_store %arg11[%swap3A_427, %swap3A_428], %swap3A_431 {strides = array<i32>} : memref<64x128xf32, #tpu.memory_space<vmem>>, vector<1x16xf32>,
          %get3A_432 = arith.index_cast %scan3A_349 : i32 to index
          %get3A_433 = arith.constant 112 : index
          %get3A_434 = tpu.vector_load %arg11[%get3A_432, %get3A_433] {strides = array<i32>} : memref<64x128xf32, #tpu.memory_space<vmem>>, vector<1x16xf32>,
          %get3A_435 = vector.shape_cast %get3A_434 : vector<1x16xf32> to vector<16xf32>
          %mul3A_436 = arith.constant 11.3137083 : f32
          %mul3A_437 = vector.broadcast %mul3A_436 : f32 to vector<16xf32>
          %mul3A_438 = arith.mulf %get3A_435, %mul3A_437 : vector<16xf32>
          %swap3A_439 = arith.index_cast %scan3A_349 : i32 to index
          %swap3A_440 = arith.constant 112 : index
          %swap3A_441 = tpu.vector_load %arg11[%swap3A_439, %swap3A_440] {strides = array<i32>} : memref<64x128xf32, #tpu.memory_space<vmem>>, vector<1x16xf32>,
          %swap3A_442 = vector.shape_cast %swap3A_441 : vector<1x16xf32> to vector<16xf32>
          %swap3A_443 = vector.shape_cast %mul3A_438 : vector<16xf32> to vector<1x16xf32>
          tpu.vector_store %arg11[%swap3A_439, %swap3A_440], %swap3A_443 {strides = array<i32>} : memref<64x128xf32, #tpu.memory_space<vmem>>, vector<1x16xf32>,
        }
        %scan3A_339 = arith.constant 64 : i32
        %sub3A_340 = arith.constant 4 : i32
        %sub3A_341 = arith.subi %add3A_135, %sub3A_340 : i32
        %mul3A_342 = arith.constant 64 : i32
        %mul3A_343 = arith.muli %sub3A_341, %mul3A_342 : i32
        %add3A_344 = arith.addi %mul3A_2, %mul3A_343 : i32
        %dma_start3A_345 = arith.constant 0 : i32
        %dma_start3A_346 = tpu.memref_slice %arg4[%add3A_344, %dma_start3A_345] : memref<819200x128xf32, #tpu.memory_space<hbm>> -> memref<64x128xf32, #tpu.memory_space<hbm>>
        %dma_start3A_347 = arith.constant 0 : i32
        %dma_start3A_348 = tpu.memref_slice %arg4[%add3A_344, %dma_start3A_347] : memref<819200x128xf32, #tpu.memory_space<hbm>> -> memref<64x128xf32, #tpu.memory_space<hbm>>
        tpu.enqueue_dma source(%arg11 : memref<64x128xf32, #tpu.memory_space<vmem>>) target(%dma_start3A_348 : memref<64x128xf32, #tpu.memory_space<hbm>>) target_semaphore(%arg27 : memref<!tpu.dma_semaphore, #tpu.memory_space<semaphore_mem>>)
      } else {
      }
      %add3A_152 = arith.constant 2 : i32
      %add3A_153 = arith.addi %mul3A_118, %add3A_152 : i32
      %gt3A_154 = arith.constant 0 : i32
      %gt3A_155 = arith.cmpi sgt, %scan3A_116, %gt3A_154 : i32
      %convert_element_type3A_156 = arith.extui %gt3A_155 : i1 to i32
      %cond3A_157 = arith.constant 0 : i32
      %cond3A_158 = arith.cmpi ne, %convert_element_type3A_156, %cond3A_157 : i32
      scf.if %cond3A_158 {
        %dma_wait3A_327 = arith.constant 0 : i32
        %dma_wait3A_328 = tpu.memref_slice %arg4[%mul3A_2, %dma_wait3A_327] : memref<819200x128xf32, #tpu.memory_space<hbm>> -> memref<64x128xf32, #tpu.memory_space<hbm>>
        %dma_wait3A_329 = arith.constant 0 : i32
        %dma_wait3A_330 = tpu.memref_slice %arg4[%mul3A_2, %dma_wait3A_329] : memref<819200x128xf32, #tpu.memory_space<hbm>> -> memref<64x128xf32, #tpu.memory_space<hbm>>
        tpu.wait_dma2 semaphore(%arg24 : memref<!tpu.dma_semaphore, #tpu.memory_space<semaphore_mem>>) src(%arg8 : memref<64x128xf32, #tpu.memory_space<vmem>>) dst(%dma_wait3A_330 : memref<64x128xf32, #tpu.memory_space<hbm>>)
      } else {
      }
      %dma_start3A_159 = arith.constant 0 : i32
      %dma_start3A_160 = tpu.memref_slice %arg5[%add3A_153, %dma_start3A_159] : memref<400x64xi32, #tpu.memory_space<vmem>> -> memref<1x64xi32, #tpu.memory_space<vmem>>
      %dma_start3A_161 = tpu.memref_squeeze %dma_start3A_160 : memref<1x64xi32, #tpu.memory_space<vmem>> -> memref<64xi32, #tpu.memory_space<vmem>>
      %dma_start3A_162 = arith.constant 0 : i32
      %dma_start3A_163 = arith.constant 0 : i32
      %dma_start3A_164 = tpu.memref_slice %arg3[%dma_start3A_162, %dma_start3A_163] : memref<100000x128xf32, #tpu.memory_space<hbm>> -> memref<100000x128xf32, #tpu.memory_space<hbm>>
      tpu.enqueue_indirect_dma source(%dma_start3A_164 : memref<100000x128xf32, #tpu.memory_space<hbm>>) target(%arg8 : memref<64x128xf32, #tpu.memory_space<vmem>>) offsets(%dma_start3A_161 : memref<64xi32, #tpu.memory_space<vmem>>) semaphore(%arg16 : memref<!tpu.dma_semaphore, #tpu.memory_space<semaphore_mem>>)
      %gt3A_165 = arith.constant 0 : i32
      %gt3A_166 = arith.cmpi sgt, %scan3A_116, %gt3A_165 : i32
      %convert_element_type3A_167 = arith.extui %gt3A_166 : i1 to i32
      %cond3A_168 = arith.constant 0 : i32
      %cond3A_169 = arith.cmpi ne, %convert_element_type3A_167, %cond3A_168 : i32
      scf.if %cond3A_169 {
        %dma_wait3A_327 = arith.constant 0 : i32
        %dma_wait3A_328 = arith.constant 0 : i32
        %dma_wait3A_329 = tpu.memref_slice %arg5[%dma_wait3A_327, %dma_wait3A_328] : memref<400x64xi32, #tpu.memory_space<vmem>> -> memref<1x64xi32, #tpu.memory_space<vmem>>
        %dma_wait3A_330 = tpu.memref_squeeze %dma_wait3A_329 : memref<1x64xi32, #tpu.memory_space<vmem>> -> memref<64xi32, #tpu.memory_space<vmem>>
        %dma_wait3A_331 = arith.constant 0 : i32
        %dma_wait3A_332 = arith.constant 0 : i32
        %dma_wait3A_333 = tpu.memref_slice %arg3[%dma_wait3A_331, %dma_wait3A_332] : memref<100000x128xf32, #tpu.memory_space<hbm>> -> memref<100000x128xf32, #tpu.memory_space<hbm>>
        tpu.wait_indirect_dma semaphore(%arg20 : memref<!tpu.dma_semaphore, #tpu.memory_space<semaphore_mem>>) src(%dma_wait3A_333 : memref<100000x128xf32, #tpu.memory_space<hbm>>) dst(%arg12 : memref<64x128xf32, #tpu.memory_space<vmem>>)
        %scan3A_334 = arith.constant 0 : i32
        %scan3A_335 = arith.constant 0 : i32
        %scan3A_336 = arith.constant 64 : i32
        %scan3A_337 = arith.addi %scan3A_335, %scan3A_336 : i32
        %scan3A_338 = arith.constant 1 : i32
        scf.for %scan3A_349 = %scan3A_335 to %scan3A_337 step %scan3A_338  : i32 {
          %get3A = arith.index_cast %scan3A_349 : i32 to index
          %get3A_350 = arith.constant 0 : index
          %get3A_351 = tpu.vector_load %arg12[%get3A, %get3A_350] {strides = array<i32>} : memref<64x128xf32, #tpu.memory_space<vmem>>, vector<1x16xf32>,
          %get3A_352 = vector.shape_cast %get3A_351 : vector<1x16xf32> to vector<16xf32>
          %mul3A_353 = arith.constant 11.3137083 : f32
          %mul3A_354 = vector.broadcast %mul3A_353 : f32 to vector<16xf32>
          %mul3A_355 = arith.mulf %get3A_352, %mul3A_354 : vector<16xf32>
          %swap3A = arith.index_cast %scan3A_349 : i32 to index
          %swap3A_356 = arith.constant 0 : index
          %swap3A_357 = tpu.vector_load %arg12[%swap3A, %swap3A_356] {strides = array<i32>} : memref<64x128xf32, #tpu.memory_space<vmem>>, vector<1x16xf32>,
          %swap3A_358 = vector.shape_cast %swap3A_357 : vector<1x16xf32> to vector<16xf32>
          %swap3A_359 = vector.shape_cast %mul3A_355 : vector<16xf32> to vector<1x16xf32>
          tpu.vector_store %arg12[%swap3A, %swap3A_356], %swap3A_359 {strides = array<i32>} : memref<64x128xf32, #tpu.memory_space<vmem>>, vector<1x16xf32>,
          %get3A_360 = arith.index_cast %scan3A_349 : i32 to index
          %get3A_361 = arith.constant 16 : index
          %get3A_362 = tpu.vector_load %arg12[%get3A_360, %get3A_361] {strides = array<i32>} : memref<64x128xf32, #tpu.memory_space<vmem>>, vector<1x16xf32>,
          %get3A_363 = vector.shape_cast %get3A_362 : vector<1x16xf32> to vector<16xf32>
          %mul3A_364 = arith.constant 11.3137083 : f32
          %mul3A_365 = vector.broadcast %mul3A_364 : f32 to vector<16xf32>
          %mul3A_366 = arith.mulf %get3A_363, %mul3A_365 : vector<16xf32>
          %swap3A_367 = arith.index_cast %scan3A_349 : i32 to index
          %swap3A_368 = arith.constant 16 : index
          %swap3A_369 = tpu.vector_load %arg12[%swap3A_367, %swap3A_368] {strides = array<i32>} : memref<64x128xf32, #tpu.memory_space<vmem>>, vector<1x16xf32>,
          %swap3A_370 = vector.shape_cast %swap3A_369 : vector<1x16xf32> to vector<16xf32>
          %swap3A_371 = vector.shape_cast %mul3A_366 : vector<16xf32> to vector<1x16xf32>
          tpu.vector_store %arg12[%swap3A_367, %swap3A_368], %swap3A_371 {strides = array<i32>} : memref<64x128xf32, #tpu.memory_space<vmem>>, vector<1x16xf32>,
          %get3A_372 = arith.index_cast %scan3A_349 : i32 to index
          %get3A_373 = arith.constant 32 : index
          %get3A_374 = tpu.vector_load %arg12[%get3A_372, %get3A_373] {strides = array<i32>} : memref<64x128xf32, #tpu.memory_space<vmem>>, vector<1x16xf32>,
          %get3A_375 = vector.shape_cast %get3A_374 : vector<1x16xf32> to vector<16xf32>
          %mul3A_376 = arith.constant 11.3137083 : f32
          %mul3A_377 = vector.broadcast %mul3A_376 : f32 to vector<16xf32>
          %mul3A_378 = arith.mulf %get3A_375, %mul3A_377 : vector<16xf32>
          %swap3A_379 = arith.index_cast %scan3A_349 : i32 to index
          %swap3A_380 = arith.constant 32 : index
          %swap3A_381 = tpu.vector_load %arg12[%swap3A_379, %swap3A_380] {strides = array<i32>} : memref<64x128xf32, #tpu.memory_space<vmem>>, vector<1x16xf32>,
          %swap3A_382 = vector.shape_cast %swap3A_381 : vector<1x16xf32> to vector<16xf32>
          %swap3A_383 = vector.shape_cast %mul3A_378 : vector<16xf32> to vector<1x16xf32>
          tpu.vector_store %arg12[%swap3A_379, %swap3A_380], %swap3A_383 {strides = array<i32>} : memref<64x128xf32, #tpu.memory_space<vmem>>, vector<1x16xf32>,
          %get3A_384 = arith.index_cast %scan3A_349 : i32 to index
          %get3A_385 = arith.constant 48 : index
          %get3A_386 = tpu.vector_load %arg12[%get3A_384, %get3A_385] {strides = array<i32>} : memref<64x128xf32, #tpu.memory_space<vmem>>, vector<1x16xf32>,
          %get3A_387 = vector.shape_cast %get3A_386 : vector<1x16xf32> to vector<16xf32>
          %mul3A_388 = arith.constant 11.3137083 : f32
          %mul3A_389 = vector.broadcast %mul3A_388 : f32 to vector<16xf32>
          %mul3A_390 = arith.mulf %get3A_387, %mul3A_389 : vector<16xf32>
          %swap3A_391 = arith.index_cast %scan3A_349 : i32 to index
          %swap3A_392 = arith.constant 48 : index
          %swap3A_393 = tpu.vector_load %arg12[%swap3A_391, %swap3A_392] {strides = array<i32>} : memref<64x128xf32, #tpu.memory_space<vmem>>, vector<1x16xf32>,
          %swap3A_394 = vector.shape_cast %swap3A_393 : vector<1x16xf32> to vector<16xf32>
          %swap3A_395 = vector.shape_cast %mul3A_390 : vector<16xf32> to vector<1x16xf32>
          tpu.vector_store %arg12[%swap3A_391, %swap3A_392], %swap3A_395 {strides = array<i32>} : memref<64x128xf32, #tpu.memory_space<vmem>>, vector<1x16xf32>,
          %get3A_396 = arith.index_cast %scan3A_349 : i32 to index
          %get3A_397 = arith.constant 64 : index
          %get3A_398 = tpu.vector_load %arg12[%get3A_396, %get3A_397] {strides = array<i32>} : memref<64x128xf32, #tpu.memory_space<vmem>>, vector<1x16xf32>,
          %get3A_399 = vector.shape_cast %get3A_398 : vector<1x16xf32> to vector<16xf32>
          %mul3A_400 = arith.constant 11.3137083 : f32
          %mul3A_401 = vector.broadcast %mul3A_400 : f32 to vector<16xf32>
          %mul3A_402 = arith.mulf %get3A_399, %mul3A_401 : vector<16xf32>
          %swap3A_403 = arith.index_cast %scan3A_349 : i32 to index
          %swap3A_404 = arith.constant 64 : index
          %swap3A_405 = tpu.vector_load %arg12[%swap3A_403, %swap3A_404] {strides = array<i32>} : memref<64x128xf32, #tpu.memory_space<vmem>>, vector<1x16xf32>,
          %swap3A_406 = vector.shape_cast %swap3A_405 : vector<1x16xf32> to vector<16xf32>
          %swap3A_407 = vector.shape_cast %mul3A_402 : vector<16xf32> to vector<1x16xf32>
          tpu.vector_store %arg12[%swap3A_403, %swap3A_404], %swap3A_407 {strides = array<i32>} : memref<64x128xf32, #tpu.memory_space<vmem>>, vector<1x16xf32>,
          %get3A_408 = arith.index_cast %scan3A_349 : i32 to index
          %get3A_409 = arith.constant 80 : index
          %get3A_410 = tpu.vector_load %arg12[%get3A_408, %get3A_409] {strides = array<i32>} : memref<64x128xf32, #tpu.memory_space<vmem>>, vector<1x16xf32>,
          %get3A_411 = vector.shape_cast %get3A_410 : vector<1x16xf32> to vector<16xf32>
          %mul3A_412 = arith.constant 11.3137083 : f32
          %mul3A_413 = vector.broadcast %mul3A_412 : f32 to vector<16xf32>
          %mul3A_414 = arith.mulf %get3A_411, %mul3A_413 : vector<16xf32>
          %swap3A_415 = arith.index_cast %scan3A_349 : i32 to index
          %swap3A_416 = arith.constant 80 : index
          %swap3A_417 = tpu.vector_load %arg12[%swap3A_415, %swap3A_416] {strides = array<i32>} : memref<64x128xf32, #tpu.memory_space<vmem>>, vector<1x16xf32>,
          %swap3A_418 = vector.shape_cast %swap3A_417 : vector<1x16xf32> to vector<16xf32>
          %swap3A_419 = vector.shape_cast %mul3A_414 : vector<16xf32> to vector<1x16xf32>
          tpu.vector_store %arg12[%swap3A_415, %swap3A_416], %swap3A_419 {strides = array<i32>} : memref<64x128xf32, #tpu.memory_space<vmem>>, vector<1x16xf32>,
          %get3A_420 = arith.index_cast %scan3A_349 : i32 to index
          %get3A_421 = arith.constant 96 : index
          %get3A_422 = tpu.vector_load %arg12[%get3A_420, %get3A_421] {strides = array<i32>} : memref<64x128xf32, #tpu.memory_space<vmem>>, vector<1x16xf32>,
          %get3A_423 = vector.shape_cast %get3A_422 : vector<1x16xf32> to vector<16xf32>
          %mul3A_424 = arith.constant 11.3137083 : f32
          %mul3A_425 = vector.broadcast %mul3A_424 : f32 to vector<16xf32>
          %mul3A_426 = arith.mulf %get3A_423, %mul3A_425 : vector<16xf32>
          %swap3A_427 = arith.index_cast %scan3A_349 : i32 to index
          %swap3A_428 = arith.constant 96 : index
          %swap3A_429 = tpu.vector_load %arg12[%swap3A_427, %swap3A_428] {strides = array<i32>} : memref<64x128xf32, #tpu.memory_space<vmem>>, vector<1x16xf32>,
          %swap3A_430 = vector.shape_cast %swap3A_429 : vector<1x16xf32> to vector<16xf32>
          %swap3A_431 = vector.shape_cast %mul3A_426 : vector<16xf32> to vector<1x16xf32>
          tpu.vector_store %arg12[%swap3A_427, %swap3A_428], %swap3A_431 {strides = array<i32>} : memref<64x128xf32, #tpu.memory_space<vmem>>, vector<1x16xf32>,
          %get3A_432 = arith.index_cast %scan3A_349 : i32 to index
          %get3A_433 = arith.constant 112 : index
          %get3A_434 = tpu.vector_load %arg12[%get3A_432, %get3A_433] {strides = array<i32>} : memref<64x128xf32, #tpu.memory_space<vmem>>, vector<1x16xf32>,
          %get3A_435 = vector.shape_cast %get3A_434 : vector<1x16xf32> to vector<16xf32>
          %mul3A_436 = arith.constant 11.3137083 : f32
          %mul3A_437 = vector.broadcast %mul3A_436 : f32 to vector<16xf32>
          %mul3A_438 = arith.mulf %get3A_435, %mul3A_437 : vector<16xf32>
          %swap3A_439 = arith.index_cast %scan3A_349 : i32 to index
          %swap3A_440 = arith.constant 112 : index
          %swap3A_441 = tpu.vector_load %arg12[%swap3A_439, %swap3A_440] {strides = array<i32>} : memref<64x128xf32, #tpu.memory_space<vmem>>, vector<1x16xf32>,
          %swap3A_442 = vector.shape_cast %swap3A_441 : vector<1x16xf32> to vector<16xf32>
          %swap3A_443 = vector.shape_cast %mul3A_438 : vector<16xf32> to vector<1x16xf32>
          tpu.vector_store %arg12[%swap3A_439, %swap3A_440], %swap3A_443 {strides = array<i32>} : memref<64x128xf32, #tpu.memory_space<vmem>>, vector<1x16xf32>,
        }
        %scan3A_339 = arith.constant 64 : i32
        %sub3A_340 = arith.constant 4 : i32
        %sub3A_341 = arith.subi %add3A_153, %sub3A_340 : i32
        %mul3A_342 = arith.constant 64 : i32
        %mul3A_343 = arith.muli %sub3A_341, %mul3A_342 : i32
        %add3A_344 = arith.addi %mul3A_2, %mul3A_343 : i32
        %dma_start3A_345 = arith.constant 0 : i32
        %dma_start3A_346 = tpu.memref_slice %arg4[%add3A_344, %dma_start3A_345] : memref<819200x128xf32, #tpu.memory_space<hbm>> -> memref<64x128xf32, #tpu.memory_space<hbm>>
        %dma_start3A_347 = arith.constant 0 : i32
        %dma_start3A_348 = tpu.memref_slice %arg4[%add3A_344, %dma_start3A_347] : memref<819200x128xf32, #tpu.memory_space<hbm>> -> memref<64x128xf32, #tpu.memory_space<hbm>>
        tpu.enqueue_dma source(%arg12 : memref<64x128xf32, #tpu.memory_space<vmem>>) target(%dma_start3A_348 : memref<64x128xf32, #tpu.memory_space<hbm>>) target_semaphore(%arg28 : memref<!tpu.dma_semaphore, #tpu.memory_space<semaphore_mem>>)
      } else {
      }
      %add3A_170 = arith.constant 3 : i32
      %add3A_171 = arith.addi %mul3A_118, %add3A_170 : i32
      %gt3A_172 = arith.constant 0 : i32
      %gt3A_173 = arith.cmpi sgt, %scan3A_116, %gt3A_172 : i32
      %convert_element_type3A_174 = arith.extui %gt3A_173 : i1 to i32
      %cond3A_175 = arith.constant 0 : i32
      %cond3A_176 = arith.cmpi ne, %convert_element_type3A_174, %cond3A_175 : i32
      scf.if %cond3A_176 {
        %dma_wait3A_327 = arith.constant 0 : i32
        %dma_wait3A_328 = tpu.memref_slice %arg4[%mul3A_2, %dma_wait3A_327] : memref<819200x128xf32, #tpu.memory_space<hbm>> -> memref<64x128xf32, #tpu.memory_space<hbm>>
        %dma_wait3A_329 = arith.constant 0 : i32
        %dma_wait3A_330 = tpu.memref_slice %arg4[%mul3A_2, %dma_wait3A_329] : memref<819200x128xf32, #tpu.memory_space<hbm>> -> memref<64x128xf32, #tpu.memory_space<hbm>>
        tpu.wait_dma2 semaphore(%arg25 : memref<!tpu.dma_semaphore, #tpu.memory_space<semaphore_mem>>) src(%arg9 : memref<64x128xf32, #tpu.memory_space<vmem>>) dst(%dma_wait3A_330 : memref<64x128xf32, #tpu.memory_space<hbm>>)
      } else {
      }
      %dma_start3A_177 = arith.constant 0 : i32
      %dma_start3A_178 = tpu.memref_slice %arg5[%add3A_171, %dma_start3A_177] : memref<400x64xi32, #tpu.memory_space<vmem>> -> memref<1x64xi32, #tpu.memory_space<vmem>>
      %dma_start3A_179 = tpu.memref_squeeze %dma_start3A_178 : memref<1x64xi32, #tpu.memory_space<vmem>> -> memref<64xi32, #tpu.memory_space<vmem>>
      %dma_start3A_180 = arith.constant 0 : i32
      %dma_start3A_181 = arith.constant 0 : i32
      %dma_start3A_182 = tpu.memref_slice %arg3[%dma_start3A_180, %dma_start3A_181] : memref<100000x128xf32, #tpu.memory_space<hbm>> -> memref<100000x128xf32, #tpu.memory_space<hbm>>
      tpu.enqueue_indirect_dma source(%dma_start3A_182 : memref<100000x128xf32, #tpu.memory_space<hbm>>) target(%arg9 : memref<64x128xf32, #tpu.memory_space<vmem>>) offsets(%dma_start3A_179 : memref<64xi32, #tpu.memory_space<vmem>>) semaphore(%arg17 : memref<!tpu.dma_semaphore, #tpu.memory_space<semaphore_mem>>)
      %gt3A_183 = arith.constant 0 : i32
      %gt3A_184 = arith.cmpi sgt, %scan3A_116, %gt3A_183 : i32
      %convert_element_type3A_185 = arith.extui %gt3A_184 : i1 to i32
      %cond3A_186 = arith.constant 0 : i32
      %cond3A_187 = arith.cmpi ne, %convert_element_type3A_185, %cond3A_186 : i32
      scf.if %cond3A_187 {
        %dma_wait3A_327 = arith.constant 0 : i32
        %dma_wait3A_328 = arith.constant 0 : i32
        %dma_wait3A_329 = tpu.memref_slice %arg5[%dma_wait3A_327, %dma_wait3A_328] : memref<400x64xi32, #tpu.memory_space<vmem>> -> memref<1x64xi32, #tpu.memory_space<vmem>>
        %dma_wait3A_330 = tpu.memref_squeeze %dma_wait3A_329 : memref<1x64xi32, #tpu.memory_space<vmem>> -> memref<64xi32, #tpu.memory_space<vmem>>
        %dma_wait3A_331 = arith.constant 0 : i32
        %dma_wait3A_332 = arith.constant 0 : i32
        %dma_wait3A_333 = tpu.memref_slice %arg3[%dma_wait3A_331, %dma_wait3A_332] : memref<100000x128xf32, #tpu.memory_space<hbm>> -> memref<100000x128xf32, #tpu.memory_space<hbm>>
        tpu.wait_indirect_dma semaphore(%arg21 : memref<!tpu.dma_semaphore, #tpu.memory_space<semaphore_mem>>) src(%dma_wait3A_333 : memref<100000x128xf32, #tpu.memory_space<hbm>>) dst(%arg13 : memref<64x128xf32, #tpu.memory_space<vmem>>)
        %scan3A_334 = arith.constant 0 : i32
        %scan3A_335 = arith.constant 0 : i32
        %scan3A_336 = arith.constant 64 : i32
        %scan3A_337 = arith.addi %scan3A_335, %scan3A_336 : i32
        %scan3A_338 = arith.constant 1 : i32
        scf.for %scan3A_349 = %scan3A_335 to %scan3A_337 step %scan3A_338  : i32 {
          %get3A = arith.index_cast %scan3A_349 : i32 to index
          %get3A_350 = arith.constant 0 : index
          %get3A_351 = tpu.vector_load %arg13[%get3A, %get3A_350] {strides = array<i32>} : memref<64x128xf32, #tpu.memory_space<vmem>>, vector<1x16xf32>,
          %get3A_352 = vector.shape_cast %get3A_351 : vector<1x16xf32> to vector<16xf32>
          %mul3A_353 = arith.constant 11.3137083 : f32
          %mul3A_354 = vector.broadcast %mul3A_353 : f32 to vector<16xf32>
          %mul3A_355 = arith.mulf %get3A_352, %mul3A_354 : vector<16xf32>
          %swap3A = arith.index_cast %scan3A_349 : i32 to index
          %swap3A_356 = arith.constant 0 : index
          %swap3A_357 = tpu.vector_load %arg13[%swap3A, %swap3A_356] {strides = array<i32>} : memref<64x128xf32, #tpu.memory_space<vmem>>, vector<1x16xf32>,
          %swap3A_358 = vector.shape_cast %swap3A_357 : vector<1x16xf32> to vector<16xf32>
          %swap3A_359 = vector.shape_cast %mul3A_355 : vector<16xf32> to vector<1x16xf32>
          tpu.vector_store %arg13[%swap3A, %swap3A_356], %swap3A_359 {strides = array<i32>} : memref<64x128xf32, #tpu.memory_space<vmem>>, vector<1x16xf32>,
          %get3A_360 = arith.index_cast %scan3A_349 : i32 to index
          %get3A_361 = arith.constant 16 : index
          %get3A_362 = tpu.vector_load %arg13[%get3A_360, %get3A_361] {strides = array<i32>} : memref<64x128xf32, #tpu.memory_space<vmem>>, vector<1x16xf32>,
          %get3A_363 = vector.shape_cast %get3A_362 : vector<1x16xf32> to vector<16xf32>
          %mul3A_364 = arith.constant 11.3137083 : f32
          %mul3A_365 = vector.broadcast %mul3A_364 : f32 to vector<16xf32>
          %mul3A_366 = arith.mulf %get3A_363, %mul3A_365 : vector<16xf32>
          %swap3A_367 = arith.index_cast %scan3A_349 : i32 to index
          %swap3A_368 = arith.constant 16 : index
          %swap3A_369 = tpu.vector_load %arg13[%swap3A_367, %swap3A_368] {strides = array<i32>} : memref<64x128xf32, #tpu.memory_space<vmem>>, vector<1x16xf32>,
          %swap3A_370 = vector.shape_cast %swap3A_369 : vector<1x16xf32> to vector<16xf32>
          %swap3A_371 = vector.shape_cast %mul3A_366 : vector<16xf32> to vector<1x16xf32>
          tpu.vector_store %arg13[%swap3A_367, %swap3A_368], %swap3A_371 {strides = array<i32>} : memref<64x128xf32, #tpu.memory_space<vmem>>, vector<1x16xf32>,
          %get3A_372 = arith.index_cast %scan3A_349 : i32 to index
          %get3A_373 = arith.constant 32 : index
          %get3A_374 = tpu.vector_load %arg13[%get3A_372, %get3A_373] {strides = array<i32>} : memref<64x128xf32, #tpu.memory_space<vmem>>, vector<1x16xf32>,
          %get3A_375 = vector.shape_cast %get3A_374 : vector<1x16xf32> to vector<16xf32>
          %mul3A_376 = arith.constant 11.3137083 : f32
          %mul3A_377 = vector.broadcast %mul3A_376 : f32 to vector<16xf32>
          %mul3A_378 = arith.mulf %get3A_375, %mul3A_377 : vector<16xf32>
          %swap3A_379 = arith.index_cast %scan3A_349 : i32 to index
          %swap3A_380 = arith.constant 32 : index
          %swap3A_381 = tpu.vector_load %arg13[%swap3A_379, %swap3A_380] {strides = array<i32>} : memref<64x128xf32, #tpu.memory_space<vmem>>, vector<1x16xf32>,
          %swap3A_382 = vector.shape_cast %swap3A_381 : vector<1x16xf32> to vector<16xf32>
          %swap3A_383 = vector.shape_cast %mul3A_378 : vector<16xf32> to vector<1x16xf32>
          tpu.vector_store %arg13[%swap3A_379, %swap3A_380], %swap3A_383 {strides = array<i32>} : memref<64x128xf32, #tpu.memory_space<vmem>>, vector<1x16xf32>,
          %get3A_384 = arith.index_cast %scan3A_349 : i32 to index
          %get3A_385 = arith.constant 48 : index
          %get3A_386 = tpu.vector_load %arg13[%get3A_384, %get3A_385] {strides = array<i32>} : memref<64x128xf32, #tpu.memory_space<vmem>>, vector<1x16xf32>,
          %get3A_387 = vector.shape_cast %get3A_386 : vector<1x16xf32> to vector<16xf32>
          %mul3A_388 = arith.constant 11.3137083 : f32
          %mul3A_389 = vector.broadcast %mul3A_388 : f32 to vector<16xf32>
          %mul3A_390 = arith.mulf %get3A_387, %mul3A_389 : vector<16xf32>
          %swap3A_391 = arith.index_cast %scan3A_349 : i32 to index
          %swap3A_392 = arith.constant 48 : index
          %swap3A_393 = tpu.vector_load %arg13[%swap3A_391, %swap3A_392] {strides = array<i32>} : memref<64x128xf32, #tpu.memory_space<vmem>>, vector<1x16xf32>,
          %swap3A_394 = vector.shape_cast %swap3A_393 : vector<1x16xf32> to vector<16xf32>
          %swap3A_395 = vector.shape_cast %mul3A_390 : vector<16xf32> to vector<1x16xf32>
          tpu.vector_store %arg13[%swap3A_391, %swap3A_392], %swap3A_395 {strides = array<i32>} : memref<64x128xf32, #tpu.memory_space<vmem>>, vector<1x16xf32>,
          %get3A_396 = arith.index_cast %scan3A_349 : i32 to index
          %get3A_397 = arith.constant 64 : index
          %get3A_398 = tpu.vector_load %arg13[%get3A_396, %get3A_397] {strides = array<i32>} : memref<64x128xf32, #tpu.memory_space<vmem>>, vector<1x16xf32>,
          %get3A_399 = vector.shape_cast %get3A_398 : vector<1x16xf32> to vector<16xf32>
          %mul3A_400 = arith.constant 11.3137083 : f32
          %mul3A_401 = vector.broadcast %mul3A_400 : f32 to vector<16xf32>
          %mul3A_402 = arith.mulf %get3A_399, %mul3A_401 : vector<16xf32>
          %swap3A_403 = arith.index_cast %scan3A_349 : i32 to index
          %swap3A_404 = arith.constant 64 : index
          %swap3A_405 = tpu.vector_load %arg13[%swap3A_403, %swap3A_404] {strides = array<i32>} : memref<64x128xf32, #tpu.memory_space<vmem>>, vector<1x16xf32>,
          %swap3A_406 = vector.shape_cast %swap3A_405 : vector<1x16xf32> to vector<16xf32>
          %swap3A_407 = vector.shape_cast %mul3A_402 : vector<16xf32> to vector<1x16xf32>
          tpu.vector_store %arg13[%swap3A_403, %swap3A_404], %swap3A_407 {strides = array<i32>} : memref<64x128xf32, #tpu.memory_space<vmem>>, vector<1x16xf32>,
          %get3A_408 = arith.index_cast %scan3A_349 : i32 to index
          %get3A_409 = arith.constant 80 : index
          %get3A_410 = tpu.vector_load %arg13[%get3A_408, %get3A_409] {strides = array<i32>} : memref<64x128xf32, #tpu.memory_space<vmem>>, vector<1x16xf32>,
          %get3A_411 = vector.shape_cast %get3A_410 : vector<1x16xf32> to vector<16xf32>
          %mul3A_412 = arith.constant 11.3137083 : f32
          %mul3A_413 = vector.broadcast %mul3A_412 : f32 to vector<16xf32>
          %mul3A_414 = arith.mulf %get3A_411, %mul3A_413 : vector<16xf32>
          %swap3A_415 = arith.index_cast %scan3A_349 : i32 to index
          %swap3A_416 = arith.constant 80 : index
          %swap3A_417 = tpu.vector_load %arg13[%swap3A_415, %swap3A_416] {strides = array<i32>} : memref<64x128xf32, #tpu.memory_space<vmem>>, vector<1x16xf32>,
          %swap3A_418 = vector.shape_cast %swap3A_417 : vector<1x16xf32> to vector<16xf32>
          %swap3A_419 = vector.shape_cast %mul3A_414 : vector<16xf32> to vector<1x16xf32>
          tpu.vector_store %arg13[%swap3A_415, %swap3A_416], %swap3A_419 {strides = array<i32>} : memref<64x128xf32, #tpu.memory_space<vmem>>, vector<1x16xf32>,
          %get3A_420 = arith.index_cast %scan3A_349 : i32 to index
          %get3A_421 = arith.constant 96 : index
          %get3A_422 = tpu.vector_load %arg13[%get3A_420, %get3A_421] {strides = array<i32>} : memref<64x128xf32, #tpu.memory_space<vmem>>, vector<1x16xf32>,
          %get3A_423 = vector.shape_cast %get3A_422 : vector<1x16xf32> to vector<16xf32>
          %mul3A_424 = arith.constant 11.3137083 : f32
          %mul3A_425 = vector.broadcast %mul3A_424 : f32 to vector<16xf32>
          %mul3A_426 = arith.mulf %get3A_423, %mul3A_425 : vector<16xf32>
          %swap3A_427 = arith.index_cast %scan3A_349 : i32 to index
          %swap3A_428 = arith.constant 96 : index
          %swap3A_429 = tpu.vector_load %arg13[%swap3A_427, %swap3A_428] {strides = array<i32>} : memref<64x128xf32, #tpu.memory_space<vmem>>, vector<1x16xf32>,
          %swap3A_430 = vector.shape_cast %swap3A_429 : vector<1x16xf32> to vector<16xf32>
          %swap3A_431 = vector.shape_cast %mul3A_426 : vector<16xf32> to vector<1x16xf32>
          tpu.vector_store %arg13[%swap3A_427, %swap3A_428], %swap3A_431 {strides = array<i32>} : memref<64x128xf32, #tpu.memory_space<vmem>>, vector<1x16xf32>,
          %get3A_432 = arith.index_cast %scan3A_349 : i32 to index
          %get3A_433 = arith.constant 112 : index
          %get3A_434 = tpu.vector_load %arg13[%get3A_432, %get3A_433] {strides = array<i32>} : memref<64x128xf32, #tpu.memory_space<vmem>>, vector<1x16xf32>,
          %get3A_435 = vector.shape_cast %get3A_434 : vector<1x16xf32> to vector<16xf32>
          %mul3A_436 = arith.constant 11.3137083 : f32
          %mul3A_437 = vector.broadcast %mul3A_436 : f32 to vector<16xf32>
          %mul3A_438 = arith.mulf %get3A_435, %mul3A_437 : vector<16xf32>
          %swap3A_439 = arith.index_cast %scan3A_349 : i32 to index
          %swap3A_440 = arith.constant 112 : index
          %swap3A_441 = tpu.vector_load %arg13[%swap3A_439, %swap3A_440] {strides = array<i32>} : memref<64x128xf32, #tpu.memory_space<vmem>>, vector<1x16xf32>,
          %swap3A_442 = vector.shape_cast %swap3A_441 : vector<1x16xf32> to vector<16xf32>
          %swap3A_443 = vector.shape_cast %mul3A_438 : vector<16xf32> to vector<1x16xf32>
          tpu.vector_store %arg13[%swap3A_439, %swap3A_440], %swap3A_443 {strides = array<i32>} : memref<64x128xf32, #tpu.memory_space<vmem>>, vector<1x16xf32>,
        }
        %scan3A_339 = arith.constant 64 : i32
        %sub3A_340 = arith.constant 4 : i32
        %sub3A_341 = arith.subi %add3A_171, %sub3A_340 : i32
        %mul3A_342 = arith.constant 64 : i32
        %mul3A_343 = arith.muli %sub3A_341, %mul3A_342 : i32
        %add3A_344 = arith.addi %mul3A_2, %mul3A_343 : i32
        %dma_start3A_345 = arith.constant 0 : i32
        %dma_start3A_346 = tpu.memref_slice %arg4[%add3A_344, %dma_start3A_345] : memref<819200x128xf32, #tpu.memory_space<hbm>> -> memref<64x128xf32, #tpu.memory_space<hbm>>
        %dma_start3A_347 = arith.constant 0 : i32
        %dma_start3A_348 = tpu.memref_slice %arg4[%add3A_344, %dma_start3A_347] : memref<819200x128xf32, #tpu.memory_space<hbm>> -> memref<64x128xf32, #tpu.memory_space<hbm>>
        tpu.enqueue_dma source(%arg13 : memref<64x128xf32, #tpu.memory_space<vmem>>) target(%dma_start3A_348 : memref<64x128xf32, #tpu.memory_space<hbm>>) target_semaphore(%arg29 : memref<!tpu.dma_semaphore, #tpu.memory_space<semaphore_mem>>)
      } else {
      }
      %add3A_188 = arith.constant 4 : i32
      %add3A_189 = arith.addi %mul3A_118, %add3A_188 : i32
      %gt3A_190 = arith.constant 0 : i32
      %gt3A_191 = arith.cmpi sgt, %scan3A_116, %gt3A_190 : i32
      %convert_element_type3A_192 = arith.extui %gt3A_191 : i1 to i32
      %cond3A_193 = arith.constant 0 : i32
      %cond3A_194 = arith.cmpi ne, %convert_element_type3A_192, %cond3A_193 : i32
      scf.if %cond3A_194 {
        %dma_wait3A_327 = arith.constant 0 : i32
        %dma_wait3A_328 = tpu.memref_slice %arg4[%mul3A_2, %dma_wait3A_327] : memref<819200x128xf32, #tpu.memory_space<hbm>> -> memref<64x128xf32, #tpu.memory_space<hbm>>
        %dma_wait3A_329 = arith.constant 0 : i32
        %dma_wait3A_330 = tpu.memref_slice %arg4[%mul3A_2, %dma_wait3A_329] : memref<819200x128xf32, #tpu.memory_space<hbm>> -> memref<64x128xf32, #tpu.memory_space<hbm>>
        tpu.wait_dma2 semaphore(%arg26 : memref<!tpu.dma_semaphore, #tpu.memory_space<semaphore_mem>>) src(%arg10 : memref<64x128xf32, #tpu.memory_space<vmem>>) dst(%dma_wait3A_330 : memref<64x128xf32, #tpu.memory_space<hbm>>)
      } else {
      }
      %dma_start3A_195 = arith.constant 0 : i32
      %dma_start3A_196 = tpu.memref_slice %arg5[%add3A_189, %dma_start3A_195] : memref<400x64xi32, #tpu.memory_space<vmem>> -> memref<1x64xi32, #tpu.memory_space<vmem>>
      %dma_start3A_197 = tpu.memref_squeeze %dma_start3A_196 : memref<1x64xi32, #tpu.memory_space<vmem>> -> memref<64xi32, #tpu.memory_space<vmem>>
      %dma_start3A_198 = arith.constant 0 : i32
      %dma_start3A_199 = arith.constant 0 : i32
      %dma_start3A_200 = tpu.memref_slice %arg3[%dma_start3A_198, %dma_start3A_199] : memref<100000x128xf32, #tpu.memory_space<hbm>> -> memref<100000x128xf32, #tpu.memory_space<hbm>>
      tpu.enqueue_indirect_dma source(%dma_start3A_200 : memref<100000x128xf32, #tpu.memory_space<hbm>>) target(%arg10 : memref<64x128xf32, #tpu.memory_space<vmem>>) offsets(%dma_start3A_197 : memref<64xi32, #tpu.memory_space<vmem>>) semaphore(%arg18 : memref<!tpu.dma_semaphore, #tpu.memory_space<semaphore_mem>>)
      %dma_wait3A_201 = arith.constant 0 : i32
      %dma_wait3A_202 = arith.constant 0 : i32
      %dma_wait3A_203 = tpu.memref_slice %arg5[%dma_wait3A_201, %dma_wait3A_202] : memref<400x64xi32, #tpu.memory_space<vmem>> -> memref<1x64xi32, #tpu.memory_space<vmem>>
      %dma_wait3A_204 = tpu.memref_squeeze %dma_wait3A_203 : memref<1x64xi32, #tpu.memory_space<vmem>> -> memref<64xi32, #tpu.memory_space<vmem>>
      %dma_wait3A_205 = arith.constant 0 : i32
      %dma_wait3A_206 = arith.constant 0 : i32
      %dma_wait3A_207 = tpu.memref_slice %arg3[%dma_wait3A_205, %dma_wait3A_206] : memref<100000x128xf32, #tpu.memory_space<hbm>> -> memref<100000x128xf32, #tpu.memory_space<hbm>>
      tpu.wait_indirect_dma semaphore(%arg14 : memref<!tpu.dma_semaphore, #tpu.memory_space<semaphore_mem>>) src(%dma_wait3A_207 : memref<100000x128xf32, #tpu.memory_space<hbm>>) dst(%arg6 : memref<64x128xf32, #tpu.memory_space<vmem>>)
      %scan3A_208 = arith.constant 0 : i32
      %scan3A_209 = arith.constant 0 : i32
      %scan3A_210 = arith.constant 64 : i32
      %scan3A_211 = arith.addi %scan3A_209, %scan3A_210 : i32
      %scan3A_212 = arith.constant 1 : i32
      scf.for %scan3A_327 = %scan3A_209 to %scan3A_211 step %scan3A_212  : i32 {
        %get3A = arith.index_cast %scan3A_327 : i32 to index
        %get3A_328 = arith.constant 0 : index
        %get3A_329 = tpu.vector_load %arg6[%get3A, %get3A_328] {strides = array<i32>} : memref<64x128xf32, #tpu.memory_space<vmem>>, vector<1x16xf32>,
        %get3A_330 = vector.shape_cast %get3A_329 : vector<1x16xf32> to vector<16xf32>
        %mul3A_331 = arith.constant 11.3137083 : f32
        %mul3A_332 = vector.broadcast %mul3A_331 : f32 to vector<16xf32>
        %mul3A_333 = arith.mulf %get3A_330, %mul3A_332 : vector<16xf32>
        %swap3A = arith.index_cast %scan3A_327 : i32 to index
        %swap3A_334 = arith.constant 0 : index
        %swap3A_335 = tpu.vector_load %arg6[%swap3A, %swap3A_334] {strides = array<i32>} : memref<64x128xf32, #tpu.memory_space<vmem>>, vector<1x16xf32>,
        %swap3A_336 = vector.shape_cast %swap3A_335 : vector<1x16xf32> to vector<16xf32>
        %swap3A_337 = vector.shape_cast %mul3A_333 : vector<16xf32> to vector<1x16xf32>
        tpu.vector_store %arg6[%swap3A, %swap3A_334], %swap3A_337 {strides = array<i32>} : memref<64x128xf32, #tpu.memory_space<vmem>>, vector<1x16xf32>,
        %get3A_338 = arith.index_cast %scan3A_327 : i32 to index
        %get3A_339 = arith.constant 16 : index
        %get3A_340 = tpu.vector_load %arg6[%get3A_338, %get3A_339] {strides = array<i32>} : memref<64x128xf32, #tpu.memory_space<vmem>>, vector<1x16xf32>,
        %get3A_341 = vector.shape_cast %get3A_340 : vector<1x16xf32> to vector<16xf32>
        %mul3A_342 = arith.constant 11.3137083 : f32
        %mul3A_343 = vector.broadcast %mul3A_342 : f32 to vector<16xf32>
        %mul3A_344 = arith.mulf %get3A_341, %mul3A_343 : vector<16xf32>
        %swap3A_345 = arith.index_cast %scan3A_327 : i32 to index
        %swap3A_346 = arith.constant 16 : index
        %swap3A_347 = tpu.vector_load %arg6[%swap3A_345, %swap3A_346] {strides = array<i32>} : memref<64x128xf32, #tpu.memory_space<vmem>>, vector<1x16xf32>,
        %swap3A_348 = vector.shape_cast %swap3A_347 : vector<1x16xf32> to vector<16xf32>
        %swap3A_349 = vector.shape_cast %mul3A_344 : vector<16xf32> to vector<1x16xf32>
        tpu.vector_store %arg6[%swap3A_345, %swap3A_346], %swap3A_349 {strides = array<i32>} : memref<64x128xf32, #tpu.memory_space<vmem>>, vector<1x16xf32>,
        %get3A_350 = arith.index_cast %scan3A_327 : i32 to index
        %get3A_351 = arith.constant 32 : index
        %get3A_352 = tpu.vector_load %arg6[%get3A_350, %get3A_351] {strides = array<i32>} : memref<64x128xf32, #tpu.memory_space<vmem>>, vector<1x16xf32>,
        %get3A_353 = vector.shape_cast %get3A_352 : vector<1x16xf32> to vector<16xf32>
        %mul3A_354 = arith.constant 11.3137083 : f32
        %mul3A_355 = vector.broadcast %mul3A_354 : f32 to vector<16xf32>
        %mul3A_356 = arith.mulf %get3A_353, %mul3A_355 : vector<16xf32>
        %swap3A_357 = arith.index_cast %scan3A_327 : i32 to index
        %swap3A_358 = arith.constant 32 : index
        %swap3A_359 = tpu.vector_load %arg6[%swap3A_357, %swap3A_358] {strides = array<i32>} : memref<64x128xf32, #tpu.memory_space<vmem>>, vector<1x16xf32>,
        %swap3A_360 = vector.shape_cast %swap3A_359 : vector<1x16xf32> to vector<16xf32>
        %swap3A_361 = vector.shape_cast %mul3A_356 : vector<16xf32> to vector<1x16xf32>
        tpu.vector_store %arg6[%swap3A_357, %swap3A_358], %swap3A_361 {strides = array<i32>} : memref<64x128xf32, #tpu.memory_space<vmem>>, vector<1x16xf32>,
        %get3A_362 = arith.index_cast %scan3A_327 : i32 to index
        %get3A_363 = arith.constant 48 : index
        %get3A_364 = tpu.vector_load %arg6[%get3A_362, %get3A_363] {strides = array<i32>} : memref<64x128xf32, #tpu.memory_space<vmem>>, vector<1x16xf32>,
        %get3A_365 = vector.shape_cast %get3A_364 : vector<1x16xf32> to vector<16xf32>
        %mul3A_366 = arith.constant 11.3137083 : f32
        %mul3A_367 = vector.broadcast %mul3A_366 : f32 to vector<16xf32>
        %mul3A_368 = arith.mulf %get3A_365, %mul3A_367 : vector<16xf32>
        %swap3A_369 = arith.index_cast %scan3A_327 : i32 to index
        %swap3A_370 = arith.constant 48 : index
        %swap3A_371 = tpu.vector_load %arg6[%swap3A_369, %swap3A_370] {strides = array<i32>} : memref<64x128xf32, #tpu.memory_space<vmem>>, vector<1x16xf32>,
        %swap3A_372 = vector.shape_cast %swap3A_371 : vector<1x16xf32> to vector<16xf32>
        %swap3A_373 = vector.shape_cast %mul3A_368 : vector<16xf32> to vector<1x16xf32>
        tpu.vector_store %arg6[%swap3A_369, %swap3A_370], %swap3A_373 {strides = array<i32>} : memref<64x128xf32, #tpu.memory_space<vmem>>, vector<1x16xf32>,
        %get3A_374 = arith.index_cast %scan3A_327 : i32 to index
        %get3A_375 = arith.constant 64 : index
        %get3A_376 = tpu.vector_load %arg6[%get3A_374, %get3A_375] {strides = array<i32>} : memref<64x128xf32, #tpu.memory_space<vmem>>, vector<1x16xf32>,
        %get3A_377 = vector.shape_cast %get3A_376 : vector<1x16xf32> to vector<16xf32>
        %mul3A_378 = arith.constant 11.3137083 : f32
        %mul3A_379 = vector.broadcast %mul3A_378 : f32 to vector<16xf32>
        %mul3A_380 = arith.mulf %get3A_377, %mul3A_379 : vector<16xf32>
        %swap3A_381 = arith.index_cast %scan3A_327 : i32 to index
        %swap3A_382 = arith.constant 64 : index
        %swap3A_383 = tpu.vector_load %arg6[%swap3A_381, %swap3A_382] {strides = array<i32>} : memref<64x128xf32, #tpu.memory_space<vmem>>, vector<1x16xf32>,
        %swap3A_384 = vector.shape_cast %swap3A_383 : vector<1x16xf32> to vector<16xf32>
        %swap3A_385 = vector.shape_cast %mul3A_380 : vector<16xf32> to vector<1x16xf32>
        tpu.vector_store %arg6[%swap3A_381, %swap3A_382], %swap3A_385 {strides = array<i32>} : memref<64x128xf32, #tpu.memory_space<vmem>>, vector<1x16xf32>,
        %get3A_386 = arith.index_cast %scan3A_327 : i32 to index
        %get3A_387 = arith.constant 80 : index
        %get3A_388 = tpu.vector_load %arg6[%get3A_386, %get3A_387] {strides = array<i32>} : memref<64x128xf32, #tpu.memory_space<vmem>>, vector<1x16xf32>,
        %get3A_389 = vector.shape_cast %get3A_388 : vector<1x16xf32> to vector<16xf32>
        %mul3A_390 = arith.constant 11.3137083 : f32
        %mul3A_391 = vector.broadcast %mul3A_390 : f32 to vector<16xf32>
        %mul3A_392 = arith.mulf %get3A_389, %mul3A_391 : vector<16xf32>
        %swap3A_393 = arith.index_cast %scan3A_327 : i32 to index
        %swap3A_394 = arith.constant 80 : index
        %swap3A_395 = tpu.vector_load %arg6[%swap3A_393, %swap3A_394] {strides = array<i32>} : memref<64x128xf32, #tpu.memory_space<vmem>>, vector<1x16xf32>,
        %swap3A_396 = vector.shape_cast %swap3A_395 : vector<1x16xf32> to vector<16xf32>
        %swap3A_397 = vector.shape_cast %mul3A_392 : vector<16xf32> to vector<1x16xf32>
        tpu.vector_store %arg6[%swap3A_393, %swap3A_394], %swap3A_397 {strides = array<i32>} : memref<64x128xf32, #tpu.memory_space<vmem>>, vector<1x16xf32>,
        %get3A_398 = arith.index_cast %scan3A_327 : i32 to index
        %get3A_399 = arith.constant 96 : index
        %get3A_400 = tpu.vector_load %arg6[%get3A_398, %get3A_399] {strides = array<i32>} : memref<64x128xf32, #tpu.memory_space<vmem>>, vector<1x16xf32>,
        %get3A_401 = vector.shape_cast %get3A_400 : vector<1x16xf32> to vector<16xf32>
        %mul3A_402 = arith.constant 11.3137083 : f32
        %mul3A_403 = vector.broadcast %mul3A_402 : f32 to vector<16xf32>
        %mul3A_404 = arith.mulf %get3A_401, %mul3A_403 : vector<16xf32>
        %swap3A_405 = arith.index_cast %scan3A_327 : i32 to index
        %swap3A_406 = arith.constant 96 : index
        %swap3A_407 = tpu.vector_load %arg6[%swap3A_405, %swap3A_406] {strides = array<i32>} : memref<64x128xf32, #tpu.memory_space<vmem>>, vector<1x16xf32>,
        %swap3A_408 = vector.shape_cast %swap3A_407 : vector<1x16xf32> to vector<16xf32>
        %swap3A_409 = vector.shape_cast %mul3A_404 : vector<16xf32> to vector<1x16xf32>
        tpu.vector_store %arg6[%swap3A_405, %swap3A_406], %swap3A_409 {strides = array<i32>} : memref<64x128xf32, #tpu.memory_space<vmem>>, vector<1x16xf32>,
        %get3A_410 = arith.index_cast %scan3A_327 : i32 to index
        %get3A_411 = arith.constant 112 : index
        %get3A_412 = tpu.vector_load %arg6[%get3A_410, %get3A_411] {strides = array<i32>} : memref<64x128xf32, #tpu.memory_space<vmem>>, vector<1x16xf32>,
        %get3A_413 = vector.shape_cast %get3A_412 : vector<1x16xf32> to vector<16xf32>
        %mul3A_414 = arith.constant 11.3137083 : f32
        %mul3A_415 = vector.broadcast %mul3A_414 : f32 to vector<16xf32>
        %mul3A_416 = arith.mulf %get3A_413, %mul3A_415 : vector<16xf32>
        %swap3A_417 = arith.index_cast %scan3A_327 : i32 to index
        %swap3A_418 = arith.constant 112 : index
        %swap3A_419 = tpu.vector_load %arg6[%swap3A_417, %swap3A_418] {strides = array<i32>} : memref<64x128xf32, #tpu.memory_space<vmem>>, vector<1x16xf32>,
        %swap3A_420 = vector.shape_cast %swap3A_419 : vector<1x16xf32> to vector<16xf32>
        %swap3A_421 = vector.shape_cast %mul3A_416 : vector<16xf32> to vector<1x16xf32>
        tpu.vector_store %arg6[%swap3A_417, %swap3A_418], %swap3A_421 {strides = array<i32>} : memref<64x128xf32, #tpu.memory_space<vmem>>, vector<1x16xf32>,
      }
      %scan3A_213 = arith.constant 64 : i32
      %sub3A = arith.constant 4 : i32
      %sub3A_214 = arith.subi %add3A_189, %sub3A : i32
      %mul3A_215 = arith.constant 64 : i32
      %mul3A_216 = arith.muli %sub3A_214, %mul3A_215 : i32
      %add3A_217 = arith.addi %mul3A_2, %mul3A_216 : i32
      %dma_start3A_218 = arith.constant 0 : i32
      %dma_start3A_219 = tpu.memref_slice %arg4[%add3A_217, %dma_start3A_218] : memref<819200x128xf32, #tpu.memory_space<hbm>> -> memref<64x128xf32, #tpu.memory_space<hbm>>
      %dma_start3A_220 = arith.constant 0 : i32
      %dma_start3A_221 = tpu.memref_slice %arg4[%add3A_217, %dma_start3A_220] : memref<819200x128xf32, #tpu.memory_space<hbm>> -> memref<64x128xf32, #tpu.memory_space<hbm>>
      tpu.enqueue_dma source(%arg6 : memref<64x128xf32, #tpu.memory_space<vmem>>) target(%dma_start3A_221 : memref<64x128xf32, #tpu.memory_space<hbm>>) target_semaphore(%arg22 : memref<!tpu.dma_semaphore, #tpu.memory_space<semaphore_mem>>)
      %add3A_222 = arith.constant 5 : i32
      %add3A_223 = arith.addi %mul3A_118, %add3A_222 : i32
      %gt3A_224 = arith.constant 0 : i32
      %gt3A_225 = arith.cmpi sgt, %scan3A_116, %gt3A_224 : i32
      %convert_element_type3A_226 = arith.extui %gt3A_225 : i1 to i32
      %cond3A_227 = arith.constant 0 : i32
      %cond3A_228 = arith.cmpi ne, %convert_element_type3A_226, %cond3A_227 : i32
      scf.if %cond3A_228 {
        %dma_wait3A_327 = arith.constant 0 : i32
        %dma_wait3A_328 = tpu.memref_slice %arg4[%mul3A_2, %dma_wait3A_327] : memref<819200x128xf32, #tpu.memory_space<hbm>> -> memref<64x128xf32, #tpu.memory_space<hbm>>
        %dma_wait3A_329 = arith.constant 0 : i32
        %dma_wait3A_330 = tpu.memref_slice %arg4[%mul3A_2, %dma_wait3A_329] : memref<819200x128xf32, #tpu.memory_space<hbm>> -> memref<64x128xf32, #tpu.memory_space<hbm>>
        tpu.wait_dma2 semaphore(%arg27 : memref<!tpu.dma_semaphore, #tpu.memory_space<semaphore_mem>>) src(%arg11 : memref<64x128xf32, #tpu.memory_space<vmem>>) dst(%dma_wait3A_330 : memref<64x128xf32, #tpu.memory_space<hbm>>)
      } else {
      }
      %dma_start3A_229 = arith.constant 0 : i32
      %dma_start3A_230 = tpu.memref_slice %arg5[%add3A_223, %dma_start3A_229] : memref<400x64xi32, #tpu.memory_space<vmem>> -> memref<1x64xi32, #tpu.memory_space<vmem>>
      %dma_start3A_231 = tpu.memref_squeeze %dma_start3A_230 : memref<1x64xi32, #tpu.memory_space<vmem>> -> memref<64xi32, #tpu.memory_space<vmem>>
      %dma_start3A_232 = arith.constant 0 : i32
      %dma_start3A_233 = arith.constant 0 : i32
      %dma_start3A_234 = tpu.memref_slice %arg3[%dma_start3A_232, %dma_start3A_233] : memref<100000x128xf32, #tpu.memory_space<hbm>> -> memref<100000x128xf32, #tpu.memory_space<hbm>>
      tpu.enqueue_indirect_dma source(%dma_start3A_234 : memref<100000x128xf32, #tpu.memory_space<hbm>>) target(%arg11 : memref<64x128xf32, #tpu.memory_space<vmem>>) offsets(%dma_start3A_231 : memref<64xi32, #tpu.memory_space<vmem>>) semaphore(%arg19 : memref<!tpu.dma_semaphore, #tpu.memory_space<semaphore_mem>>)
      %dma_wait3A_235 = arith.constant 0 : i32
      %dma_wait3A_236 = arith.constant 0 : i32
      %dma_wait3A_237 = tpu.memref_slice %arg5[%dma_wait3A_235, %dma_wait3A_236] : memref<400x64xi32, #tpu.memory_space<vmem>> -> memref<1x64xi32, #tpu.memory_space<vmem>>
      %dma_wait3A_238 = tpu.memref_squeeze %dma_wait3A_237 : memref<1x64xi32, #tpu.memory_space<vmem>> -> memref<64xi32, #tpu.memory_space<vmem>>
      %dma_wait3A_239 = arith.constant 0 : i32
      %dma_wait3A_240 = arith.constant 0 : i32
      %dma_wait3A_241 = tpu.memref_slice %arg3[%dma_wait3A_239, %dma_wait3A_240] : memref<100000x128xf32, #tpu.memory_space<hbm>> -> memref<100000x128xf32, #tpu.memory_space<hbm>>
      tpu.wait_indirect_dma semaphore(%arg15 : memref<!tpu.dma_semaphore, #tpu.memory_space<semaphore_mem>>) src(%dma_wait3A_241 : memref<100000x128xf32, #tpu.memory_space<hbm>>) dst(%arg7 : memref<64x128xf32, #tpu.memory_space<vmem>>)
      %scan3A_242 = arith.constant 0 : i32
      %scan3A_243 = arith.constant 0 : i32
      %scan3A_244 = arith.constant 64 : i32
      %scan3A_245 = arith.addi %scan3A_243, %scan3A_244 : i32
      %scan3A_246 = arith.constant 1 : i32
      scf.for %scan3A_327 = %scan3A_243 to %scan3A_245 step %scan3A_246  : i32 {
        %get3A = arith.index_cast %scan3A_327 : i32 to index
        %get3A_328 = arith.constant 0 : index
        %get3A_329 = tpu.vector_load %arg7[%get3A, %get3A_328] {strides = array<i32>} : memref<64x128xf32, #tpu.memory_space<vmem>>, vector<1x16xf32>,
        %get3A_330 = vector.shape_cast %get3A_329 : vector<1x16xf32> to vector<16xf32>
        %mul3A_331 = arith.constant 11.3137083 : f32
        %mul3A_332 = vector.broadcast %mul3A_331 : f32 to vector<16xf32>
        %mul3A_333 = arith.mulf %get3A_330, %mul3A_332 : vector<16xf32>
        %swap3A = arith.index_cast %scan3A_327 : i32 to index
        %swap3A_334 = arith.constant 0 : index
        %swap3A_335 = tpu.vector_load %arg7[%swap3A, %swap3A_334] {strides = array<i32>} : memref<64x128xf32, #tpu.memory_space<vmem>>, vector<1x16xf32>,
        %swap3A_336 = vector.shape_cast %swap3A_335 : vector<1x16xf32> to vector<16xf32>
        %swap3A_337 = vector.shape_cast %mul3A_333 : vector<16xf32> to vector<1x16xf32>
        tpu.vector_store %arg7[%swap3A, %swap3A_334], %swap3A_337 {strides = array<i32>} : memref<64x128xf32, #tpu.memory_space<vmem>>, vector<1x16xf32>,
        %get3A_338 = arith.index_cast %scan3A_327 : i32 to index
        %get3A_339 = arith.constant 16 : index
        %get3A_340 = tpu.vector_load %arg7[%get3A_338, %get3A_339] {strides = array<i32>} : memref<64x128xf32, #tpu.memory_space<vmem>>, vector<1x16xf32>,
        %get3A_341 = vector.shape_cast %get3A_340 : vector<1x16xf32> to vector<16xf32>
        %mul3A_342 = arith.constant 11.3137083 : f32
        %mul3A_343 = vector.broadcast %mul3A_342 : f32 to vector<16xf32>
        %mul3A_344 = arith.mulf %get3A_341, %mul3A_343 : vector<16xf32>
        %swap3A_345 = arith.index_cast %scan3A_327 : i32 to index
        %swap3A_346 = arith.constant 16 : index
        %swap3A_347 = tpu.vector_load %arg7[%swap3A_345, %swap3A_346] {strides = array<i32>} : memref<64x128xf32, #tpu.memory_space<vmem>>, vector<1x16xf32>,
        %swap3A_348 = vector.shape_cast %swap3A_347 : vector<1x16xf32> to vector<16xf32>
        %swap3A_349 = vector.shape_cast %mul3A_344 : vector<16xf32> to vector<1x16xf32>
        tpu.vector_store %arg7[%swap3A_345, %swap3A_346], %swap3A_349 {strides = array<i32>} : memref<64x128xf32, #tpu.memory_space<vmem>>, vector<1x16xf32>,
        %get3A_350 = arith.index_cast %scan3A_327 : i32 to index
        %get3A_351 = arith.constant 32 : index
        %get3A_352 = tpu.vector_load %arg7[%get3A_350, %get3A_351] {strides = array<i32>} : memref<64x128xf32, #tpu.memory_space<vmem>>, vector<1x16xf32>,
        %get3A_353 = vector.shape_cast %get3A_352 : vector<1x16xf32> to vector<16xf32>
        %mul3A_354 = arith.constant 11.3137083 : f32
        %mul3A_355 = vector.broadcast %mul3A_354 : f32 to vector<16xf32>
        %mul3A_356 = arith.mulf %get3A_353, %mul3A_355 : vector<16xf32>
        %swap3A_357 = arith.index_cast %scan3A_327 : i32 to index
        %swap3A_358 = arith.constant 32 : index
        %swap3A_359 = tpu.vector_load %arg7[%swap3A_357, %swap3A_358] {strides = array<i32>} : memref<64x128xf32, #tpu.memory_space<vmem>>, vector<1x16xf32>,
        %swap3A_360 = vector.shape_cast %swap3A_359 : vector<1x16xf32> to vector<16xf32>
        %swap3A_361 = vector.shape_cast %mul3A_356 : vector<16xf32> to vector<1x16xf32>
        tpu.vector_store %arg7[%swap3A_357, %swap3A_358], %swap3A_361 {strides = array<i32>} : memref<64x128xf32, #tpu.memory_space<vmem>>, vector<1x16xf32>,
        %get3A_362 = arith.index_cast %scan3A_327 : i32 to index
        %get3A_363 = arith.constant 48 : index
        %get3A_364 = tpu.vector_load %arg7[%get3A_362, %get3A_363] {strides = array<i32>} : memref<64x128xf32, #tpu.memory_space<vmem>>, vector<1x16xf32>,
        %get3A_365 = vector.shape_cast %get3A_364 : vector<1x16xf32> to vector<16xf32>
        %mul3A_366 = arith.constant 11.3137083 : f32
        %mul3A_367 = vector.broadcast %mul3A_366 : f32 to vector<16xf32>
        %mul3A_368 = arith.mulf %get3A_365, %mul3A_367 : vector<16xf32>
        %swap3A_369 = arith.index_cast %scan3A_327 : i32 to index
        %swap3A_370 = arith.constant 48 : index
        %swap3A_371 = tpu.vector_load %arg7[%swap3A_369, %swap3A_370] {strides = array<i32>} : memref<64x128xf32, #tpu.memory_space<vmem>>, vector<1x16xf32>,
        %swap3A_372 = vector.shape_cast %swap3A_371 : vector<1x16xf32> to vector<16xf32>
        %swap3A_373 = vector.shape_cast %mul3A_368 : vector<16xf32> to vector<1x16xf32>
        tpu.vector_store %arg7[%swap3A_369, %swap3A_370], %swap3A_373 {strides = array<i32>} : memref<64x128xf32, #tpu.memory_space<vmem>>, vector<1x16xf32>,
        %get3A_374 = arith.index_cast %scan3A_327 : i32 to index
        %get3A_375 = arith.constant 64 : index
        %get3A_376 = tpu.vector_load %arg7[%get3A_374, %get3A_375] {strides = array<i32>} : memref<64x128xf32, #tpu.memory_space<vmem>>, vector<1x16xf32>,
        %get3A_377 = vector.shape_cast %get3A_376 : vector<1x16xf32> to vector<16xf32>
        %mul3A_378 = arith.constant 11.3137083 : f32
        %mul3A_379 = vector.broadcast %mul3A_378 : f32 to vector<16xf32>
        %mul3A_380 = arith.mulf %get3A_377, %mul3A_379 : vector<16xf32>
        %swap3A_381 = arith.index_cast %scan3A_327 : i32 to index
        %swap3A_382 = arith.constant 64 : index
        %swap3A_383 = tpu.vector_load %arg7[%swap3A_381, %swap3A_382] {strides = array<i32>} : memref<64x128xf32, #tpu.memory_space<vmem>>, vector<1x16xf32>,
        %swap3A_384 = vector.shape_cast %swap3A_383 : vector<1x16xf32> to vector<16xf32>
        %swap3A_385 = vector.shape_cast %mul3A_380 : vector<16xf32> to vector<1x16xf32>
        tpu.vector_store %arg7[%swap3A_381, %swap3A_382], %swap3A_385 {strides = array<i32>} : memref<64x128xf32, #tpu.memory_space<vmem>>, vector<1x16xf32>,
        %get3A_386 = arith.index_cast %scan3A_327 : i32 to index
        %get3A_387 = arith.constant 80 : index
        %get3A_388 = tpu.vector_load %arg7[%get3A_386, %get3A_387] {strides = array<i32>} : memref<64x128xf32, #tpu.memory_space<vmem>>, vector<1x16xf32>,
        %get3A_389 = vector.shape_cast %get3A_388 : vector<1x16xf32> to vector<16xf32>
        %mul3A_390 = arith.constant 11.3137083 : f32
        %mul3A_391 = vector.broadcast %mul3A_390 : f32 to vector<16xf32>
        %mul3A_392 = arith.mulf %get3A_389, %mul3A_391 : vector<16xf32>
        %swap3A_393 = arith.index_cast %scan3A_327 : i32 to index
        %swap3A_394 = arith.constant 80 : index
        %swap3A_395 = tpu.vector_load %arg7[%swap3A_393, %swap3A_394] {strides = array<i32>} : memref<64x128xf32, #tpu.memory_space<vmem>>, vector<1x16xf32>,
        %swap3A_396 = vector.shape_cast %swap3A_395 : vector<1x16xf32> to vector<16xf32>
        %swap3A_397 = vector.shape_cast %mul3A_392 : vector<16xf32> to vector<1x16xf32>
        tpu.vector_store %arg7[%swap3A_393, %swap3A_394], %swap3A_397 {strides = array<i32>} : memref<64x128xf32, #tpu.memory_space<vmem>>, vector<1x16xf32>,
        %get3A_398 = arith.index_cast %scan3A_327 : i32 to index
        %get3A_399 = arith.constant 96 : index
        %get3A_400 = tpu.vector_load %arg7[%get3A_398, %get3A_399] {strides = array<i32>} : memref<64x128xf32, #tpu.memory_space<vmem>>, vector<1x16xf32>,
        %get3A_401 = vector.shape_cast %get3A_400 : vector<1x16xf32> to vector<16xf32>
        %mul3A_402 = arith.constant 11.3137083 : f32
        %mul3A_403 = vector.broadcast %mul3A_402 : f32 to vector<16xf32>
        %mul3A_404 = arith.mulf %get3A_401, %mul3A_403 : vector<16xf32>
        %swap3A_405 = arith.index_cast %scan3A_327 : i32 to index
        %swap3A_406 = arith.constant 96 : index
        %swap3A_407 = tpu.vector_load %arg7[%swap3A_405, %swap3A_406] {strides = array<i32>} : memref<64x128xf32, #tpu.memory_space<vmem>>, vector<1x16xf32>,
        %swap3A_408 = vector.shape_cast %swap3A_407 : vector<1x16xf32> to vector<16xf32>
        %swap3A_409 = vector.shape_cast %mul3A_404 : vector<16xf32> to vector<1x16xf32>
        tpu.vector_store %arg7[%swap3A_405, %swap3A_406], %swap3A_409 {strides = array<i32>} : memref<64x128xf32, #tpu.memory_space<vmem>>, vector<1x16xf32>,
        %get3A_410 = arith.index_cast %scan3A_327 : i32 to index
        %get3A_411 = arith.constant 112 : index
        %get3A_412 = tpu.vector_load %arg7[%get3A_410, %get3A_411] {strides = array<i32>} : memref<64x128xf32, #tpu.memory_space<vmem>>, vector<1x16xf32>,
        %get3A_413 = vector.shape_cast %get3A_412 : vector<1x16xf32> to vector<16xf32>
        %mul3A_414 = arith.constant 11.3137083 : f32
        %mul3A_415 = vector.broadcast %mul3A_414 : f32 to vector<16xf32>
        %mul3A_416 = arith.mulf %get3A_413, %mul3A_415 : vector<16xf32>
        %swap3A_417 = arith.index_cast %scan3A_327 : i32 to index
        %swap3A_418 = arith.constant 112 : index
        %swap3A_419 = tpu.vector_load %arg7[%swap3A_417, %swap3A_418] {strides = array<i32>} : memref<64x128xf32, #tpu.memory_space<vmem>>, vector<1x16xf32>,
        %swap3A_420 = vector.shape_cast %swap3A_419 : vector<1x16xf32> to vector<16xf32>
        %swap3A_421 = vector.shape_cast %mul3A_416 : vector<16xf32> to vector<1x16xf32>
        tpu.vector_store %arg7[%swap3A_417, %swap3A_418], %swap3A_421 {strides = array<i32>} : memref<64x128xf32, #tpu.memory_space<vmem>>, vector<1x16xf32>,
      }
      %scan3A_247 = arith.constant 64 : i32
      %sub3A_248 = arith.constant 4 : i32
      %sub3A_249 = arith.subi %add3A_223, %sub3A_248 : i32
      %mul3A_250 = arith.constant 64 : i32
      %mul3A_251 = arith.muli %sub3A_249, %mul3A_250 : i32
      %add3A_252 = arith.addi %mul3A_2, %mul3A_251 : i32
      %dma_start3A_253 = arith.constant 0 : i32
      %dma_start3A_254 = tpu.memref_slice %arg4[%add3A_252, %dma_start3A_253] : memref<819200x128xf32, #tpu.memory_space<hbm>> -> memref<64x128xf32, #tpu.memory_space<hbm>>
      %dma_start3A_255 = arith.constant 0 : i32
      %dma_start3A_256 = tpu.memref_slice %arg4[%add3A_252, %dma_start3A_255] : memref<819200x128xf32, #tpu.memory_space<hbm>> -> memref<64x128xf32, #tpu.memory_space<hbm>>
      tpu.enqueue_dma source(%arg7 : memref<64x128xf32, #tpu.memory_space<vmem>>) target(%dma_start3A_256 : memref<64x128xf32, #tpu.memory_space<hbm>>) target_semaphore(%arg23 : memref<!tpu.dma_semaphore, #tpu.memory_space<semaphore_mem>>)
      %add3A_257 = arith.constant 6 : i32
      %add3A_258 = arith.addi %mul3A_118, %add3A_257 : i32
      %gt3A_259 = arith.constant 0 : i32
      %gt3A_260 = arith.cmpi sgt, %scan3A_116, %gt3A_259 : i32
      %convert_element_type3A_261 = arith.extui %gt3A_260 : i1 to i32
      %cond3A_262 = arith.constant 0 : i32
      %cond3A_263 = arith.cmpi ne, %convert_element_type3A_261, %cond3A_262 : i32
      scf.if %cond3A_263 {
        %dma_wait3A_327 = arith.constant 0 : i32
        %dma_wait3A_328 = tpu.memref_slice %arg4[%mul3A_2, %dma_wait3A_327] : memref<819200x128xf32, #tpu.memory_space<hbm>> -> memref<64x128xf32, #tpu.memory_space<hbm>>
        %dma_wait3A_329 = arith.constant 0 : i32
        %dma_wait3A_330 = tpu.memref_slice %arg4[%mul3A_2, %dma_wait3A_329] : memref<819200x128xf32, #tpu.memory_space<hbm>> -> memref<64x128xf32, #tpu.memory_space<hbm>>
        tpu.wait_dma2 semaphore(%arg28 : memref<!tpu.dma_semaphore, #tpu.memory_space<semaphore_mem>>) src(%arg12 : memref<64x128xf32, #tpu.memory_space<vmem>>) dst(%dma_wait3A_330 : memref<64x128xf32, #tpu.memory_space<hbm>>)
      } else {
      }
      %dma_start3A_264 = arith.constant 0 : i32
      %dma_start3A_265 = tpu.memref_slice %arg5[%add3A_258, %dma_start3A_264] : memref<400x64xi32, #tpu.memory_space<vmem>> -> memref<1x64xi32, #tpu.memory_space<vmem>>
      %dma_start3A_266 = tpu.memref_squeeze %dma_start3A_265 : memref<1x64xi32, #tpu.memory_space<vmem>> -> memref<64xi32, #tpu.memory_space<vmem>>
      %dma_start3A_267 = arith.constant 0 : i32
      %dma_start3A_268 = arith.constant 0 : i32
      %dma_start3A_269 = tpu.memref_slice %arg3[%dma_start3A_267, %dma_start3A_268] : memref<100000x128xf32, #tpu.memory_space<hbm>> -> memref<100000x128xf32, #tpu.memory_space<hbm>>
      tpu.enqueue_indirect_dma source(%dma_start3A_269 : memref<100000x128xf32, #tpu.memory_space<hbm>>) target(%arg12 : memref<64x128xf32, #tpu.memory_space<vmem>>) offsets(%dma_start3A_266 : memref<64xi32, #tpu.memory_space<vmem>>) semaphore(%arg20 : memref<!tpu.dma_semaphore, #tpu.memory_space<semaphore_mem>>)
      %dma_wait3A_270 = arith.constant 0 : i32
      %dma_wait3A_271 = arith.constant 0 : i32
      %dma_wait3A_272 = tpu.memref_slice %arg5[%dma_wait3A_270, %dma_wait3A_271] : memref<400x64xi32, #tpu.memory_space<vmem>> -> memref<1x64xi32, #tpu.memory_space<vmem>>
      %dma_wait3A_273 = tpu.memref_squeeze %dma_wait3A_272 : memref<1x64xi32, #tpu.memory_space<vmem>> -> memref<64xi32, #tpu.memory_space<vmem>>
      %dma_wait3A_274 = arith.constant 0 : i32
      %dma_wait3A_275 = arith.constant 0 : i32
      %dma_wait3A_276 = tpu.memref_slice %arg3[%dma_wait3A_274, %dma_wait3A_275] : memref<100000x128xf32, #tpu.memory_space<hbm>> -> memref<100000x128xf32, #tpu.memory_space<hbm>>
      tpu.wait_indirect_dma semaphore(%arg16 : memref<!tpu.dma_semaphore, #tpu.memory_space<semaphore_mem>>) src(%dma_wait3A_276 : memref<100000x128xf32, #tpu.memory_space<hbm>>) dst(%arg8 : memref<64x128xf32, #tpu.memory_space<vmem>>)
      %scan3A_277 = arith.constant 0 : i32
      %scan3A_278 = arith.constant 0 : i32
      %scan3A_279 = arith.constant 64 : i32
      %scan3A_280 = arith.addi %scan3A_278, %scan3A_279 : i32
      %scan3A_281 = arith.constant 1 : i32
      scf.for %scan3A_327 = %scan3A_278 to %scan3A_280 step %scan3A_281  : i32 {
        %get3A = arith.index_cast %scan3A_327 : i32 to index
        %get3A_328 = arith.constant 0 : index
        %get3A_329 = tpu.vector_load %arg8[%get3A, %get3A_328] {strides = array<i32>} : memref<64x128xf32, #tpu.memory_space<vmem>>, vector<1x16xf32>,
        %get3A_330 = vector.shape_cast %get3A_329 : vector<1x16xf32> to vector<16xf32>
        %mul3A_331 = arith.constant 11.3137083 : f32
        %mul3A_332 = vector.broadcast %mul3A_331 : f32 to vector<16xf32>
        %mul3A_333 = arith.mulf %get3A_330, %mul3A_332 : vector<16xf32>
        %swap3A = arith.index_cast %scan3A_327 : i32 to index
        %swap3A_334 = arith.constant 0 : index
        %swap3A_335 = tpu.vector_load %arg8[%swap3A, %swap3A_334] {strides = array<i32>} : memref<64x128xf32, #tpu.memory_space<vmem>>, vector<1x16xf32>,
        %swap3A_336 = vector.shape_cast %swap3A_335 : vector<1x16xf32> to vector<16xf32>
        %swap3A_337 = vector.shape_cast %mul3A_333 : vector<16xf32> to vector<1x16xf32>
        tpu.vector_store %arg8[%swap3A, %swap3A_334], %swap3A_337 {strides = array<i32>} : memref<64x128xf32, #tpu.memory_space<vmem>>, vector<1x16xf32>,
        %get3A_338 = arith.index_cast %scan3A_327 : i32 to index
        %get3A_339 = arith.constant 16 : index
        %get3A_340 = tpu.vector_load %arg8[%get3A_338, %get3A_339] {strides = array<i32>} : memref<64x128xf32, #tpu.memory_space<vmem>>, vector<1x16xf32>,
        %get3A_341 = vector.shape_cast %get3A_340 : vector<1x16xf32> to vector<16xf32>
        %mul3A_342 = arith.constant 11.3137083 : f32
        %mul3A_343 = vector.broadcast %mul3A_342 : f32 to vector<16xf32>
        %mul3A_344 = arith.mulf %get3A_341, %mul3A_343 : vector<16xf32>
        %swap3A_345 = arith.index_cast %scan3A_327 : i32 to index
        %swap3A_346 = arith.constant 16 : index
        %swap3A_347 = tpu.vector_load %arg8[%swap3A_345, %swap3A_346] {strides = array<i32>} : memref<64x128xf32, #tpu.memory_space<vmem>>, vector<1x16xf32>,
        %swap3A_348 = vector.shape_cast %swap3A_347 : vector<1x16xf32> to vector<16xf32>
        %swap3A_349 = vector.shape_cast %mul3A_344 : vector<16xf32> to vector<1x16xf32>
        tpu.vector_store %arg8[%swap3A_345, %swap3A_346], %swap3A_349 {strides = array<i32>} : memref<64x128xf32, #tpu.memory_space<vmem>>, vector<1x16xf32>,
        %get3A_350 = arith.index_cast %scan3A_327 : i32 to index
        %get3A_351 = arith.constant 32 : index
        %get3A_352 = tpu.vector_load %arg8[%get3A_350, %get3A_351] {strides = array<i32>} : memref<64x128xf32, #tpu.memory_space<vmem>>, vector<1x16xf32>,
        %get3A_353 = vector.shape_cast %get3A_352 : vector<1x16xf32> to vector<16xf32>
        %mul3A_354 = arith.constant 11.3137083 : f32
        %mul3A_355 = vector.broadcast %mul3A_354 : f32 to vector<16xf32>
        %mul3A_356 = arith.mulf %get3A_353, %mul3A_355 : vector<16xf32>
        %swap3A_357 = arith.index_cast %scan3A_327 : i32 to index
        %swap3A_358 = arith.constant 32 : index
        %swap3A_359 = tpu.vector_load %arg8[%swap3A_357, %swap3A_358] {strides = array<i32>} : memref<64x128xf32, #tpu.memory_space<vmem>>, vector<1x16xf32>,
        %swap3A_360 = vector.shape_cast %swap3A_359 : vector<1x16xf32> to vector<16xf32>
        %swap3A_361 = vector.shape_cast %mul3A_356 : vector<16xf32> to vector<1x16xf32>
        tpu.vector_store %arg8[%swap3A_357, %swap3A_358], %swap3A_361 {strides = array<i32>} : memref<64x128xf32, #tpu.memory_space<vmem>>, vector<1x16xf32>,
        %get3A_362 = arith.index_cast %scan3A_327 : i32 to index
        %get3A_363 = arith.constant 48 : index
        %get3A_364 = tpu.vector_load %arg8[%get3A_362, %get3A_363] {strides = array<i32>} : memref<64x128xf32, #tpu.memory_space<vmem>>, vector<1x16xf32>,
        %get3A_365 = vector.shape_cast %get3A_364 : vector<1x16xf32> to vector<16xf32>
        %mul3A_366 = arith.constant 11.3137083 : f32
        %mul3A_367 = vector.broadcast %mul3A_366 : f32 to vector<16xf32>
        %mul3A_368 = arith.mulf %get3A_365, %mul3A_367 : vector<16xf32>
        %swap3A_369 = arith.index_cast %scan3A_327 : i32 to index
        %swap3A_370 = arith.constant 48 : index
        %swap3A_371 = tpu.vector_load %arg8[%swap3A_369, %swap3A_370] {strides = array<i32>} : memref<64x128xf32, #tpu.memory_space<vmem>>, vector<1x16xf32>,
        %swap3A_372 = vector.shape_cast %swap3A_371 : vector<1x16xf32> to vector<16xf32>
        %swap3A_373 = vector.shape_cast %mul3A_368 : vector<16xf32> to vector<1x16xf32>
        tpu.vector_store %arg8[%swap3A_369, %swap3A_370], %swap3A_373 {strides = array<i32>} : memref<64x128xf32, #tpu.memory_space<vmem>>, vector<1x16xf32>,
        %get3A_374 = arith.index_cast %scan3A_327 : i32 to index
        %get3A_375 = arith.constant 64 : index
        %get3A_376 = tpu.vector_load %arg8[%get3A_374, %get3A_375] {strides = array<i32>} : memref<64x128xf32, #tpu.memory_space<vmem>>, vector<1x16xf32>,
        %get3A_377 = vector.shape_cast %get3A_376 : vector<1x16xf32> to vector<16xf32>
        %mul3A_378 = arith.constant 11.3137083 : f32
        %mul3A_379 = vector.broadcast %mul3A_378 : f32 to vector<16xf32>
        %mul3A_380 = arith.mulf %get3A_377, %mul3A_379 : vector<16xf32>
        %swap3A_381 = arith.index_cast %scan3A_327 : i32 to index
        %swap3A_382 = arith.constant 64 : index
        %swap3A_383 = tpu.vector_load %arg8[%swap3A_381, %swap3A_382] {strides = array<i32>} : memref<64x128xf32, #tpu.memory_space<vmem>>, vector<1x16xf32>,
        %swap3A_384 = vector.shape_cast %swap3A_383 : vector<1x16xf32> to vector<16xf32>
        %swap3A_385 = vector.shape_cast %mul3A_380 : vector<16xf32> to vector<1x16xf32>
        tpu.vector_store %arg8[%swap3A_381, %swap3A_382], %swap3A_385 {strides = array<i32>} : memref<64x128xf32, #tpu.memory_space<vmem>>, vector<1x16xf32>,
        %get3A_386 = arith.index_cast %scan3A_327 : i32 to index
        %get3A_387 = arith.constant 80 : index
        %get3A_388 = tpu.vector_load %arg8[%get3A_386, %get3A_387] {strides = array<i32>} : memref<64x128xf32, #tpu.memory_space<vmem>>, vector<1x16xf32>,
        %get3A_389 = vector.shape_cast %get3A_388 : vector<1x16xf32> to vector<16xf32>
        %mul3A_390 = arith.constant 11.3137083 : f32
        %mul3A_391 = vector.broadcast %mul3A_390 : f32 to vector<16xf32>
        %mul3A_392 = arith.mulf %get3A_389, %mul3A_391 : vector<16xf32>
        %swap3A_393 = arith.index_cast %scan3A_327 : i32 to index
        %swap3A_394 = arith.constant 80 : index
        %swap3A_395 = tpu.vector_load %arg8[%swap3A_393, %swap3A_394] {strides = array<i32>} : memref<64x128xf32, #tpu.memory_space<vmem>>, vector<1x16xf32>,
        %swap3A_396 = vector.shape_cast %swap3A_395 : vector<1x16xf32> to vector<16xf32>
        %swap3A_397 = vector.shape_cast %mul3A_392 : vector<16xf32> to vector<1x16xf32>
        tpu.vector_store %arg8[%swap3A_393, %swap3A_394], %swap3A_397 {strides = array<i32>} : memref<64x128xf32, #tpu.memory_space<vmem>>, vector<1x16xf32>,
        %get3A_398 = arith.index_cast %scan3A_327 : i32 to index
        %get3A_399 = arith.constant 96 : index
        %get3A_400 = tpu.vector_load %arg8[%get3A_398, %get3A_399] {strides = array<i32>} : memref<64x128xf32, #tpu.memory_space<vmem>>, vector<1x16xf32>,
        %get3A_401 = vector.shape_cast %get3A_400 : vector<1x16xf32> to vector<16xf32>
        %mul3A_402 = arith.constant 11.3137083 : f32
        %mul3A_403 = vector.broadcast %mul3A_402 : f32 to vector<16xf32>
        %mul3A_404 = arith.mulf %get3A_401, %mul3A_403 : vector<16xf32>
        %swap3A_405 = arith.index_cast %scan3A_327 : i32 to index
        %swap3A_406 = arith.constant 96 : index
        %swap3A_407 = tpu.vector_load %arg8[%swap3A_405, %swap3A_406] {strides = array<i32>} : memref<64x128xf32, #tpu.memory_space<vmem>>, vector<1x16xf32>,
        %swap3A_408 = vector.shape_cast %swap3A_407 : vector<1x16xf32> to vector<16xf32>
        %swap3A_409 = vector.shape_cast %mul3A_404 : vector<16xf32> to vector<1x16xf32>
        tpu.vector_store %arg8[%swap3A_405, %swap3A_406], %swap3A_409 {strides = array<i32>} : memref<64x128xf32, #tpu.memory_space<vmem>>, vector<1x16xf32>,
        %get3A_410 = arith.index_cast %scan3A_327 : i32 to index
        %get3A_411 = arith.constant 112 : index
        %get3A_412 = tpu.vector_load %arg8[%get3A_410, %get3A_411] {strides = array<i32>} : memref<64x128xf32, #tpu.memory_space<vmem>>, vector<1x16xf32>,
        %get3A_413 = vector.shape_cast %get3A_412 : vector<1x16xf32> to vector<16xf32>
        %mul3A_414 = arith.constant 11.3137083 : f32
        %mul3A_415 = vector.broadcast %mul3A_414 : f32 to vector<16xf32>
        %mul3A_416 = arith.mulf %get3A_413, %mul3A_415 : vector<16xf32>
        %swap3A_417 = arith.index_cast %scan3A_327 : i32 to index
        %swap3A_418 = arith.constant 112 : index
        %swap3A_419 = tpu.vector_load %arg8[%swap3A_417, %swap3A_418] {strides = array<i32>} : memref<64x128xf32, #tpu.memory_space<vmem>>, vector<1x16xf32>,
        %swap3A_420 = vector.shape_cast %swap3A_419 : vector<1x16xf32> to vector<16xf32>
        %swap3A_421 = vector.shape_cast %mul3A_416 : vector<16xf32> to vector<1x16xf32>
        tpu.vector_store %arg8[%swap3A_417, %swap3A_418], %swap3A_421 {strides = array<i32>} : memref<64x128xf32, #tpu.memory_space<vmem>>, vector<1x16xf32>,
      }
      %scan3A_282 = arith.constant 64 : i32
      %sub3A_283 = arith.constant 4 : i32
      %sub3A_284 = arith.subi %add3A_258, %sub3A_283 : i32
      %mul3A_285 = arith.constant 64 : i32
      %mul3A_286 = arith.muli %sub3A_284, %mul3A_285 : i32
      %add3A_287 = arith.addi %mul3A_2, %mul3A_286 : i32
      %dma_start3A_288 = arith.constant 0 : i32
      %dma_start3A_289 = tpu.memref_slice %arg4[%add3A_287, %dma_start3A_288] : memref<819200x128xf32, #tpu.memory_space<hbm>> -> memref<64x128xf32, #tpu.memory_space<hbm>>
      %dma_start3A_290 = arith.constant 0 : i32
      %dma_start3A_291 = tpu.memref_slice %arg4[%add3A_287, %dma_start3A_290] : memref<819200x128xf32, #tpu.memory_space<hbm>> -> memref<64x128xf32, #tpu.memory_space<hbm>>
      tpu.enqueue_dma source(%arg8 : memref<64x128xf32, #tpu.memory_space<vmem>>) target(%dma_start3A_291 : memref<64x128xf32, #tpu.memory_space<hbm>>) target_semaphore(%arg24 : memref<!tpu.dma_semaphore, #tpu.memory_space<semaphore_mem>>)
      %add3A_292 = arith.constant 7 : i32
      %add3A_293 = arith.addi %mul3A_118, %add3A_292 : i32
      %gt3A_294 = arith.constant 0 : i32
      %gt3A_295 = arith.cmpi sgt, %scan3A_116, %gt3A_294 : i32
      %convert_element_type3A_296 = arith.extui %gt3A_295 : i1 to i32
      %cond3A_297 = arith.constant 0 : i32
      %cond3A_298 = arith.cmpi ne, %convert_element_type3A_296, %cond3A_297 : i32
      scf.if %cond3A_298 {
        %dma_wait3A_327 = arith.constant 0 : i32
        %dma_wait3A_328 = tpu.memref_slice %arg4[%mul3A_2, %dma_wait3A_327] : memref<819200x128xf32, #tpu.memory_space<hbm>> -> memref<64x128xf32, #tpu.memory_space<hbm>>
        %dma_wait3A_329 = arith.constant 0 : i32
        %dma_wait3A_330 = tpu.memref_slice %arg4[%mul3A_2, %dma_wait3A_329] : memref<819200x128xf32, #tpu.memory_space<hbm>> -> memref<64x128xf32, #tpu.memory_space<hbm>>
        tpu.wait_dma2 semaphore(%arg29 : memref<!tpu.dma_semaphore, #tpu.memory_space<semaphore_mem>>) src(%arg13 : memref<64x128xf32, #tpu.memory_space<vmem>>) dst(%dma_wait3A_330 : memref<64x128xf32, #tpu.memory_space<hbm>>)
      } else {
      }
      %dma_start3A_299 = arith.constant 0 : i32
      %dma_start3A_300 = tpu.memref_slice %arg5[%add3A_293, %dma_start3A_299] : memref<400x64xi32, #tpu.memory_space<vmem>> -> memref<1x64xi32, #tpu.memory_space<vmem>>
      %dma_start3A_301 = tpu.memref_squeeze %dma_start3A_300 : memref<1x64xi32, #tpu.memory_space<vmem>> -> memref<64xi32, #tpu.memory_space<vmem>>
      %dma_start3A_302 = arith.constant 0 : i32
      %dma_start3A_303 = arith.constant 0 : i32
      %dma_start3A_304 = tpu.memref_slice %arg3[%dma_start3A_302, %dma_start3A_303] : memref<100000x128xf32, #tpu.memory_space<hbm>> -> memref<100000x128xf32, #tpu.memory_space<hbm>>
      tpu.enqueue_indirect_dma source(%dma_start3A_304 : memref<100000x128xf32, #tpu.memory_space<hbm>>) target(%arg13 : memref<64x128xf32, #tpu.memory_space<vmem>>) offsets(%dma_start3A_301 : memref<64xi32, #tpu.memory_space<vmem>>) semaphore(%arg21 : memref<!tpu.dma_semaphore, #tpu.memory_space<semaphore_mem>>)
      %dma_wait3A_305 = arith.constant 0 : i32
      %dma_wait3A_306 = arith.constant 0 : i32
      %dma_wait3A_307 = tpu.memref_slice %arg5[%dma_wait3A_305, %dma_wait3A_306] : memref<400x64xi32, #tpu.memory_space<vmem>> -> memref<1x64xi32, #tpu.memory_space<vmem>>
      %dma_wait3A_308 = tpu.memref_squeeze %dma_wait3A_307 : memref<1x64xi32, #tpu.memory_space<vmem>> -> memref<64xi32, #tpu.memory_space<vmem>>
      %dma_wait3A_309 = arith.constant 0 : i32
      %dma_wait3A_310 = arith.constant 0 : i32
      %dma_wait3A_311 = tpu.memref_slice %arg3[%dma_wait3A_309, %dma_wait3A_310] : memref<100000x128xf32, #tpu.memory_space<hbm>> -> memref<100000x128xf32, #tpu.memory_space<hbm>>
      tpu.wait_indirect_dma semaphore(%arg17 : memref<!tpu.dma_semaphore, #tpu.memory_space<semaphore_mem>>) src(%dma_wait3A_311 : memref<100000x128xf32, #tpu.memory_space<hbm>>) dst(%arg9 : memref<64x128xf32, #tpu.memory_space<vmem>>)
      %scan3A_312 = arith.constant 0 : i32
      %scan3A_313 = arith.constant 0 : i32
      %scan3A_314 = arith.constant 64 : i32
      %scan3A_315 = arith.addi %scan3A_313, %scan3A_314 : i32
      %scan3A_316 = arith.constant 1 : i32
      scf.for %scan3A_327 = %scan3A_313 to %scan3A_315 step %scan3A_316  : i32 {
        %get3A = arith.index_cast %scan3A_327 : i32 to index
        %get3A_328 = arith.constant 0 : index
        %get3A_329 = tpu.vector_load %arg9[%get3A, %get3A_328] {strides = array<i32>} : memref<64x128xf32, #tpu.memory_space<vmem>>, vector<1x16xf32>,
        %get3A_330 = vector.shape_cast %get3A_329 : vector<1x16xf32> to vector<16xf32>
        %mul3A_331 = arith.constant 11.3137083 : f32
        %mul3A_332 = vector.broadcast %mul3A_331 : f32 to vector<16xf32>
        %mul3A_333 = arith.mulf %get3A_330, %mul3A_332 : vector<16xf32>
        %swap3A = arith.index_cast %scan3A_327 : i32 to index
        %swap3A_334 = arith.constant 0 : index
        %swap3A_335 = tpu.vector_load %arg9[%swap3A, %swap3A_334] {strides = array<i32>} : memref<64x128xf32, #tpu.memory_space<vmem>>, vector<1x16xf32>,
        %swap3A_336 = vector.shape_cast %swap3A_335 : vector<1x16xf32> to vector<16xf32>
        %swap3A_337 = vector.shape_cast %mul3A_333 : vector<16xf32> to vector<1x16xf32>
        tpu.vector_store %arg9[%swap3A, %swap3A_334], %swap3A_337 {strides = array<i32>} : memref<64x128xf32, #tpu.memory_space<vmem>>, vector<1x16xf32>,
        %get3A_338 = arith.index_cast %scan3A_327 : i32 to index
        %get3A_339 = arith.constant 16 : index
        %get3A_340 = tpu.vector_load %arg9[%get3A_338, %get3A_339] {strides = array<i32>} : memref<64x128xf32, #tpu.memory_space<vmem>>, vector<1x16xf32>,
        %get3A_341 = vector.shape_cast %get3A_340 : vector<1x16xf32> to vector<16xf32>
        %mul3A_342 = arith.constant 11.3137083 : f32
        %mul3A_343 = vector.broadcast %mul3A_342 : f32 to vector<16xf32>
        %mul3A_344 = arith.mulf %get3A_341, %mul3A_343 : vector<16xf32>
        %swap3A_345 = arith.index_cast %scan3A_327 : i32 to index
        %swap3A_346 = arith.constant 16 : index
        %swap3A_347 = tpu.vector_load %arg9[%swap3A_345, %swap3A_346] {strides = array<i32>} : memref<64x128xf32, #tpu.memory_space<vmem>>, vector<1x16xf32>,
        %swap3A_348 = vector.shape_cast %swap3A_347 : vector<1x16xf32> to vector<16xf32>
        %swap3A_349 = vector.shape_cast %mul3A_344 : vector<16xf32> to vector<1x16xf32>
        tpu.vector_store %arg9[%swap3A_345, %swap3A_346], %swap3A_349 {strides = array<i32>} : memref<64x128xf32, #tpu.memory_space<vmem>>, vector<1x16xf32>,
        %get3A_350 = arith.index_cast %scan3A_327 : i32 to index
        %get3A_351 = arith.constant 32 : index
        %get3A_352 = tpu.vector_load %arg9[%get3A_350, %get3A_351] {strides = array<i32>} : memref<64x128xf32, #tpu.memory_space<vmem>>, vector<1x16xf32>,
        %get3A_353 = vector.shape_cast %get3A_352 : vector<1x16xf32> to vector<16xf32>
        %mul3A_354 = arith.constant 11.3137083 : f32
        %mul3A_355 = vector.broadcast %mul3A_354 : f32 to vector<16xf32>
        %mul3A_356 = arith.mulf %get3A_353, %mul3A_355 : vector<16xf32>
        %swap3A_357 = arith.index_cast %scan3A_327 : i32 to index
        %swap3A_358 = arith.constant 32 : index
        %swap3A_359 = tpu.vector_load %arg9[%swap3A_357, %swap3A_358] {strides = array<i32>} : memref<64x128xf32, #tpu.memory_space<vmem>>, vector<1x16xf32>,
        %swap3A_360 = vector.shape_cast %swap3A_359 : vector<1x16xf32> to vector<16xf32>
        %swap3A_361 = vector.shape_cast %mul3A_356 : vector<16xf32> to vector<1x16xf32>
        tpu.vector_store %arg9[%swap3A_357, %swap3A_358], %swap3A_361 {strides = array<i32>} : memref<64x128xf32, #tpu.memory_space<vmem>>, vector<1x16xf32>,
        %get3A_362 = arith.index_cast %scan3A_327 : i32 to index
        %get3A_363 = arith.constant 48 : index
        %get3A_364 = tpu.vector_load %arg9[%get3A_362, %get3A_363] {strides = array<i32>} : memref<64x128xf32, #tpu.memory_space<vmem>>, vector<1x16xf32>,
        %get3A_365 = vector.shape_cast %get3A_364 : vector<1x16xf32> to vector<16xf32>
        %mul3A_366 = arith.constant 11.3137083 : f32
        %mul3A_367 = vector.broadcast %mul3A_366 : f32 to vector<16xf32>
        %mul3A_368 = arith.mulf %get3A_365, %mul3A_367 : vector<16xf32>
        %swap3A_369 = arith.index_cast %scan3A_327 : i32 to index
        %swap3A_370 = arith.constant 48 : index
        %swap3A_371 = tpu.vector_load %arg9[%swap3A_369, %swap3A_370] {strides = array<i32>} : memref<64x128xf32, #tpu.memory_space<vmem>>, vector<1x16xf32>,
        %swap3A_372 = vector.shape_cast %swap3A_371 : vector<1x16xf32> to vector<16xf32>
        %swap3A_373 = vector.shape_cast %mul3A_368 : vector<16xf32> to vector<1x16xf32>
        tpu.vector_store %arg9[%swap3A_369, %swap3A_370], %swap3A_373 {strides = array<i32>} : memref<64x128xf32, #tpu.memory_space<vmem>>, vector<1x16xf32>,
        %get3A_374 = arith.index_cast %scan3A_327 : i32 to index
        %get3A_375 = arith.constant 64 : index
        %get3A_376 = tpu.vector_load %arg9[%get3A_374, %get3A_375] {strides = array<i32>} : memref<64x128xf32, #tpu.memory_space<vmem>>, vector<1x16xf32>,
        %get3A_377 = vector.shape_cast %get3A_376 : vector<1x16xf32> to vector<16xf32>
        %mul3A_378 = arith.constant 11.3137083 : f32
        %mul3A_379 = vector.broadcast %mul3A_378 : f32 to vector<16xf32>
        %mul3A_380 = arith.mulf %get3A_377, %mul3A_379 : vector<16xf32>
        %swap3A_381 = arith.index_cast %scan3A_327 : i32 to index
        %swap3A_382 = arith.constant 64 : index
        %swap3A_383 = tpu.vector_load %arg9[%swap3A_381, %swap3A_382] {strides = array<i32>} : memref<64x128xf32, #tpu.memory_space<vmem>>, vector<1x16xf32>,
        %swap3A_384 = vector.shape_cast %swap3A_383 : vector<1x16xf32> to vector<16xf32>
        %swap3A_385 = vector.shape_cast %mul3A_380 : vector<16xf32> to vector<1x16xf32>
        tpu.vector_store %arg9[%swap3A_381, %swap3A_382], %swap3A_385 {strides = array<i32>} : memref<64x128xf32, #tpu.memory_space<vmem>>, vector<1x16xf32>,
        %get3A_386 = arith.index_cast %scan3A_327 : i32 to index
        %get3A_387 = arith.constant 80 : index
        %get3A_388 = tpu.vector_load %arg9[%get3A_386, %get3A_387] {strides = array<i32>} : memref<64x128xf32, #tpu.memory_space<vmem>>, vector<1x16xf32>,
        %get3A_389 = vector.shape_cast %get3A_388 : vector<1x16xf32> to vector<16xf32>
        %mul3A_390 = arith.constant 11.3137083 : f32
        %mul3A_391 = vector.broadcast %mul3A_390 : f32 to vector<16xf32>
        %mul3A_392 = arith.mulf %get3A_389, %mul3A_391 : vector<16xf32>
        %swap3A_393 = arith.index_cast %scan3A_327 : i32 to index
        %swap3A_394 = arith.constant 80 : index
        %swap3A_395 = tpu.vector_load %arg9[%swap3A_393, %swap3A_394] {strides = array<i32>} : memref<64x128xf32, #tpu.memory_space<vmem>>, vector<1x16xf32>,
        %swap3A_396 = vector.shape_cast %swap3A_395 : vector<1x16xf32> to vector<16xf32>
        %swap3A_397 = vector.shape_cast %mul3A_392 : vector<16xf32> to vector<1x16xf32>
        tpu.vector_store %arg9[%swap3A_393, %swap3A_394], %swap3A_397 {strides = array<i32>} : memref<64x128xf32, #tpu.memory_space<vmem>>, vector<1x16xf32>,
        %get3A_398 = arith.index_cast %scan3A_327 : i32 to index
        %get3A_399 = arith.constant 96 : index
        %get3A_400 = tpu.vector_load %arg9[%get3A_398, %get3A_399] {strides = array<i32>} : memref<64x128xf32, #tpu.memory_space<vmem>>, vector<1x16xf32>,
        %get3A_401 = vector.shape_cast %get3A_400 : vector<1x16xf32> to vector<16xf32>
        %mul3A_402 = arith.constant 11.3137083 : f32
        %mul3A_403 = vector.broadcast %mul3A_402 : f32 to vector<16xf32>
        %mul3A_404 = arith.mulf %get3A_401, %mul3A_403 : vector<16xf32>
        %swap3A_405 = arith.index_cast %scan3A_327 : i32 to index
        %swap3A_406 = arith.constant 96 : index
        %swap3A_407 = tpu.vector_load %arg9[%swap3A_405, %swap3A_406] {strides = array<i32>} : memref<64x128xf32, #tpu.memory_space<vmem>>, vector<1x16xf32>,
        %swap3A_408 = vector.shape_cast %swap3A_407 : vector<1x16xf32> to vector<16xf32>
        %swap3A_409 = vector.shape_cast %mul3A_404 : vector<16xf32> to vector<1x16xf32>
        tpu.vector_store %arg9[%swap3A_405, %swap3A_406], %swap3A_409 {strides = array<i32>} : memref<64x128xf32, #tpu.memory_space<vmem>>, vector<1x16xf32>,
        %get3A_410 = arith.index_cast %scan3A_327 : i32 to index
        %get3A_411 = arith.constant 112 : index
        %get3A_412 = tpu.vector_load %arg9[%get3A_410, %get3A_411] {strides = array<i32>} : memref<64x128xf32, #tpu.memory_space<vmem>>, vector<1x16xf32>,
        %get3A_413 = vector.shape_cast %get3A_412 : vector<1x16xf32> to vector<16xf32>
        %mul3A_414 = arith.constant 11.3137083 : f32
        %mul3A_415 = vector.broadcast %mul3A_414 : f32 to vector<16xf32>
        %mul3A_416 = arith.mulf %get3A_413, %mul3A_415 : vector<16xf32>
        %swap3A_417 = arith.index_cast %scan3A_327 : i32 to index
        %swap3A_418 = arith.constant 112 : index
        %swap3A_419 = tpu.vector_load %arg9[%swap3A_417, %swap3A_418] {strides = array<i32>} : memref<64x128xf32, #tpu.memory_space<vmem>>, vector<1x16xf32>,
        %swap3A_420 = vector.shape_cast %swap3A_419 : vector<1x16xf32> to vector<16xf32>
        %swap3A_421 = vector.shape_cast %mul3A_416 : vector<16xf32> to vector<1x16xf32>
        tpu.vector_store %arg9[%swap3A_417, %swap3A_418], %swap3A_421 {strides = array<i32>} : memref<64x128xf32, #tpu.memory_space<vmem>>, vector<1x16xf32>,
      }
      %scan3A_317 = arith.constant 64 : i32
      %sub3A_318 = arith.constant 4 : i32
      %sub3A_319 = arith.subi %add3A_293, %sub3A_318 : i32
      %mul3A_320 = arith.constant 64 : i32
      %mul3A_321 = arith.muli %sub3A_319, %mul3A_320 : i32
      %add3A_322 = arith.addi %mul3A_2, %mul3A_321 : i32
      %dma_start3A_323 = arith.constant 0 : i32
      %dma_start3A_324 = tpu.memref_slice %arg4[%add3A_322, %dma_start3A_323] : memref<819200x128xf32, #tpu.memory_space<hbm>> -> memref<64x128xf32, #tpu.memory_space<hbm>>
      %dma_start3A_325 = arith.constant 0 : i32
      %dma_start3A_326 = tpu.memref_slice %arg4[%add3A_322, %dma_start3A_325] : memref<819200x128xf32, #tpu.memory_space<hbm>> -> memref<64x128xf32, #tpu.memory_space<hbm>>
      tpu.enqueue_dma source(%arg9 : memref<64x128xf32, #tpu.memory_space<vmem>>) target(%dma_start3A_326 : memref<64x128xf32, #tpu.memory_space<hbm>>) target_semaphore(%arg25 : memref<!tpu.dma_semaphore, #tpu.memory_space<semaphore_mem>>)
    }
    %scan3A_9 = arith.constant 50 : i32
    %dma_wait3A = arith.constant 0 : i32
    %dma_wait3A_10 = arith.constant 0 : i32
    %dma_wait3A_11 = tpu.memref_slice %arg5[%dma_wait3A, %dma_wait3A_10] : memref<400x64xi32, #tpu.memory_space<vmem>> -> memref<1x64xi32, #tpu.memory_space<vmem>>
    %dma_wait3A_12 = tpu.memref_squeeze %dma_wait3A_11 : memref<1x64xi32, #tpu.memory_space<vmem>> -> memref<64xi32, #tpu.memory_space<vmem>>
    %dma_wait3A_13 = arith.constant 0 : i32
    %dma_wait3A_14 = arith.constant 0 : i32
    %dma_wait3A_15 = tpu.memref_slice %arg3[%dma_wait3A_13, %dma_wait3A_14] : memref<100000x128xf32, #tpu.memory_space<hbm>> -> memref<100000x128xf32, #tpu.memory_space<hbm>>
    tpu.wait_indirect_dma semaphore(%arg18 : memref<!tpu.dma_semaphore, #tpu.memory_space<semaphore_mem>>) src(%dma_wait3A_15 : memref<100000x128xf32, #tpu.memory_space<hbm>>) dst(%arg10 : memref<64x128xf32, #tpu.memory_space<vmem>>)
    %scan3A_16 = arith.constant 0 : i32
    %scan3A_17 = arith.constant 0 : i32
    %scan3A_18 = arith.constant 64 : i32
    %scan3A_19 = arith.addi %scan3A_17, %scan3A_18 : i32
    %scan3A_20 = arith.constant 1 : i32
    scf.for %scan3A_116 = %scan3A_17 to %scan3A_19 step %scan3A_20  : i32 {
      %get3A = arith.index_cast %scan3A_116 : i32 to index
      %get3A_117 = arith.constant 0 : index
      %get3A_118 = tpu.vector_load %arg10[%get3A, %get3A_117] {strides = array<i32>} : memref<64x128xf32, #tpu.memory_space<vmem>>, vector<1x16xf32>,
      %get3A_119 = vector.shape_cast %get3A_118 : vector<1x16xf32> to vector<16xf32>
      %mul3A_120 = arith.constant 11.3137083 : f32
      %mul3A_121 = vector.broadcast %mul3A_120 : f32 to vector<16xf32>
      %mul3A_122 = arith.mulf %get3A_119, %mul3A_121 : vector<16xf32>
      %swap3A = arith.index_cast %scan3A_116 : i32 to index
      %swap3A_123 = arith.constant 0 : index
      %swap3A_124 = tpu.vector_load %arg10[%swap3A, %swap3A_123] {strides = array<i32>} : memref<64x128xf32, #tpu.memory_space<vmem>>, vector<1x16xf32>,
      %swap3A_125 = vector.shape_cast %swap3A_124 : vector<1x16xf32> to vector<16xf32>
      %swap3A_126 = vector.shape_cast %mul3A_122 : vector<16xf32> to vector<1x16xf32>
      tpu.vector_store %arg10[%swap3A, %swap3A_123], %swap3A_126 {strides = array<i32>} : memref<64x128xf32, #tpu.memory_space<vmem>>, vector<1x16xf32>,
      %get3A_127 = arith.index_cast %scan3A_116 : i32 to index
      %get3A_128 = arith.constant 16 : index
      %get3A_129 = tpu.vector_load %arg10[%get3A_127, %get3A_128] {strides = array<i32>} : memref<64x128xf32, #tpu.memory_space<vmem>>, vector<1x16xf32>,
      %get3A_130 = vector.shape_cast %get3A_129 : vector<1x16xf32> to vector<16xf32>
      %mul3A_131 = arith.constant 11.3137083 : f32
      %mul3A_132 = vector.broadcast %mul3A_131 : f32 to vector<16xf32>
      %mul3A_133 = arith.mulf %get3A_130, %mul3A_132 : vector<16xf32>
      %swap3A_134 = arith.index_cast %scan3A_116 : i32 to index
      %swap3A_135 = arith.constant 16 : index
      %swap3A_136 = tpu.vector_load %arg10[%swap3A_134, %swap3A_135] {strides = array<i32>} : memref<64x128xf32, #tpu.memory_space<vmem>>, vector<1x16xf32>,
      %swap3A_137 = vector.shape_cast %swap3A_136 : vector<1x16xf32> to vector<16xf32>
      %swap3A_138 = vector.shape_cast %mul3A_133 : vector<16xf32> to vector<1x16xf32>
      tpu.vector_store %arg10[%swap3A_134, %swap3A_135], %swap3A_138 {strides = array<i32>} : memref<64x128xf32, #tpu.memory_space<vmem>>, vector<1x16xf32>,
      %get3A_139 = arith.index_cast %scan3A_116 : i32 to index
      %get3A_140 = arith.constant 32 : index
      %get3A_141 = tpu.vector_load %arg10[%get3A_139, %get3A_140] {strides = array<i32>} : memref<64x128xf32, #tpu.memory_space<vmem>>, vector<1x16xf32>,
      %get3A_142 = vector.shape_cast %get3A_141 : vector<1x16xf32> to vector<16xf32>
      %mul3A_143 = arith.constant 11.3137083 : f32
      %mul3A_144 = vector.broadcast %mul3A_143 : f32 to vector<16xf32>
      %mul3A_145 = arith.mulf %get3A_142, %mul3A_144 : vector<16xf32>
      %swap3A_146 = arith.index_cast %scan3A_116 : i32 to index
      %swap3A_147 = arith.constant 32 : index
      %swap3A_148 = tpu.vector_load %arg10[%swap3A_146, %swap3A_147] {strides = array<i32>} : memref<64x128xf32, #tpu.memory_space<vmem>>, vector<1x16xf32>,
      %swap3A_149 = vector.shape_cast %swap3A_148 : vector<1x16xf32> to vector<16xf32>
      %swap3A_150 = vector.shape_cast %mul3A_145 : vector<16xf32> to vector<1x16xf32>
      tpu.vector_store %arg10[%swap3A_146, %swap3A_147], %swap3A_150 {strides = array<i32>} : memref<64x128xf32, #tpu.memory_space<vmem>>, vector<1x16xf32>,
      %get3A_151 = arith.index_cast %scan3A_116 : i32 to index
      %get3A_152 = arith.constant 48 : index
      %get3A_153 = tpu.vector_load %arg10[%get3A_151, %get3A_152] {strides = array<i32>} : memref<64x128xf32, #tpu.memory_space<vmem>>, vector<1x16xf32>,
      %get3A_154 = vector.shape_cast %get3A_153 : vector<1x16xf32> to vector<16xf32>
      %mul3A_155 = arith.constant 11.3137083 : f32
      %mul3A_156 = vector.broadcast %mul3A_155 : f32 to vector<16xf32>
      %mul3A_157 = arith.mulf %get3A_154, %mul3A_156 : vector<16xf32>
      %swap3A_158 = arith.index_cast %scan3A_116 : i32 to index
      %swap3A_159 = arith.constant 48 : index
      %swap3A_160 = tpu.vector_load %arg10[%swap3A_158, %swap3A_159] {strides = array<i32>} : memref<64x128xf32, #tpu.memory_space<vmem>>, vector<1x16xf32>,
      %swap3A_161 = vector.shape_cast %swap3A_160 : vector<1x16xf32> to vector<16xf32>
      %swap3A_162 = vector.shape_cast %mul3A_157 : vector<16xf32> to vector<1x16xf32>
      tpu.vector_store %arg10[%swap3A_158, %swap3A_159], %swap3A_162 {strides = array<i32>} : memref<64x128xf32, #tpu.memory_space<vmem>>, vector<1x16xf32>,
      %get3A_163 = arith.index_cast %scan3A_116 : i32 to index
      %get3A_164 = arith.constant 64 : index
      %get3A_165 = tpu.vector_load %arg10[%get3A_163, %get3A_164] {strides = array<i32>} : memref<64x128xf32, #tpu.memory_space<vmem>>, vector<1x16xf32>,
      %get3A_166 = vector.shape_cast %get3A_165 : vector<1x16xf32> to vector<16xf32>
      %mul3A_167 = arith.constant 11.3137083 : f32
      %mul3A_168 = vector.broadcast %mul3A_167 : f32 to vector<16xf32>
      %mul3A_169 = arith.mulf %get3A_166, %mul3A_168 : vector<16xf32>
      %swap3A_170 = arith.index_cast %scan3A_116 : i32 to index
      %swap3A_171 = arith.constant 64 : index
      %swap3A_172 = tpu.vector_load %arg10[%swap3A_170, %swap3A_171] {strides = array<i32>} : memref<64x128xf32, #tpu.memory_space<vmem>>, vector<1x16xf32>,
      %swap3A_173 = vector.shape_cast %swap3A_172 : vector<1x16xf32> to vector<16xf32>
      %swap3A_174 = vector.shape_cast %mul3A_169 : vector<16xf32> to vector<1x16xf32>
      tpu.vector_store %arg10[%swap3A_170, %swap3A_171], %swap3A_174 {strides = array<i32>} : memref<64x128xf32, #tpu.memory_space<vmem>>, vector<1x16xf32>,
      %get3A_175 = arith.index_cast %scan3A_116 : i32 to index
      %get3A_176 = arith.constant 80 : index
      %get3A_177 = tpu.vector_load %arg10[%get3A_175, %get3A_176] {strides = array<i32>} : memref<64x128xf32, #tpu.memory_space<vmem>>, vector<1x16xf32>,
      %get3A_178 = vector.shape_cast %get3A_177 : vector<1x16xf32> to vector<16xf32>
      %mul3A_179 = arith.constant 11.3137083 : f32
      %mul3A_180 = vector.broadcast %mul3A_179 : f32 to vector<16xf32>
      %mul3A_181 = arith.mulf %get3A_178, %mul3A_180 : vector<16xf32>
      %swap3A_182 = arith.index_cast %scan3A_116 : i32 to index
      %swap3A_183 = arith.constant 80 : index
      %swap3A_184 = tpu.vector_load %arg10[%swap3A_182, %swap3A_183] {strides = array<i32>} : memref<64x128xf32, #tpu.memory_space<vmem>>, vector<1x16xf32>,
      %swap3A_185 = vector.shape_cast %swap3A_184 : vector<1x16xf32> to vector<16xf32>
      %swap3A_186 = vector.shape_cast %mul3A_181 : vector<16xf32> to vector<1x16xf32>
      tpu.vector_store %arg10[%swap3A_182, %swap3A_183], %swap3A_186 {strides = array<i32>} : memref<64x128xf32, #tpu.memory_space<vmem>>, vector<1x16xf32>,
      %get3A_187 = arith.index_cast %scan3A_116 : i32 to index
      %get3A_188 = arith.constant 96 : index
      %get3A_189 = tpu.vector_load %arg10[%get3A_187, %get3A_188] {strides = array<i32>} : memref<64x128xf32, #tpu.memory_space<vmem>>, vector<1x16xf32>,
      %get3A_190 = vector.shape_cast %get3A_189 : vector<1x16xf32> to vector<16xf32>
      %mul3A_191 = arith.constant 11.3137083 : f32
      %mul3A_192 = vector.broadcast %mul3A_191 : f32 to vector<16xf32>
      %mul3A_193 = arith.mulf %get3A_190, %mul3A_192 : vector<16xf32>
      %swap3A_194 = arith.index_cast %scan3A_116 : i32 to index
      %swap3A_195 = arith.constant 96 : index
      %swap3A_196 = tpu.vector_load %arg10[%swap3A_194, %swap3A_195] {strides = array<i32>} : memref<64x128xf32, #tpu.memory_space<vmem>>, vector<1x16xf32>,
      %swap3A_197 = vector.shape_cast %swap3A_196 : vector<1x16xf32> to vector<16xf32>
      %swap3A_198 = vector.shape_cast %mul3A_193 : vector<16xf32> to vector<1x16xf32>
      tpu.vector_store %arg10[%swap3A_194, %swap3A_195], %swap3A_198 {strides = array<i32>} : memref<64x128xf32, #tpu.memory_space<vmem>>, vector<1x16xf32>,
      %get3A_199 = arith.index_cast %scan3A_116 : i32 to index
      %get3A_200 = arith.constant 112 : index
      %get3A_201 = tpu.vector_load %arg10[%get3A_199, %get3A_200] {strides = array<i32>} : memref<64x128xf32, #tpu.memory_space<vmem>>, vector<1x16xf32>,
      %get3A_202 = vector.shape_cast %get3A_201 : vector<1x16xf32> to vector<16xf32>
      %mul3A_203 = arith.constant 11.3137083 : f32
      %mul3A_204 = vector.broadcast %mul3A_203 : f32 to vector<16xf32>
      %mul3A_205 = arith.mulf %get3A_202, %mul3A_204 : vector<16xf32>
      %swap3A_206 = arith.index_cast %scan3A_116 : i32 to index
      %swap3A_207 = arith.constant 112 : index
      %swap3A_208 = tpu.vector_load %arg10[%swap3A_206, %swap3A_207] {strides = array<i32>} : memref<64x128xf32, #tpu.memory_space<vmem>>, vector<1x16xf32>,
      %swap3A_209 = vector.shape_cast %swap3A_208 : vector<1x16xf32> to vector<16xf32>
      %swap3A_210 = vector.shape_cast %mul3A_205 : vector<16xf32> to vector<1x16xf32>
      tpu.vector_store %arg10[%swap3A_206, %swap3A_207], %swap3A_210 {strides = array<i32>} : memref<64x128xf32, #tpu.memory_space<vmem>>, vector<1x16xf32>,
    }
    %scan3A_21 = arith.constant 64 : i32
    %add3A_22 = arith.constant 25344 : i32
    %add3A_23 = arith.addi %mul3A_2, %add3A_22 : i32
    %dma_start3A = arith.constant 0 : i32
    %dma_start3A_24 = tpu.memref_slice %arg4[%add3A_23, %dma_start3A] : memref<819200x128xf32, #tpu.memory_space<hbm>> -> memref<64x128xf32, #tpu.memory_space<hbm>>
    %dma_start3A_25 = arith.constant 0 : i32
    %dma_start3A_26 = tpu.memref_slice %arg4[%add3A_23, %dma_start3A_25] : memref<819200x128xf32, #tpu.memory_space<hbm>> -> memref<64x128xf32, #tpu.memory_space<hbm>>
    tpu.enqueue_dma source(%arg10 : memref<64x128xf32, #tpu.memory_space<vmem>>) target(%dma_start3A_26 : memref<64x128xf32, #tpu.memory_space<hbm>>) target_semaphore(%arg26 : memref<!tpu.dma_semaphore, #tpu.memory_space<semaphore_mem>>)
    %dma_wait3A_27 = arith.constant 0 : i32
    %dma_wait3A_28 = arith.constant 0 : i32
    %dma_wait3A_29 = tpu.memref_slice %arg5[%dma_wait3A_27, %dma_wait3A_28] : memref<400x64xi32, #tpu.memory_space<vmem>> -> memref<1x64xi32, #tpu.memory_space<vmem>>
    %dma_wait3A_30 = tpu.memref_squeeze %dma_wait3A_29 : memref<1x64xi32, #tpu.memory_space<vmem>> -> memref<64xi32, #tpu.memory_space<vmem>>
    %dma_wait3A_31 = arith.constant 0 : i32
    %dma_wait3A_32 = arith.constant 0 : i32
    %dma_wait3A_33 = tpu.memref_slice %arg3[%dma_wait3A_31, %dma_wait3A_32] : memref<100000x128xf32, #tpu.memory_space<hbm>> -> memref<100000x128xf32, #tpu.memory_space<hbm>>
    tpu.wait_indirect_dma semaphore(%arg19 : memref<!tpu.dma_semaphore, #tpu.memory_space<semaphore_mem>>) src(%dma_wait3A_33 : memref<100000x128xf32, #tpu.memory_space<hbm>>) dst(%arg11 : memref<64x128xf32, #tpu.memory_space<vmem>>)
    %scan3A_34 = arith.constant 0 : i32
    %scan3A_35 = arith.constant 0 : i32
    %scan3A_36 = arith.constant 64 : i32
    %scan3A_37 = arith.addi %scan3A_35, %scan3A_36 : i32
    %scan3A_38 = arith.constant 1 : i32
    scf.for %scan3A_116 = %scan3A_35 to %scan3A_37 step %scan3A_38  : i32 {
      %get3A = arith.index_cast %scan3A_116 : i32 to index
      %get3A_117 = arith.constant 0 : index
      %get3A_118 = tpu.vector_load %arg11[%get3A, %get3A_117] {strides = array<i32>} : memref<64x128xf32, #tpu.memory_space<vmem>>, vector<1x16xf32>,
      %get3A_119 = vector.shape_cast %get3A_118 : vector<1x16xf32> to vector<16xf32>
      %mul3A_120 = arith.constant 11.3137083 : f32
      %mul3A_121 = vector.broadcast %mul3A_120 : f32 to vector<16xf32>
      %mul3A_122 = arith.mulf %get3A_119, %mul3A_121 : vector<16xf32>
      %swap3A = arith.index_cast %scan3A_116 : i32 to index
      %swap3A_123 = arith.constant 0 : index
      %swap3A_124 = tpu.vector_load %arg11[%swap3A, %swap3A_123] {strides = array<i32>} : memref<64x128xf32, #tpu.memory_space<vmem>>, vector<1x16xf32>,
      %swap3A_125 = vector.shape_cast %swap3A_124 : vector<1x16xf32> to vector<16xf32>
      %swap3A_126 = vector.shape_cast %mul3A_122 : vector<16xf32> to vector<1x16xf32>
      tpu.vector_store %arg11[%swap3A, %swap3A_123], %swap3A_126 {strides = array<i32>} : memref<64x128xf32, #tpu.memory_space<vmem>>, vector<1x16xf32>,
      %get3A_127 = arith.index_cast %scan3A_116 : i32 to index
      %get3A_128 = arith.constant 16 : index
      %get3A_129 = tpu.vector_load %arg11[%get3A_127, %get3A_128] {strides = array<i32>} : memref<64x128xf32, #tpu.memory_space<vmem>>, vector<1x16xf32>,
      %get3A_130 = vector.shape_cast %get3A_129 : vector<1x16xf32> to vector<16xf32>
      %mul3A_131 = arith.constant 11.3137083 : f32
      %mul3A_132 = vector.broadcast %mul3A_131 : f32 to vector<16xf32>
      %mul3A_133 = arith.mulf %get3A_130, %mul3A_132 : vector<16xf32>
      %swap3A_134 = arith.index_cast %scan3A_116 : i32 to index
      %swap3A_135 = arith.constant 16 : index
      %swap3A_136 = tpu.vector_load %arg11[%swap3A_134, %swap3A_135] {strides = array<i32>} : memref<64x128xf32, #tpu.memory_space<vmem>>, vector<1x16xf32>,
      %swap3A_137 = vector.shape_cast %swap3A_136 : vector<1x16xf32> to vector<16xf32>
      %swap3A_138 = vector.shape_cast %mul3A_133 : vector<16xf32> to vector<1x16xf32>
      tpu.vector_store %arg11[%swap3A_134, %swap3A_135], %swap3A_138 {strides = array<i32>} : memref<64x128xf32, #tpu.memory_space<vmem>>, vector<1x16xf32>,
      %get3A_139 = arith.index_cast %scan3A_116 : i32 to index
      %get3A_140 = arith.constant 32 : index
      %get3A_141 = tpu.vector_load %arg11[%get3A_139, %get3A_140] {strides = array<i32>} : memref<64x128xf32, #tpu.memory_space<vmem>>, vector<1x16xf32>,
      %get3A_142 = vector.shape_cast %get3A_141 : vector<1x16xf32> to vector<16xf32>
      %mul3A_143 = arith.constant 11.3137083 : f32
      %mul3A_144 = vector.broadcast %mul3A_143 : f32 to vector<16xf32>
      %mul3A_145 = arith.mulf %get3A_142, %mul3A_144 : vector<16xf32>
      %swap3A_146 = arith.index_cast %scan3A_116 : i32 to index
      %swap3A_147 = arith.constant 32 : index
      %swap3A_148 = tpu.vector_load %arg11[%swap3A_146, %swap3A_147] {strides = array<i32>} : memref<64x128xf32, #tpu.memory_space<vmem>>, vector<1x16xf32>,
      %swap3A_149 = vector.shape_cast %swap3A_148 : vector<1x16xf32> to vector<16xf32>
      %swap3A_150 = vector.shape_cast %mul3A_145 : vector<16xf32> to vector<1x16xf32>
      tpu.vector_store %arg11[%swap3A_146, %swap3A_147], %swap3A_150 {strides = array<i32>} : memref<64x128xf32, #tpu.memory_space<vmem>>, vector<1x16xf32>,
      %get3A_151 = arith.index_cast %scan3A_116 : i32 to index
      %get3A_152 = arith.constant 48 : index
      %get3A_153 = tpu.vector_load %arg11[%get3A_151, %get3A_152] {strides = array<i32>} : memref<64x128xf32, #tpu.memory_space<vmem>>, vector<1x16xf32>,
      %get3A_154 = vector.shape_cast %get3A_153 : vector<1x16xf32> to vector<16xf32>
      %mul3A_155 = arith.constant 11.3137083 : f32
      %mul3A_156 = vector.broadcast %mul3A_155 : f32 to vector<16xf32>
      %mul3A_157 = arith.mulf %get3A_154, %mul3A_156 : vector<16xf32>
      %swap3A_158 = arith.index_cast %scan3A_116 : i32 to index
      %swap3A_159 = arith.constant 48 : index
      %swap3A_160 = tpu.vector_load %arg11[%swap3A_158, %swap3A_159] {strides = array<i32>} : memref<64x128xf32, #tpu.memory_space<vmem>>, vector<1x16xf32>,
      %swap3A_161 = vector.shape_cast %swap3A_160 : vector<1x16xf32> to vector<16xf32>
      %swap3A_162 = vector.shape_cast %mul3A_157 : vector<16xf32> to vector<1x16xf32>
      tpu.vector_store %arg11[%swap3A_158, %swap3A_159], %swap3A_162 {strides = array<i32>} : memref<64x128xf32, #tpu.memory_space<vmem>>, vector<1x16xf32>,
      %get3A_163 = arith.index_cast %scan3A_116 : i32 to index
      %get3A_164 = arith.constant 64 : index
      %get3A_165 = tpu.vector_load %arg11[%get3A_163, %get3A_164] {strides = array<i32>} : memref<64x128xf32, #tpu.memory_space<vmem>>, vector<1x16xf32>,
      %get3A_166 = vector.shape_cast %get3A_165 : vector<1x16xf32> to vector<16xf32>
      %mul3A_167 = arith.constant 11.3137083 : f32
      %mul3A_168 = vector.broadcast %mul3A_167 : f32 to vector<16xf32>
      %mul3A_169 = arith.mulf %get3A_166, %mul3A_168 : vector<16xf32>
      %swap3A_170 = arith.index_cast %scan3A_116 : i32 to index
      %swap3A_171 = arith.constant 64 : index
      %swap3A_172 = tpu.vector_load %arg11[%swap3A_170, %swap3A_171] {strides = array<i32>} : memref<64x128xf32, #tpu.memory_space<vmem>>, vector<1x16xf32>,
      %swap3A_173 = vector.shape_cast %swap3A_172 : vector<1x16xf32> to vector<16xf32>
      %swap3A_174 = vector.shape_cast %mul3A_169 : vector<16xf32> to vector<1x16xf32>
      tpu.vector_store %arg11[%swap3A_170, %swap3A_171], %swap3A_174 {strides = array<i32>} : memref<64x128xf32, #tpu.memory_space<vmem>>, vector<1x16xf32>,
      %get3A_175 = arith.index_cast %scan3A_116 : i32 to index
      %get3A_176 = arith.constant 80 : index
      %get3A_177 = tpu.vector_load %arg11[%get3A_175, %get3A_176] {strides = array<i32>} : memref<64x128xf32, #tpu.memory_space<vmem>>, vector<1x16xf32>,
      %get3A_178 = vector.shape_cast %get3A_177 : vector<1x16xf32> to vector<16xf32>
      %mul3A_179 = arith.constant 11.3137083 : f32
      %mul3A_180 = vector.broadcast %mul3A_179 : f32 to vector<16xf32>
      %mul3A_181 = arith.mulf %get3A_178, %mul3A_180 : vector<16xf32>
      %swap3A_182 = arith.index_cast %scan3A_116 : i32 to index
      %swap3A_183 = arith.constant 80 : index
      %swap3A_184 = tpu.vector_load %arg11[%swap3A_182, %swap3A_183] {strides = array<i32>} : memref<64x128xf32, #tpu.memory_space<vmem>>, vector<1x16xf32>,
      %swap3A_185 = vector.shape_cast %swap3A_184 : vector<1x16xf32> to vector<16xf32>
      %swap3A_186 = vector.shape_cast %mul3A_181 : vector<16xf32> to vector<1x16xf32>
      tpu.vector_store %arg11[%swap3A_182, %swap3A_183], %swap3A_186 {strides = array<i32>} : memref<64x128xf32, #tpu.memory_space<vmem>>, vector<1x16xf32>,
      %get3A_187 = arith.index_cast %scan3A_116 : i32 to index
      %get3A_188 = arith.constant 96 : index
      %get3A_189 = tpu.vector_load %arg11[%get3A_187, %get3A_188] {strides = array<i32>} : memref<64x128xf32, #tpu.memory_space<vmem>>, vector<1x16xf32>,
      %get3A_190 = vector.shape_cast %get3A_189 : vector<1x16xf32> to vector<16xf32>
      %mul3A_191 = arith.constant 11.3137083 : f32
      %mul3A_192 = vector.broadcast %mul3A_191 : f32 to vector<16xf32>
      %mul3A_193 = arith.mulf %get3A_190, %mul3A_192 : vector<16xf32>
      %swap3A_194 = arith.index_cast %scan3A_116 : i32 to index
      %swap3A_195 = arith.constant 96 : index
      %swap3A_196 = tpu.vector_load %arg11[%swap3A_194, %swap3A_195] {strides = array<i32>} : memref<64x128xf32, #tpu.memory_space<vmem>>, vector<1x16xf32>,
      %swap3A_197 = vector.shape_cast %swap3A_196 : vector<1x16xf32> to vector<16xf32>
      %swap3A_198 = vector.shape_cast %mul3A_193 : vector<16xf32> to vector<1x16xf32>
      tpu.vector_store %arg11[%swap3A_194, %swap3A_195], %swap3A_198 {strides = array<i32>} : memref<64x128xf32, #tpu.memory_space<vmem>>, vector<1x16xf32>,
      %get3A_199 = arith.index_cast %scan3A_116 : i32 to index
      %get3A_200 = arith.constant 112 : index
      %get3A_201 = tpu.vector_load %arg11[%get3A_199, %get3A_200] {strides = array<i32>} : memref<64x128xf32, #tpu.memory_space<vmem>>, vector<1x16xf32>,
      %get3A_202 = vector.shape_cast %get3A_201 : vector<1x16xf32> to vector<16xf32>
      %mul3A_203 = arith.constant 11.3137083 : f32
      %mul3A_204 = vector.broadcast %mul3A_203 : f32 to vector<16xf32>
      %mul3A_205 = arith.mulf %get3A_202, %mul3A_204 : vector<16xf32>
      %swap3A_206 = arith.index_cast %scan3A_116 : i32 to index
      %swap3A_207 = arith.constant 112 : index
      %swap3A_208 = tpu.vector_load %arg11[%swap3A_206, %swap3A_207] {strides = array<i32>} : memref<64x128xf32, #tpu.memory_space<vmem>>, vector<1x16xf32>,
      %swap3A_209 = vector.shape_cast %swap3A_208 : vector<1x16xf32> to vector<16xf32>
      %swap3A_210 = vector.shape_cast %mul3A_205 : vector<16xf32> to vector<1x16xf32>
      tpu.vector_store %arg11[%swap3A_206, %swap3A_207], %swap3A_210 {strides = array<i32>} : memref<64x128xf32, #tpu.memory_space<vmem>>, vector<1x16xf32>,
    }
    %scan3A_39 = arith.constant 64 : i32
    %add3A_40 = arith.constant 25408 : i32
    %add3A_41 = arith.addi %mul3A_2, %add3A_40 : i32
    %dma_start3A_42 = arith.constant 0 : i32
    %dma_start3A_43 = tpu.memref_slice %arg4[%add3A_41, %dma_start3A_42] : memref<819200x128xf32, #tpu.memory_space<hbm>> -> memref<64x128xf32, #tpu.memory_space<hbm>>
    %dma_start3A_44 = arith.constant 0 : i32
    %dma_start3A_45 = tpu.memref_slice %arg4[%add3A_41, %dma_start3A_44] : memref<819200x128xf32, #tpu.memory_space<hbm>> -> memref<64x128xf32, #tpu.memory_space<hbm>>
    tpu.enqueue_dma source(%arg11 : memref<64x128xf32, #tpu.memory_space<vmem>>) target(%dma_start3A_45 : memref<64x128xf32, #tpu.memory_space<hbm>>) target_semaphore(%arg27 : memref<!tpu.dma_semaphore, #tpu.memory_space<semaphore_mem>>)
    %dma_wait3A_46 = arith.constant 0 : i32
    %dma_wait3A_47 = arith.constant 0 : i32
    %dma_wait3A_48 = tpu.memref_slice %arg5[%dma_wait3A_46, %dma_wait3A_47] : memref<400x64xi32, #tpu.memory_space<vmem>> -> memref<1x64xi32, #tpu.memory_space<vmem>>
    %dma_wait3A_49 = tpu.memref_squeeze %dma_wait3A_48 : memref<1x64xi32, #tpu.memory_space<vmem>> -> memref<64xi32, #tpu.memory_space<vmem>>
    %dma_wait3A_50 = arith.constant 0 : i32
    %dma_wait3A_51 = arith.constant 0 : i32
    %dma_wait3A_52 = tpu.memref_slice %arg3[%dma_wait3A_50, %dma_wait3A_51] : memref<100000x128xf32, #tpu.memory_space<hbm>> -> memref<100000x128xf32, #tpu.memory_space<hbm>>
    tpu.wait_indirect_dma semaphore(%arg20 : memref<!tpu.dma_semaphore, #tpu.memory_space<semaphore_mem>>) src(%dma_wait3A_52 : memref<100000x128xf32, #tpu.memory_space<hbm>>) dst(%arg12 : memref<64x128xf32, #tpu.memory_space<vmem>>)
    %scan3A_53 = arith.constant 0 : i32
    %scan3A_54 = arith.constant 0 : i32
    %scan3A_55 = arith.constant 64 : i32
    %scan3A_56 = arith.addi %scan3A_54, %scan3A_55 : i32
    %scan3A_57 = arith.constant 1 : i32
    scf.for %scan3A_116 = %scan3A_54 to %scan3A_56 step %scan3A_57  : i32 {
      %get3A = arith.index_cast %scan3A_116 : i32 to index
      %get3A_117 = arith.constant 0 : index
      %get3A_118 = tpu.vector_load %arg12[%get3A, %get3A_117] {strides = array<i32>} : memref<64x128xf32, #tpu.memory_space<vmem>>, vector<1x16xf32>,
      %get3A_119 = vector.shape_cast %get3A_118 : vector<1x16xf32> to vector<16xf32>
      %mul3A_120 = arith.constant 11.3137083 : f32
      %mul3A_121 = vector.broadcast %mul3A_120 : f32 to vector<16xf32>
      %mul3A_122 = arith.mulf %get3A_119, %mul3A_121 : vector<16xf32>
      %swap3A = arith.index_cast %scan3A_116 : i32 to index
      %swap3A_123 = arith.constant 0 : index
      %swap3A_124 = tpu.vector_load %arg12[%swap3A, %swap3A_123] {strides = array<i32>} : memref<64x128xf32, #tpu.memory_space<vmem>>, vector<1x16xf32>,
      %swap3A_125 = vector.shape_cast %swap3A_124 : vector<1x16xf32> to vector<16xf32>
      %swap3A_126 = vector.shape_cast %mul3A_122 : vector<16xf32> to vector<1x16xf32>
      tpu.vector_store %arg12[%swap3A, %swap3A_123], %swap3A_126 {strides = array<i32>} : memref<64x128xf32, #tpu.memory_space<vmem>>, vector<1x16xf32>,
      %get3A_127 = arith.index_cast %scan3A_116 : i32 to index
      %get3A_128 = arith.constant 16 : index
      %get3A_129 = tpu.vector_load %arg12[%get3A_127, %get3A_128] {strides = array<i32>} : memref<64x128xf32, #tpu.memory_space<vmem>>, vector<1x16xf32>,
      %get3A_130 = vector.shape_cast %get3A_129 : vector<1x16xf32> to vector<16xf32>
      %mul3A_131 = arith.constant 11.3137083 : f32
      %mul3A_132 = vector.broadcast %mul3A_131 : f32 to vector<16xf32>
      %mul3A_133 = arith.mulf %get3A_130, %mul3A_132 : vector<16xf32>
      %swap3A_134 = arith.index_cast %scan3A_116 : i32 to index
      %swap3A_135 = arith.constant 16 : index
      %swap3A_136 = tpu.vector_load %arg12[%swap3A_134, %swap3A_135] {strides = array<i32>} : memref<64x128xf32, #tpu.memory_space<vmem>>, vector<1x16xf32>,
      %swap3A_137 = vector.shape_cast %swap3A_136 : vector<1x16xf32> to vector<16xf32>
      %swap3A_138 = vector.shape_cast %mul3A_133 : vector<16xf32> to vector<1x16xf32>
      tpu.vector_store %arg12[%swap3A_134, %swap3A_135], %swap3A_138 {strides = array<i32>} : memref<64x128xf32, #tpu.memory_space<vmem>>, vector<1x16xf32>,
      %get3A_139 = arith.index_cast %scan3A_116 : i32 to index
      %get3A_140 = arith.constant 32 : index
      %get3A_141 = tpu.vector_load %arg12[%get3A_139, %get3A_140] {strides = array<i32>} : memref<64x128xf32, #tpu.memory_space<vmem>>, vector<1x16xf32>,
      %get3A_142 = vector.shape_cast %get3A_141 : vector<1x16xf32> to vector<16xf32>
      %mul3A_143 = arith.constant 11.3137083 : f32
      %mul3A_144 = vector.broadcast %mul3A_143 : f32 to vector<16xf32>
      %mul3A_145 = arith.mulf %get3A_142, %mul3A_144 : vector<16xf32>
      %swap3A_146 = arith.index_cast %scan3A_116 : i32 to index
      %swap3A_147 = arith.constant 32 : index
      %swap3A_148 = tpu.vector_load %arg12[%swap3A_146, %swap3A_147] {strides = array<i32>} : memref<64x128xf32, #tpu.memory_space<vmem>>, vector<1x16xf32>,
      %swap3A_149 = vector.shape_cast %swap3A_148 : vector<1x16xf32> to vector<16xf32>
      %swap3A_150 = vector.shape_cast %mul3A_145 : vector<16xf32> to vector<1x16xf32>
      tpu.vector_store %arg12[%swap3A_146, %swap3A_147], %swap3A_150 {strides = array<i32>} : memref<64x128xf32, #tpu.memory_space<vmem>>, vector<1x16xf32>,
      %get3A_151 = arith.index_cast %scan3A_116 : i32 to index
      %get3A_152 = arith.constant 48 : index
      %get3A_153 = tpu.vector_load %arg12[%get3A_151, %get3A_152] {strides = array<i32>} : memref<64x128xf32, #tpu.memory_space<vmem>>, vector<1x16xf32>,
      %get3A_154 = vector.shape_cast %get3A_153 : vector<1x16xf32> to vector<16xf32>
      %mul3A_155 = arith.constant 11.3137083 : f32
      %mul3A_156 = vector.broadcast %mul3A_155 : f32 to vector<16xf32>
      %mul3A_157 = arith.mulf %get3A_154, %mul3A_156 : vector<16xf32>
      %swap3A_158 = arith.index_cast %scan3A_116 : i32 to index
      %swap3A_159 = arith.constant 48 : index
      %swap3A_160 = tpu.vector_load %arg12[%swap3A_158, %swap3A_159] {strides = array<i32>} : memref<64x128xf32, #tpu.memory_space<vmem>>, vector<1x16xf32>,
      %swap3A_161 = vector.shape_cast %swap3A_160 : vector<1x16xf32> to vector<16xf32>
      %swap3A_162 = vector.shape_cast %mul3A_157 : vector<16xf32> to vector<1x16xf32>
      tpu.vector_store %arg12[%swap3A_158, %swap3A_159], %swap3A_162 {strides = array<i32>} : memref<64x128xf32, #tpu.memory_space<vmem>>, vector<1x16xf32>,
      %get3A_163 = arith.index_cast %scan3A_116 : i32 to index
      %get3A_164 = arith.constant 64 : index
      %get3A_165 = tpu.vector_load %arg12[%get3A_163, %get3A_164] {strides = array<i32>} : memref<64x128xf32, #tpu.memory_space<vmem>>, vector<1x16xf32>,
      %get3A_166 = vector.shape_cast %get3A_165 : vector<1x16xf32> to vector<16xf32>
      %mul3A_167 = arith.constant 11.3137083 : f32
      %mul3A_168 = vector.broadcast %mul3A_167 : f32 to vector<16xf32>
      %mul3A_169 = arith.mulf %get3A_166, %mul3A_168 : vector<16xf32>
      %swap3A_170 = arith.index_cast %scan3A_116 : i32 to index
      %swap3A_171 = arith.constant 64 : index
      %swap3A_172 = tpu.vector_load %arg12[%swap3A_170, %swap3A_171] {strides = array<i32>} : memref<64x128xf32, #tpu.memory_space<vmem>>, vector<1x16xf32>,
      %swap3A_173 = vector.shape_cast %swap3A_172 : vector<1x16xf32> to vector<16xf32>
      %swap3A_174 = vector.shape_cast %mul3A_169 : vector<16xf32> to vector<1x16xf32>
      tpu.vector_store %arg12[%swap3A_170, %swap3A_171], %swap3A_174 {strides = array<i32>} : memref<64x128xf32, #tpu.memory_space<vmem>>, vector<1x16xf32>,
      %get3A_175 = arith.index_cast %scan3A_116 : i32 to index
      %get3A_176 = arith.constant 80 : index
      %get3A_177 = tpu.vector_load %arg12[%get3A_175, %get3A_176] {strides = array<i32>} : memref<64x128xf32, #tpu.memory_space<vmem>>, vector<1x16xf32>,
      %get3A_178 = vector.shape_cast %get3A_177 : vector<1x16xf32> to vector<16xf32>
      %mul3A_179 = arith.constant 11.3137083 : f32
      %mul3A_180 = vector.broadcast %mul3A_179 : f32 to vector<16xf32>
      %mul3A_181 = arith.mulf %get3A_178, %mul3A_180 : vector<16xf32>
      %swap3A_182 = arith.index_cast %scan3A_116 : i32 to index
      %swap3A_183 = arith.constant 80 : index
      %swap3A_184 = tpu.vector_load %arg12[%swap3A_182, %swap3A_183] {strides = array<i32>} : memref<64x128xf32, #tpu.memory_space<vmem>>, vector<1x16xf32>,
      %swap3A_185 = vector.shape_cast %swap3A_184 : vector<1x16xf32> to vector<16xf32>
      %swap3A_186 = vector.shape_cast %mul3A_181 : vector<16xf32> to vector<1x16xf32>
      tpu.vector_store %arg12[%swap3A_182, %swap3A_183], %swap3A_186 {strides = array<i32>} : memref<64x128xf32, #tpu.memory_space<vmem>>, vector<1x16xf32>,
      %get3A_187 = arith.index_cast %scan3A_116 : i32 to index
      %get3A_188 = arith.constant 96 : index
      %get3A_189 = tpu.vector_load %arg12[%get3A_187, %get3A_188] {strides = array<i32>} : memref<64x128xf32, #tpu.memory_space<vmem>>, vector<1x16xf32>,
      %get3A_190 = vector.shape_cast %get3A_189 : vector<1x16xf32> to vector<16xf32>
      %mul3A_191 = arith.constant 11.3137083 : f32
      %mul3A_192 = vector.broadcast %mul3A_191 : f32 to vector<16xf32>
      %mul3A_193 = arith.mulf %get3A_190, %mul3A_192 : vector<16xf32>
      %swap3A_194 = arith.index_cast %scan3A_116 : i32 to index
      %swap3A_195 = arith.constant 96 : index
      %swap3A_196 = tpu.vector_load %arg12[%swap3A_194, %swap3A_195] {strides = array<i32>} : memref<64x128xf32, #tpu.memory_space<vmem>>, vector<1x16xf32>,
      %swap3A_197 = vector.shape_cast %swap3A_196 : vector<1x16xf32> to vector<16xf32>
      %swap3A_198 = vector.shape_cast %mul3A_193 : vector<16xf32> to vector<1x16xf32>
      tpu.vector_store %arg12[%swap3A_194, %swap3A_195], %swap3A_198 {strides = array<i32>} : memref<64x128xf32, #tpu.memory_space<vmem>>, vector<1x16xf32>,
      %get3A_199 = arith.index_cast %scan3A_116 : i32 to index
      %get3A_200 = arith.constant 112 : index
      %get3A_201 = tpu.vector_load %arg12[%get3A_199, %get3A_200] {strides = array<i32>} : memref<64x128xf32, #tpu.memory_space<vmem>>, vector<1x16xf32>,
      %get3A_202 = vector.shape_cast %get3A_201 : vector<1x16xf32> to vector<16xf32>
      %mul3A_203 = arith.constant 11.3137083 : f32
      %mul3A_204 = vector.broadcast %mul3A_203 : f32 to vector<16xf32>
      %mul3A_205 = arith.mulf %get3A_202, %mul3A_204 : vector<16xf32>
      %swap3A_206 = arith.index_cast %scan3A_116 : i32 to index
      %swap3A_207 = arith.constant 112 : index
      %swap3A_208 = tpu.vector_load %arg12[%swap3A_206, %swap3A_207] {strides = array<i32>} : memref<64x128xf32, #tpu.memory_space<vmem>>, vector<1x16xf32>,
      %swap3A_209 = vector.shape_cast %swap3A_208 : vector<1x16xf32> to vector<16xf32>
      %swap3A_210 = vector.shape_cast %mul3A_205 : vector<16xf32> to vector<1x16xf32>
      tpu.vector_store %arg12[%swap3A_206, %swap3A_207], %swap3A_210 {strides = array<i32>} : memref<64x128xf32, #tpu.memory_space<vmem>>, vector<1x16xf32>,
    }
    %scan3A_58 = arith.constant 64 : i32
    %add3A_59 = arith.constant 25472 : i32
    %add3A_60 = arith.addi %mul3A_2, %add3A_59 : i32
    %dma_start3A_61 = arith.constant 0 : i32
    %dma_start3A_62 = tpu.memref_slice %arg4[%add3A_60, %dma_start3A_61] : memref<819200x128xf32, #tpu.memory_space<hbm>> -> memref<64x128xf32, #tpu.memory_space<hbm>>
    %dma_start3A_63 = arith.constant 0 : i32
    %dma_start3A_64 = tpu.memref_slice %arg4[%add3A_60, %dma_start3A_63] : memref<819200x128xf32, #tpu.memory_space<hbm>> -> memref<64x128xf32, #tpu.memory_space<hbm>>
    tpu.enqueue_dma source(%arg12 : memref<64x128xf32, #tpu.memory_space<vmem>>) target(%dma_start3A_64 : memref<64x128xf32, #tpu.memory_space<hbm>>) target_semaphore(%arg28 : memref<!tpu.dma_semaphore, #tpu.memory_space<semaphore_mem>>)
    %dma_wait3A_65 = arith.constant 0 : i32
    %dma_wait3A_66 = arith.constant 0 : i32
    %dma_wait3A_67 = tpu.memref_slice %arg5[%dma_wait3A_65, %dma_wait3A_66] : memref<400x64xi32, #tpu.memory_space<vmem>> -> memref<1x64xi32, #tpu.memory_space<vmem>>
    %dma_wait3A_68 = tpu.memref_squeeze %dma_wait3A_67 : memref<1x64xi32, #tpu.memory_space<vmem>> -> memref<64xi32, #tpu.memory_space<vmem>>
    %dma_wait3A_69 = arith.constant 0 : i32
    %dma_wait3A_70 = arith.constant 0 : i32
    %dma_wait3A_71 = tpu.memref_slice %arg3[%dma_wait3A_69, %dma_wait3A_70] : memref<100000x128xf32, #tpu.memory_space<hbm>> -> memref<100000x128xf32, #tpu.memory_space<hbm>>
    tpu.wait_indirect_dma semaphore(%arg21 : memref<!tpu.dma_semaphore, #tpu.memory_space<semaphore_mem>>) src(%dma_wait3A_71 : memref<100000x128xf32, #tpu.memory_space<hbm>>) dst(%arg13 : memref<64x128xf32, #tpu.memory_space<vmem>>)
    %scan3A_72 = arith.constant 0 : i32
    %scan3A_73 = arith.constant 0 : i32
    %scan3A_74 = arith.constant 64 : i32
    %scan3A_75 = arith.addi %scan3A_73, %scan3A_74 : i32
    %scan3A_76 = arith.constant 1 : i32
    scf.for %scan3A_116 = %scan3A_73 to %scan3A_75 step %scan3A_76  : i32 {
      %get3A = arith.index_cast %scan3A_116 : i32 to index
      %get3A_117 = arith.constant 0 : index
      %get3A_118 = tpu.vector_load %arg13[%get3A, %get3A_117] {strides = array<i32>} : memref<64x128xf32, #tpu.memory_space<vmem>>, vector<1x16xf32>,
      %get3A_119 = vector.shape_cast %get3A_118 : vector<1x16xf32> to vector<16xf32>
      %mul3A_120 = arith.constant 11.3137083 : f32
      %mul3A_121 = vector.broadcast %mul3A_120 : f32 to vector<16xf32>
      %mul3A_122 = arith.mulf %get3A_119, %mul3A_121 : vector<16xf32>
      %swap3A = arith.index_cast %scan3A_116 : i32 to index
      %swap3A_123 = arith.constant 0 : index
      %swap3A_124 = tpu.vector_load %arg13[%swap3A, %swap3A_123] {strides = array<i32>} : memref<64x128xf32, #tpu.memory_space<vmem>>, vector<1x16xf32>,
      %swap3A_125 = vector.shape_cast %swap3A_124 : vector<1x16xf32> to vector<16xf32>
      %swap3A_126 = vector.shape_cast %mul3A_122 : vector<16xf32> to vector<1x16xf32>
      tpu.vector_store %arg13[%swap3A, %swap3A_123], %swap3A_126 {strides = array<i32>} : memref<64x128xf32, #tpu.memory_space<vmem>>, vector<1x16xf32>,
      %get3A_127 = arith.index_cast %scan3A_116 : i32 to index
      %get3A_128 = arith.constant 16 : index
      %get3A_129 = tpu.vector_load %arg13[%get3A_127, %get3A_128] {strides = array<i32>} : memref<64x128xf32, #tpu.memory_space<vmem>>, vector<1x16xf32>,
      %get3A_130 = vector.shape_cast %get3A_129 : vector<1x16xf32> to vector<16xf32>
      %mul3A_131 = arith.constant 11.3137083 : f32
      %mul3A_132 = vector.broadcast %mul3A_131 : f32 to vector<16xf32>
      %mul3A_133 = arith.mulf %get3A_130, %mul3A_132 : vector<16xf32>
      %swap3A_134 = arith.index_cast %scan3A_116 : i32 to index
      %swap3A_135 = arith.constant 16 : index
      %swap3A_136 = tpu.vector_load %arg13[%swap3A_134, %swap3A_135] {strides = array<i32>} : memref<64x128xf32, #tpu.memory_space<vmem>>, vector<1x16xf32>,
      %swap3A_137 = vector.shape_cast %swap3A_136 : vector<1x16xf32> to vector<16xf32>
      %swap3A_138 = vector.shape_cast %mul3A_133 : vector<16xf32> to vector<1x16xf32>
      tpu.vector_store %arg13[%swap3A_134, %swap3A_135], %swap3A_138 {strides = array<i32>} : memref<64x128xf32, #tpu.memory_space<vmem>>, vector<1x16xf32>,
      %get3A_139 = arith.index_cast %scan3A_116 : i32 to index
      %get3A_140 = arith.constant 32 : index
      %get3A_141 = tpu.vector_load %arg13[%get3A_139, %get3A_140] {strides = array<i32>} : memref<64x128xf32, #tpu.memory_space<vmem>>, vector<1x16xf32>,
      %get3A_142 = vector.shape_cast %get3A_141 : vector<1x16xf32> to vector<16xf32>
      %mul3A_143 = arith.constant 11.3137083 : f32
      %mul3A_144 = vector.broadcast %mul3A_143 : f32 to vector<16xf32>
      %mul3A_145 = arith.mulf %get3A_142, %mul3A_144 : vector<16xf32>
      %swap3A_146 = arith.index_cast %scan3A_116 : i32 to index
      %swap3A_147 = arith.constant 32 : index
      %swap3A_148 = tpu.vector_load %arg13[%swap3A_146, %swap3A_147] {strides = array<i32>} : memref<64x128xf32, #tpu.memory_space<vmem>>, vector<1x16xf32>,
      %swap3A_149 = vector.shape_cast %swap3A_148 : vector<1x16xf32> to vector<16xf32>
      %swap3A_150 = vector.shape_cast %mul3A_145 : vector<16xf32> to vector<1x16xf32>
      tpu.vector_store %arg13[%swap3A_146, %swap3A_147], %swap3A_150 {strides = array<i32>} : memref<64x128xf32, #tpu.memory_space<vmem>>, vector<1x16xf32>,
      %get3A_151 = arith.index_cast %scan3A_116 : i32 to index
      %get3A_152 = arith.constant 48 : index
      %get3A_153 = tpu.vector_load %arg13[%get3A_151, %get3A_152] {strides = array<i32>} : memref<64x128xf32, #tpu.memory_space<vmem>>, vector<1x16xf32>,
      %get3A_154 = vector.shape_cast %get3A_153 : vector<1x16xf32> to vector<16xf32>
      %mul3A_155 = arith.constant 11.3137083 : f32
      %mul3A_156 = vector.broadcast %mul3A_155 : f32 to vector<16xf32>
      %mul3A_157 = arith.mulf %get3A_154, %mul3A_156 : vector<16xf32>
      %swap3A_158 = arith.index_cast %scan3A_116 : i32 to index
      %swap3A_159 = arith.constant 48 : index
      %swap3A_160 = tpu.vector_load %arg13[%swap3A_158, %swap3A_159] {strides = array<i32>} : memref<64x128xf32, #tpu.memory_space<vmem>>, vector<1x16xf32>,
      %swap3A_161 = vector.shape_cast %swap3A_160 : vector<1x16xf32> to vector<16xf32>
      %swap3A_162 = vector.shape_cast %mul3A_157 : vector<16xf32> to vector<1x16xf32>
      tpu.vector_store %arg13[%swap3A_158, %swap3A_159], %swap3A_162 {strides = array<i32>} : memref<64x128xf32, #tpu.memory_space<vmem>>, vector<1x16xf32>,
      %get3A_163 = arith.index_cast %scan3A_116 : i32 to index
      %get3A_164 = arith.constant 64 : index
      %get3A_165 = tpu.vector_load %arg13[%get3A_163, %get3A_164] {strides = array<i32>} : memref<64x128xf32, #tpu.memory_space<vmem>>, vector<1x16xf32>,
      %get3A_166 = vector.shape_cast %get3A_165 : vector<1x16xf32> to vector<16xf32>
      %mul3A_167 = arith.constant 11.3137083 : f32
      %mul3A_168 = vector.broadcast %mul3A_167 : f32 to vector<16xf32>
      %mul3A_169 = arith.mulf %get3A_166, %mul3A_168 : vector<16xf32>
      %swap3A_170 = arith.index_cast %scan3A_116 : i32 to index
      %swap3A_171 = arith.constant 64 : index
      %swap3A_172 = tpu.vector_load %arg13[%swap3A_170, %swap3A_171] {strides = array<i32>} : memref<64x128xf32, #tpu.memory_space<vmem>>, vector<1x16xf32>,
      %swap3A_173 = vector.shape_cast %swap3A_172 : vector<1x16xf32> to vector<16xf32>
      %swap3A_174 = vector.shape_cast %mul3A_169 : vector<16xf32> to vector<1x16xf32>
      tpu.vector_store %arg13[%swap3A_170, %swap3A_171], %swap3A_174 {strides = array<i32>} : memref<64x128xf32, #tpu.memory_space<vmem>>, vector<1x16xf32>,
      %get3A_175 = arith.index_cast %scan3A_116 : i32 to index
      %get3A_176 = arith.constant 80 : index
      %get3A_177 = tpu.vector_load %arg13[%get3A_175, %get3A_176] {strides = array<i32>} : memref<64x128xf32, #tpu.memory_space<vmem>>, vector<1x16xf32>,
      %get3A_178 = vector.shape_cast %get3A_177 : vector<1x16xf32> to vector<16xf32>
      %mul3A_179 = arith.constant 11.3137083 : f32
      %mul3A_180 = vector.broadcast %mul3A_179 : f32 to vector<16xf32>
      %mul3A_181 = arith.mulf %get3A_178, %mul3A_180 : vector<16xf32>
      %swap3A_182 = arith.index_cast %scan3A_116 : i32 to index
      %swap3A_183 = arith.constant 80 : index
      %swap3A_184 = tpu.vector_load %arg13[%swap3A_182, %swap3A_183] {strides = array<i32>} : memref<64x128xf32, #tpu.memory_space<vmem>>, vector<1x16xf32>,
      %swap3A_185 = vector.shape_cast %swap3A_184 : vector<1x16xf32> to vector<16xf32>
      %swap3A_186 = vector.shape_cast %mul3A_181 : vector<16xf32> to vector<1x16xf32>
      tpu.vector_store %arg13[%swap3A_182, %swap3A_183], %swap3A_186 {strides = array<i32>} : memref<64x128xf32, #tpu.memory_space<vmem>>, vector<1x16xf32>,
      %get3A_187 = arith.index_cast %scan3A_116 : i32 to index
      %get3A_188 = arith.constant 96 : index
      %get3A_189 = tpu.vector_load %arg13[%get3A_187, %get3A_188] {strides = array<i32>} : memref<64x128xf32, #tpu.memory_space<vmem>>, vector<1x16xf32>,
      %get3A_190 = vector.shape_cast %get3A_189 : vector<1x16xf32> to vector<16xf32>
      %mul3A_191 = arith.constant 11.3137083 : f32
      %mul3A_192 = vector.broadcast %mul3A_191 : f32 to vector<16xf32>
      %mul3A_193 = arith.mulf %get3A_190, %mul3A_192 : vector<16xf32>
      %swap3A_194 = arith.index_cast %scan3A_116 : i32 to index
      %swap3A_195 = arith.constant 96 : index
      %swap3A_196 = tpu.vector_load %arg13[%swap3A_194, %swap3A_195] {strides = array<i32>} : memref<64x128xf32, #tpu.memory_space<vmem>>, vector<1x16xf32>,
      %swap3A_197 = vector.shape_cast %swap3A_196 : vector<1x16xf32> to vector<16xf32>
      %swap3A_198 = vector.shape_cast %mul3A_193 : vector<16xf32> to vector<1x16xf32>
      tpu.vector_store %arg13[%swap3A_194, %swap3A_195], %swap3A_198 {strides = array<i32>} : memref<64x128xf32, #tpu.memory_space<vmem>>, vector<1x16xf32>,
      %get3A_199 = arith.index_cast %scan3A_116 : i32 to index
      %get3A_200 = arith.constant 112 : index
      %get3A_201 = tpu.vector_load %arg13[%get3A_199, %get3A_200] {strides = array<i32>} : memref<64x128xf32, #tpu.memory_space<vmem>>, vector<1x16xf32>,
      %get3A_202 = vector.shape_cast %get3A_201 : vector<1x16xf32> to vector<16xf32>
      %mul3A_203 = arith.constant 11.3137083 : f32
      %mul3A_204 = vector.broadcast %mul3A_203 : f32 to vector<16xf32>
      %mul3A_205 = arith.mulf %get3A_202, %mul3A_204 : vector<16xf32>
      %swap3A_206 = arith.index_cast %scan3A_116 : i32 to index
      %swap3A_207 = arith.constant 112 : index
      %swap3A_208 = tpu.vector_load %arg13[%swap3A_206, %swap3A_207] {strides = array<i32>} : memref<64x128xf32, #tpu.memory_space<vmem>>, vector<1x16xf32>,
      %swap3A_209 = vector.shape_cast %swap3A_208 : vector<1x16xf32> to vector<16xf32>
      %swap3A_210 = vector.shape_cast %mul3A_205 : vector<16xf32> to vector<1x16xf32>
      tpu.vector_store %arg13[%swap3A_206, %swap3A_207], %swap3A_210 {strides = array<i32>} : memref<64x128xf32, #tpu.memory_space<vmem>>, vector<1x16xf32>,
    }
    %scan3A_77 = arith.constant 64 : i32
    %add3A_78 = arith.constant 25536 : i32
    %add3A_79 = arith.addi %mul3A_2, %add3A_78 : i32
    %dma_start3A_80 = arith.constant 0 : i32
    %dma_start3A_81 = tpu.memref_slice %arg4[%add3A_79, %dma_start3A_80] : memref<819200x128xf32, #tpu.memory_space<hbm>> -> memref<64x128xf32, #tpu.memory_space<hbm>>
    %dma_start3A_82 = arith.constant 0 : i32
    %dma_start3A_83 = tpu.memref_slice %arg4[%add3A_79, %dma_start3A_82] : memref<819200x128xf32, #tpu.memory_space<hbm>> -> memref<64x128xf32, #tpu.memory_space<hbm>>
    tpu.enqueue_dma source(%arg13 : memref<64x128xf32, #tpu.memory_space<vmem>>) target(%dma_start3A_83 : memref<64x128xf32, #tpu.memory_space<hbm>>) target_semaphore(%arg29 : memref<!tpu.dma_semaphore, #tpu.memory_space<semaphore_mem>>)
    %dma_wait3A_84 = arith.constant 0 : i32
    %dma_wait3A_85 = tpu.memref_slice %arg4[%mul3A_2, %dma_wait3A_84] : memref<819200x128xf32, #tpu.memory_space<hbm>> -> memref<64x128xf32, #tpu.memory_space<hbm>>
    %dma_wait3A_86 = arith.constant 0 : i32
    %dma_wait3A_87 = tpu.memref_slice %arg4[%mul3A_2, %dma_wait3A_86] : memref<819200x128xf32, #tpu.memory_space<hbm>> -> memref<64x128xf32, #tpu.memory_space<hbm>>
    tpu.wait_dma2 semaphore(%arg22 : memref<!tpu.dma_semaphore, #tpu.memory_space<semaphore_mem>>) src(%arg6 : memref<64x128xf32, #tpu.memory_space<vmem>>) dst(%dma_wait3A_87 : memref<64x128xf32, #tpu.memory_space<hbm>>)
    %dma_wait3A_88 = arith.constant 0 : i32
    %dma_wait3A_89 = tpu.memref_slice %arg4[%mul3A_2, %dma_wait3A_88] : memref<819200x128xf32, #tpu.memory_space<hbm>> -> memref<64x128xf32, #tpu.memory_space<hbm>>
    %dma_wait3A_90 = arith.constant 0 : i32
    %dma_wait3A_91 = tpu.memref_slice %arg4[%mul3A_2, %dma_wait3A_90] : memref<819200x128xf32, #tpu.memory_space<hbm>> -> memref<64x128xf32, #tpu.memory_space<hbm>>
    tpu.wait_dma2 semaphore(%arg23 : memref<!tpu.dma_semaphore, #tpu.memory_space<semaphore_mem>>) src(%arg7 : memref<64x128xf32, #tpu.memory_space<vmem>>) dst(%dma_wait3A_91 : memref<64x128xf32, #tpu.memory_space<hbm>>)
    %dma_wait3A_92 = arith.constant 0 : i32
    %dma_wait3A_93 = tpu.memref_slice %arg4[%mul3A_2, %dma_wait3A_92] : memref<819200x128xf32, #tpu.memory_space<hbm>> -> memref<64x128xf32, #tpu.memory_space<hbm>>
    %dma_wait3A_94 = arith.constant 0 : i32
    %dma_wait3A_95 = tpu.memref_slice %arg4[%mul3A_2, %dma_wait3A_94] : memref<819200x128xf32, #tpu.memory_space<hbm>> -> memref<64x128xf32, #tpu.memory_space<hbm>>
    tpu.wait_dma2 semaphore(%arg24 : memref<!tpu.dma_semaphore, #tpu.memory_space<semaphore_mem>>) src(%arg8 : memref<64x128xf32, #tpu.memory_space<vmem>>) dst(%dma_wait3A_95 : memref<64x128xf32, #tpu.memory_space<hbm>>)
    %dma_wait3A_96 = arith.constant 0 : i32
    %dma_wait3A_97 = tpu.memref_slice %arg4[%mul3A_2, %dma_wait3A_96] : memref<819200x128xf32, #tpu.memory_space<hbm>> -> memref<64x128xf32, #tpu.memory_space<hbm>>
    %dma_wait3A_98 = arith.constant 0 : i32
    %dma_wait3A_99 = tpu.memref_slice %arg4[%mul3A_2, %dma_wait3A_98] : memref<819200x128xf32, #tpu.memory_space<hbm>> -> memref<64x128xf32, #tpu.memory_space<hbm>>
    tpu.wait_dma2 semaphore(%arg25 : memref<!tpu.dma_semaphore, #tpu.memory_space<semaphore_mem>>) src(%arg9 : memref<64x128xf32, #tpu.memory_space<vmem>>) dst(%dma_wait3A_99 : memref<64x128xf32, #tpu.memory_space<hbm>>)
    %dma_wait3A_100 = arith.constant 0 : i32
    %dma_wait3A_101 = tpu.memref_slice %arg4[%mul3A_2, %dma_wait3A_100] : memref<819200x128xf32, #tpu.memory_space<hbm>> -> memref<64x128xf32, #tpu.memory_space<hbm>>
    %dma_wait3A_102 = arith.constant 0 : i32
    %dma_wait3A_103 = tpu.memref_slice %arg4[%mul3A_2, %dma_wait3A_102] : memref<819200x128xf32, #tpu.memory_space<hbm>> -> memref<64x128xf32, #tpu.memory_space<hbm>>
    tpu.wait_dma2 semaphore(%arg26 : memref<!tpu.dma_semaphore, #tpu.memory_space<semaphore_mem>>) src(%arg10 : memref<64x128xf32, #tpu.memory_space<vmem>>) dst(%dma_wait3A_103 : memref<64x128xf32, #tpu.memory_space<hbm>>)
    %dma_wait3A_104 = arith.constant 0 : i32
    %dma_wait3A_105 = tpu.memref_slice %arg4[%mul3A_2, %dma_wait3A_104] : memref<819200x128xf32, #tpu.memory_space<hbm>> -> memref<64x128xf32, #tpu.memory_space<hbm>>
    %dma_wait3A_106 = arith.constant 0 : i32
    %dma_wait3A_107 = tpu.memref_slice %arg4[%mul3A_2, %dma_wait3A_106] : memref<819200x128xf32, #tpu.memory_space<hbm>> -> memref<64x128xf32, #tpu.memory_space<hbm>>
    tpu.wait_dma2 semaphore(%arg27 : memref<!tpu.dma_semaphore, #tpu.memory_space<semaphore_mem>>) src(%arg11 : memref<64x128xf32, #tpu.memory_space<vmem>>) dst(%dma_wait3A_107 : memref<64x128xf32, #tpu.memory_space<hbm>>)
    %dma_wait3A_108 = arith.constant 0 : i32
    %dma_wait3A_109 = tpu.memref_slice %arg4[%mul3A_2, %dma_wait3A_108] : memref<819200x128xf32, #tpu.memory_space<hbm>> -> memref<64x128xf32, #tpu.memory_space<hbm>>
    %dma_wait3A_110 = arith.constant 0 : i32
    %dma_wait3A_111 = tpu.memref_slice %arg4[%mul3A_2, %dma_wait3A_110] : memref<819200x128xf32, #tpu.memory_space<hbm>> -> memref<64x128xf32, #tpu.memory_space<hbm>>
    tpu.wait_dma2 semaphore(%arg28 : memref<!tpu.dma_semaphore, #tpu.memory_space<semaphore_mem>>) src(%arg12 : memref<64x128xf32, #tpu.memory_space<vmem>>) dst(%dma_wait3A_111 : memref<64x128xf32, #tpu.memory_space<hbm>>)
    %dma_wait3A_112 = arith.constant 0 : i32
    %dma_wait3A_113 = tpu.memref_slice %arg4[%mul3A_2, %dma_wait3A_112] : memref<819200x128xf32, #tpu.memory_space<hbm>> -> memref<64x128xf32, #tpu.memory_space<hbm>>
    %dma_wait3A_114 = arith.constant 0 : i32
    %dma_wait3A_115 = tpu.memref_slice %arg4[%mul3A_2, %dma_wait3A_114] : memref<819200x128xf32, #tpu.memory_space<hbm>> -> memref<64x128xf32, #tpu.memory_space<hbm>>
    tpu.wait_dma2 semaphore(%arg29 : memref<!tpu.dma_semaphore, #tpu.memory_space<semaphore_mem>>) src(%arg13 : memref<64x128xf32, #tpu.memory_space<vmem>>) dst(%dma_wait3A_115 : memref<64x128xf32, #tpu.memory_space<hbm>>)
    return
  }
}

</mosaic_0001>

<sc_bundles>
// kernel: _sc_embed.3.cloned.1.call-start
scs
__scs_entry_jumppad:
0x0: {  	(pc) =	sbr.rel $0x88, $3  }
0x1: {  	(tag) =	ssettag $0x0;
	lr =	simm.s32 $0x1  }
0x2: {  	[smem:$0x3F9F] =	sst lr;
	_ =	strace $0xD0000000  }
0x3: {  	_ = 	snop  }
0x4: {  	_ = 	snop  }
0x5: {  	_ = 	snop  }
0x6: {  	_ = 	snop  }
0x7: {  	_ = 	snop  }
__scs_overlays_trampoline_lowered:
0x8: {  	[smem:$0x3FAE] =	sst s0  }
0x9: {  	[smem:$0x3FAF] =	sst s1  }
0xa: {  	[smem:$0x3FB0] =	sst s2  }
0xb: {  	[smem:$0x3FB1] =	sst s3  }
0xc: {  	[smem:$0x3FB2] =	sst s4  }
0xd: {  	[smem:$0x3FB3] =	sst s5  }
0xe: {  	[smem:$0x3FB4] =	sst s6  }
0xf: {  	[smem:$0x3FB5] =	sst s7  }
0x10: {  	[smem:$0x3FB6] =	sst s8  }
0x11: {  	[smem:$0x3FB7] =	sst s9;
	s0 =	simm.s32 @!p0 $0x0  }
0x12: {  	s1 =	sld [smem:$0x3F9D];
	s0 =	simm.s32 @p0 $0x1  }
0x13: {  	[smem:$0x3FB8] =	sst s0;
	s0 =	simm.s32 @!p1 $0x0  }
0x14: {  	s2 =	sld [smem:$0x3F9C];
	s0 =	simm.s32 @p1 $0x1  }
0x15: {  	[smem:$0x3FB9] =	sst s0;
	s0 =	simm.s32 @!p2 $0x0  }
0x16: {  	s3 =	sld [smem:$0x3FDB];
	s0 =	simm.s32 @p2 $0x1  }
0x17: {  	s4 =	simm.s32 $0x1BF5;
	[smem:$0x3FBB] =	sst s0  }
0x18: {  	s0 =	sld [smem:$0x3F9E];
	_ =	swait.ge [sflag:s4], $0x0  }
0x19: {  	s7 =	sld [smem:$0x3F9F]  }
0x1a: {  	s8 =	sadd.s32 $0xFFFFE003, lr  }
0x1b: {  	s9 =	sadd.s32 $0xFFFFFEF7, lr;
	s5 =	simm.s32 $0xFFFFFFFF;
	p2 =	slt.u32 s8, $0xFFFFF086  }
0x1c: {  	p1 =	slt.u32 s9, $0xF7A;
	s5 =	simm.s32 @!p2 $0x0  }
0x1d: {  	s5 =	simm.s32 @p1 $0x1;
	p0 =	seq.s32 s7, s2  }
0x1e: {  	s7 =	smul.u32 @!p0 $0xF7A, s2;
	p2 =	seq.s32 @!p0 s5, $0x0  }
0x1f: {  	s9 =	smul.u32 $0xF7A, s1;
	s8 =	simm.s32 @!p0 $0x1BF5;
	p2 =	por !p2, p0  }
0x20: {  	[sflag:s8] =	ssyncset.s32 @!p0 $0xFFFFF086;
	s6 =	sadd.s32 @!p0 s3, s7;
	s7 =	simm.s32 @!p0 $0x108  }
0x21: {  	s3 =	sadd.s32 s3, s9;
	s6 =	sadd.s32 @!p0 $0x88, s6;
	s7 =	simm.s32 @p2 $0x1082  }
0x22: {  	[simem:s7], [sflag:s8] =	dma.local @!p0 [hbm:s6], $0xF7A  }
0x23: {  	s9 =	sor.u32 $0xD0000000, s2;
	s6 =	simm.s32 $0x108;
	_ =	swait.ge @!p0 [sflag:s8], $0x0  }
0x24: {  	s3 =	sadd.s32 $0x88, s3;
	s6 =	simm.s32 @!p1 $0x1082;
	[sflag:s4] =	ssyncset.s32 $0xFFFFF086  }
0x25: {  	[simem:s6], [sflag:s4] =	dma.local [hbm:s3], $0xF7A  }
0x26: {  	[smem:$0x3F9F] =	sst s1;
	(tag) =	ssettag s2;
	_ =	strace s9  }
0x27: {  	s1 =	sld [smem:$0x3FAF]  }
0x28: {  	s2 =	sld [smem:$0x3FB0]  }
0x29: {  	s4 =	sld [smem:$0x3FB2]  }
0x2a: {  	p0 =	seq.s32 s5, $0x0;
	s5 =	sld [smem:$0x3FB3]  }
0x2b: {  	s6 =	sld [smem:$0x3FB4]  }
0x2c: {  	s7 =	sld [smem:$0x3FB5]  }
0x2d: {  	s3 =	simm.s32 $0x108;
	s8 =	sld [smem:$0x3FB6]  }
0x2e: {  	s3 =	simm.s32 @!p0 $0x1082;
	s9 =	sld [smem:$0x3FB7]  }
0x2f: {  	lr =	sadd.s32 s0, s3;
	s0 =	sld [smem:$0x3FAE]  }
0x30: {  	s3 =	sld [smem:$0x3FB1]  }
0x31: {  	[smem:$0x3FBA] =	sst s10  }
0x32: {  	s10 =	sld [smem:$0x3FB8];
	_ =	sdelay $0x3  }
0x33: {  	p0 =	seq.s32 s10, $0x1;
	s10 =	sld [smem:$0x3FBA];
	_ =	sdelay $0x3  }
0x34: {  	[smem:$0x3FBA] =	sst s10  }
0x35: {  	s10 =	sld [smem:$0x3FB9];
	_ =	sdelay $0x3  }
0x36: {  	p1 =	seq.s32 s10, $0x1;
	s10 =	sld [smem:$0x3FBA];
	_ =	sdelay $0x3  }
0x37: {  	[smem:$0x3FBA] =	sst s10  }
0x38: {  	s10 =	sld [smem:$0x3FBB]  }
0x39: {  	_ = 	snop;
	(pc) =	sbr.ind lr, $3  }
0x3a: {  	_ = 	snop  }
0x3b: {  	_ = 	snop  }
0x3c: {  	p2 =	seq.s32 s10, $0x1;
	s10 =	sld [smem:$0x3FBA]  }
0x3d: {  	_ =	shalt  }
0x3e: {  	_ =	shalt  }
0x3f: {  	_ =	shalt  }
0x40: {  	_ =	shalt  }
0x41: {  	_ =	shalt  }
0x42: {  	_ =	shalt  }
0x43: {  	_ =	shalt  }
0x44: {  	_ =	shalt  }
0x45: {  	_ =	shalt  }
0x46: {  	_ =	shalt  }
0x47: {  	_ =	shalt  }
0x48: {  	_ =	shalt  }
0x49: {  	_ =	shalt  }
0x4a: {  	_ =	shalt  }
0x4b: {  	_ =	shalt  }
0x4c: {  	_ =	shalt  }
0x4d: {  	_ =	shalt  }
0x4e: {  	_ =	shalt  }
0x4f: {  	_ =	shalt  }
0x50: {  	_ =	shalt  }
0x51: {  	_ =	shalt  }
0x52: {  	_ =	shalt  }
0x53: {  	_ =	shalt  }
0x54: {  	_ =	shalt  }
0x55: {  	_ =	shalt  }
0x56: {  	_ =	shalt  }
0x57: {  	_ =	shalt  }
0x58: {  	_ =	shalt  }
0x59: {  	_ =	shalt  }
0x5a: {  	_ =	shalt  }
0x5b: {  	_ =	shalt  }
0x5c: {  	_ =	shalt  }
0x5d: {  	_ =	shalt  }
0x5e: {  	_ =	shalt  }
0x5f: {  	_ =	shalt  }
0x60: {  	_ =	shalt  }
0x61: {  	_ =	shalt  }
0x62: {  	_ =	shalt  }
0x63: {  	_ =	shalt  }
0x64: {  	_ =	shalt  }
0x65: {  	_ =	shalt  }
0x66: {  	_ =	shalt  }
0x67: {  	_ =	shalt  }
0x68: {  	_ =	shalt  }
0x69: {  	_ =	shalt  }
0x6a: {  	_ =	shalt  }
0x6b: {  	_ =	shalt  }
0x6c: {  	_ =	shalt  }
0x6d: {  	_ =	shalt  }
0x6e: {  	_ =	shalt  }
0x6f: {  	_ =	shalt  }
0x70: {  	_ =	shalt  }
0x71: {  	_ =	shalt  }
0x72: {  	_ =	shalt  }
0x73: {  	_ =	shalt  }
0x74: {  	_ =	shalt  }
0x75: {  	_ =	shalt  }
0x76: {  	_ =	shalt  }
0x77: {  	_ =	shalt  }
0x78: {  	_ =	shalt  }
0x79: {  	_ =	shalt  }
0x7a: {  	_ =	shalt  }
0x7b: {  	_ =	shalt  }
0x7c: {  	_ =	shalt  }
0x7d: {  	_ =	shalt  }
0x7e: {  	_ =	shalt  }
0x7f: {  	_ =	shalt  }
0x80: {  	_ =	shalt  }
0x81: {  	_ =	shalt  }
0x82: {  	_ =	shalt  }
0x83: {  	_ =	shalt  }
0x84: {  	_ =	shalt  }
0x85: {  	_ =	shalt  }
0x86: {  	_ =	shalt  }
0x87: {  	_ =	shalt  }
.Lfunc_end0:
.L_simem_size_0:
called_computation_lowered:
.L_overlay_start_0:
0x88: {  	s2 =	sld [smem:$0x3FD9]  }
0x89: {  	s3 =	sld [smem:$0x3FFE];
	_ =	sdelay $0x1  }
0x8a: {  	s1 =	srdreg.scid  }
0x8b: {  	s0 =	sand.u32 $0x1, s1  }
0x8c: {  	s17 =	sshll.u32 s0, $0xA;
	s2 =	sadd.s32 s3, s2  }
0x8d: {  	s2 =	sadd.s32 s2, s17  }
0x8e: {  	[smem:$0x3FC6] =	sst s2  }
0x8f: {  	_ = 	snop  }
0x90: {  	s2 =	sld [smem:$0x3FC8]  }
0x91: {  	s18 =	sld [smem:$0x3FD0];
	(tm) =	ssettm $0x1  }
0x92: {  	s4 =	sld [smem:$0x3FFB];
	_ =	sdelay $0x3  }
0x93: {  	_ =	strace s4  }
0x94: {  	s4 =	sld [smem:$0x3FFC];
	_ =	sdelay $0x3  }
0x95: {  	_ =	strace s4  }
0x96: {  	s4 =	sld [smem:$0x3FFD];
	_ =	sdelay $0x3  }
0x97: {  	_ =	strace s4  }
0x98: {  	_ =	strace $0x8FFFFFFF  }
0x99: {  	s19 =	sld [smem:$0x3FDB];
	_ =	sdelay $0x1  }
0x9a: {  	s5 =	simm.s32 $_scs_section_size  }
0x9b: {  	s6 =	simm.s32 $_size__tile_overlayer_lowered;
	s7 =	simm.s32 $_tile_overlayer_lowered  }
0x9c: {  	s22 =	simm.s32 $0x1BFF;
	s21 =	sshll.u32 s7, $0x1;
	s4 =	sadd.s32 s5, s19  }
0x9d: {  	s8 =	simm.s32 $0x0;
	s20 =	sshll.u32 s6, $0x1;
	s6 =	sadd.s32 s21, s4  }
0x9e: {  	[timem:s8], [sflag:s22] =	dma.local [hbm:s6], s20  }
0x9f: {  	_ =	swait.ge [sflag:s22], s20  }
0xa0: {  	s5 =	ssub.s32 $0x0, s20;
	[sflag:s22] =	ssyncset.done $0x0  }
0xa1: {  	[sflag:s22] =	ssyncadd.s32 s5;
	_ =	sdelay $0x1  }
0xa2: {  	s23 =	simm.s32 $0x1B8B  }
0xa3: {  	_ =	swait.ge [sflag:s23], $0x1  }
0xa4: {  	[sflag:s23] =	ssyncset.done $0x0  }
0xa5: {  	s25 =	simm.s32 $0x1B8E;
	s24 =	sld [smem:$0x3FFE];
	[sflag:s23] =	ssyncadd.s32 $0xFFFFFFFF  }
0xa6: {  	s26 =	simm.s32 $execute0_lowered;
	[smem:$0x3FD2] =	sst s25  }
0xa7: {  	s6 =	sshll.u32 s26, $0x1;
	_ =	strace $0x80000046;
	[dreg:$0x1] =	wrdreg $0xFFFFFFFF  }
0xa8: {  	s28 =	simm.s32 $_size_execute0_lowered;
	s4 =	sadd.s32 s4, s6;
	[dreg:$0x0] =	wrdreg $0x0  }
0xa9: {  	s6 =	sshll.u32 s28, $0x1;
	[dreg:$0x2] =	wrdreg s4  }
0xaa: {  	[dreg:$0x3] =	wrdreg s6  }
0xab: {  	[dreg:$0x4] =	wrdreg $0xC0  }
0xac: {  	_ =	task [dreg:s8], $0x5FFFF  }
0xad: {  	[dreg:$0x1] =	wrdreg $0xFFFFFFFF  }
0xae: {  	[dreg:$0x0] =	wrdreg $0x60  }
0xaf: {  	[dreg:$0x2] =	wrdreg s24  }
0xb0: {  	[dreg:$0x3] =	wrdreg s2  }
0xb1: {  	[dreg:$0x4] =	wrdreg s18  }
0xb2: {  	[dreg:$0x5] =	wrdreg $0x9  }
0xb3: {  	_ =	task.clear_ibuf [dreg:s8], $0x6FFFF;
	_ =	strace $0x90000046  }
0xb4: {  	s29 =	simm.s32 $0x9;
	_ =	strace $0x80000048  }
0xb5: {  	_ =	swait.ge [sflag:s29], $0x1  }
0xb6: {  	[sflag:s29] =	ssyncadd.s32 $0xFFFFFFFF  }
0xb7: {  	_ =	strace $0x90000048  }
0xb8: {  	_ =	sfence  }
0xb9: {  	s30 =	sld [smem:$0x0];
	_ =	sdelay $0x2  }
0xba: {  	s31 =	sshll.u32 s1, $0xD;
	s1 =	sshrl.u32 s1, $0x2  }
0xbb: {  	s3 =	sand.u32 $0x4000, s31;
	s1 =	sadd.s32 s1, s30  }
0xbc: {  	s0 =	sor.u32 s3, s0;
	s1 =	sshll.u32 s1, $0x11  }
0xbd: {  	s0 =	sor.u32 s1, s0  }
0xbe: {  	s0 =	sadd.s32 $0x8F2B, s0  }
0xbf: {  	[sflag:s0] =	ssyncadd.remote.s32 $0x1  }
0xc0: {  	_ =	sfence.sel $0xFFFF  }
0xc1: {  	[dreg:$0x0] =	wrdreg $0xFFFFFFFF;
	(pc) =	sbr.abs _section_cstart, $3  }
0xc2: {  	[dreg:$0x1] =	wrdreg $0xFFFFFFFF  }
0xc3: {  	_ =	task.clear_ibuf [dreg:s8], $0x2FFFF;
	_ =	strace $0x9FFFFFFF  }
0xc4: {  	(tm) =	ssettm $0x7FFFFFFF  }
0xc5: {  	_ =	shalt  }
tec
execute0_lowered:
.L_overlay_start_1:
0x0: {  	(tag) =	ssettag $0x1  }
0x1: {  	s0 =	rddreg [dreg:$0x0];
	s1 =	srdreg.scid  }
0x2: {  	s3 =	stileid.u32;
	s2 =	rddreg [dreg:$0x1]  }
0x3: {  	s17 =	simm.s32 $0x40;
	s18 =	simm.s32 $0xC800;
	s30 =	simm.s32 $0x14800  }
0x4: {  	s29 =	simm.s32 $0x2;
	s31 =	simm.s32 $0x3;
	s9 =	simm.s32 $0x8  }
0x5: {  	s10 =	simm.s32 $0x9;
	s1 =	sand.u32 $0x1, s1;
	s4 =	sshll.u32 s3, $0x1  }
0x6: {  	s11 =	simm.s32 $0xA;
	s16 =	simm.s32 $0xB;
	s6 =	sor.u32 s1, s4  }
0x7: {  	s3 =	rddreg [dreg:$0x2];
	s1 =	ssub.s32 $0x2, s1;
	s7 =	smul.u32 $0x1900, s6  }
0x8: {  	s4 =	simm.s32 $0x0;
	s5 =	smul.u32 $0x320000, s6;
	s8 =	sshrl.u32 s1, $0x1  }
0x9: {  	[smem:$0x7FF] =	sst s4;
	s6 =	smul.u32 $0x64000, s6;
	s1 =	ssub.s32 s1, s8  }
0xa: {  	_ =	strace $0x80000047;
	s0 =	sadd.s32 s7, s0;
	s1 =	smax.u32 s1, $0x1  }
0xb: {  	s23 =	sadd.s32 s3, s6;
	s0 =	sadd.s32 $0x400, s0;
	[dreg:$0x9] =	wrdreg s1  }
0xc: {  	s13 =	simm.s32 $0x0;
	s25 =	sadd.s32 $0xFFFFF000, s23;
	[dreg:$0x4] =	wrdreg s0  }
0xd: {  	s19 =	sshrl.u32 s5, $0x3;
	s26 =	sadd.s32 $0xFFFFF400, s23;
	[dreg:$0xa] =	wrdreg s25  }
0xe: {  	s7 =	sadd.s32 s3, s19;
	s28 =	sadd.s32 $0xFFFFF800, s23;
	[dreg:$0xb] =	wrdreg s26  }
0xf: {  	s8 =	simm.s32 $0x7;
	s20 =	sadd.s32 $0x63000, s7;
	[dreg:$0xc] =	wrdreg s28  }
0x10: {  	s6 =	simm.s32 $0x5;
	s21 =	sadd.s32 $0x63400, s7;
	[dreg:$0x5] =	wrdreg s20  }
0x11: {  	s19 =	simm.s32 $0xC;
	s22 =	sadd.s32 $0x63800, s7;
	[dreg:$0x6] =	wrdreg s21  }
0x12: {  	s24 =	sadd.s32 $0x63C00, s7;
	s0 =	sadd.s32 $0xFFFFFC00, s23;
	[dreg:$0x7] =	wrdreg s22  }
0x13: {  	s26 =	simm.s32 $0x1;
	s7 =	simm.s32 $0x6;
	[dreg:$0x8] =	wrdreg s24  }
0x14: {  	[dreg:$0xd] =	wrdreg s0;
	s20 =	simm.s32 $0xE800;
	s22 =	simm.s32 $0x10800  }
0x15: {  	s24 =	simm.s32 $0x12800;
	s0 =	simm.s32 $0x4;
	s21 =	simm.s32 $0xD  }
.LBB2_1:
0x16: {  	[dreg:$0xe] =	wrdreg s13  }
0x17: {  	s1 =	rddreg [dreg:$0x4];
	s28 =	simm.s32 $0x11  }
0x18: {  	[tilespmem:s4], [sflag:$0x11] =	stream.linear.gather [hbm4b:s1+s4], $0xC800, $0x38;
	[tilespmem:$0x1C800] =	vst v63  }
0x19: {  	_ =	swait.ge [sflag:s28], $0xC800  }
0x1a: {  	[sflag:s28] =	ssyncset.done $0x0  }
0x1b: {  	s23 =	simm.s32 $0x0;
	[sflag:s28] =	ssyncadd.s32 $0xFFFF3800  }
.LBB2_2:
0x1c: {  	p0 =	seq.s32 s23, $0x0  }
.Ltmp0:
0x1d: {  	_ = 	snop;
	(pc) =	sbr.rel @p0 .LBB2_31-.Ltmp0, $1  }
0x1e: {  	_ =	sdelay $0x3  }
0x1f: {  	_ =	swait.ge [sflag:s10], $0x2000  }
0x20: {  	s12 =	sshll.u32 s23, $0xC;
	[sflag:s10] =	ssyncset.done $0x0  }
0x21: {  	s13 =	sshrl.u32 s12, $0x2;
	[sflag:s10] =	ssyncadd.s32 $0xFFFFE000  }
0x22: {  	[tilespmem:s18], [sflag:$0x1] =	stream.indirect.gather [hbm4b:s2+s17], $0x80, s13, s17, $0xb8;
	[tilespmem:$0x1C800] =	vst v63  }
0x23: {  	_ =	swait.ge [sflag:s6], $0x2000  }
0x24: {  	[sflag:s6] =	ssyncset.done $0x0  }
0x25: {  	s13 =	simm.s32 $0x0;
	[sflag:s6] =	ssyncadd.s32 $0xFFFFE000  }
0x26: {  	v3 =	vld [tilespmem:s13+$0x14800]  }
0x27: {  	v5 =	vld [tilespmem:s13+$0x14810]  }
0x28: {  	v4 =	vld [tilespmem:s13+$0x14820]  }
0x29: {  	v2 =	vld [tilespmem:s13+$0x14830]  }
0x2a: {  	v0 =	vld [tilespmem:s13+$0x14840]  }
0x2b: {  	v1 =	vld [tilespmem:s13+$0x14850];
	v6 =	vmul.f32 $1.131370830e+01, v3  }
0x2c: {  	s15 =	sshll.u32 s23, $0x3;
	s14 =	simm.s32 $0x200;
	v5 =	vmul.f32 $1.131370830e+01, v5;
	v3 =	vld [tilespmem:s13+$0x14860]  }
.LBB2_4:
0x2d: {  	s25 =	sshra.s32 s14, $0x2;
	p1 =	seq.s32 s14, $0x7E00;
	[tilespmem:s13+$0x14800] =	vst v6;
	v4 =	vmul.f32 $1.131370830e+01, v4;
	v6 =	vld [tilespmem:s13+$0x14870]  }
0x2e: {  	v7 =	vld [tilespmem:s25+$0x14800];
	[tilespmem:s13+$0x14810] =	vst v5;
	v2 =	vmul.f32 $1.131370830e+01, v2  }
0x2f: {  	v5 =	vld [tilespmem:s25+$0x14810];
	[tilespmem:s13+$0x14820] =	vst v4;
	v0 =	vmul.f32 $1.131370830e+01, v0  }
.Ltmp1:
0x30: {  	v4 =	vld [tilespmem:s25+$0x14820];
	[tilespmem:s13+$0x14830] =	vst v2;
	v1 =	vmul.f32 $1.131370830e+01, v1;
	(pc) =	sbr.rel @!p1 .LBB2_4-.Ltmp1, $4  }
0x31: {  	v2 =	vld [tilespmem:s25+$0x14830];
	[tilespmem:s13+$0x14840] =	vst v0;
	v3 =	vmul.f32 $1.131370830e+01, v3  }
0x32: {  	v0 =	vld [tilespmem:s25+$0x14840];
	[tilespmem:s13+$0x14850] =	vst v1;
	v8 =	vmul.f32 $1.131370830e+01, v6  }
0x33: {  	v6 =	vmul.f32 $1.131370830e+01, v7;
	v1 =	vld [tilespmem:s25+$0x14850];
	[tilespmem:s13+$0x14860] =	vst v3  }
0x34: {  	s14 =	sadd.s32 $0x200, s14;
	v5 =	vmul.f32 $1.131370830e+01, v5;
	v3 =	vld [tilespmem:s25+$0x14860];
	[tilespmem:s13+$0x14870] =	vst v8;
	s13 =	smov.u32 s25  }
0x35: {  	[tilespmem:s13+$0x14800] =	vst v6;
	v4 =	vmul.f32 $1.131370830e+01, v4;
	v6 =	vld [tilespmem:s13+$0x14870]  }
0x36: {  	[tilespmem:s13+$0x14810] =	vst v5;
	v2 =	vmul.f32 $1.131370830e+01, v2  }
0x37: {  	[tilespmem:s13+$0x14820] =	vst v4;
	v0 =	vmul.f32 $1.131370830e+01, v0  }
0x38: {  	[tilespmem:s13+$0x14830] =	vst v2;
	v1 =	vmul.f32 $1.131370830e+01, v1  }
0x39: {  	[tilespmem:s13+$0x14840] =	vst v0;
	v0 =	vmul.f32 $1.131370830e+01, v3  }
0x3a: {  	[tilespmem:s13+$0x14850] =	vst v1;
	v1 =	vmul.f32 $1.131370830e+01, v6  }
0x3b: {  	s14 =	sshll.u32 s23, $0xD;
	s1 =	rddreg [dreg:$0xa];
	[tilespmem:s13+$0x14860] =	vst v0  }
0x3c: {  	s25 =	simm.s32 $0x0;
	s1 =	sadd.s32 s1, s14;
	[tilespmem:s13+$0x14870] =	vst v1  }
0x3d: {  	[hbm4b:s1+s25] =	stream.linear.scatter [tilespmem:s30], [sflag:$0xD], $0x2000, $0x38;
	[tilespmem:$0x1C800] =	vst v63  }
0x3e: {  	s13 =	sor.u32 $0x1, s15;
	_ =	swait.ge [sflag:s11], $0x2000  }
0x3f: {  	s30 =	sshll.u32 s13, $0x7;
	[sflag:s11] =	ssyncset.done $0x0  }
0x40: {  	s25 =	sand.u32 $0x3FFFFF80, s30;
	[sflag:s11] =	ssyncadd.s32 $0xFFFFE000  }
0x41: {  	[tilespmem:s20], [sflag:$0x2] =	stream.indirect.gather [hbm4b:s2+s17], $0x80, s25, s17, $0xb8;
	[tilespmem:$0x1C800] =	vst v63  }
0x42: {  	_ =	swait.ge [sflag:s7], $0x2000  }
0x43: {  	[sflag:s7] =	ssyncset.done $0x0  }
0x44: {  	s25 =	simm.s32 $0x0;
	[sflag:s7] =	ssyncadd.s32 $0xFFFFE000  }
0x45: {  	v3 =	vld [tilespmem:s25+$0x16800]  }
0x46: {  	v5 =	vld [tilespmem:s25+$0x16810]  }
0x47: {  	v4 =	vld [tilespmem:s25+$0x16820]  }
0x48: {  	v2 =	vld [tilespmem:s25+$0x16830]  }
0x49: {  	v0 =	vld [tilespmem:s25+$0x16840]  }
0x4a: {  	v1 =	vld [tilespmem:s25+$0x16850];
	v6 =	vmul.f32 $1.131370830e+01, v3  }
0x4b: {  	s28 =	simm.s32 $0x200;
	v5 =	vmul.f32 $1.131370830e+01, v5;
	v3 =	vld [tilespmem:s25+$0x16860]  }
.LBB2_6:
0x4c: {  	s30 =	sshra.s32 s28, $0x2;
	p1 =	sne.s32 s28, $0x7E00;
	[tilespmem:s25+$0x16800] =	vst v6;
	v4 =	vmul.f32 $1.131370830e+01, v4;
	v6 =	vld [tilespmem:s25+$0x16870]  }
0x4d: {  	v7 =	vld [tilespmem:s30+$0x16800];
	[tilespmem:s25+$0x16810] =	vst v5;
	v2 =	vmul.f32 $1.131370830e+01, v2  }
0x4e: {  	v5 =	vld [tilespmem:s30+$0x16810];
	[tilespmem:s25+$0x16820] =	vst v4;
	v0 =	vmul.f32 $1.131370830e+01, v0  }
.Ltmp2:
0x4f: {  	v4 =	vld [tilespmem:s30+$0x16820];
	[tilespmem:s25+$0x16830] =	vst v2;
	v1 =	vmul.f32 $1.131370830e+01, v1;
	(pc) =	sbr.rel @p1 .LBB2_6-.Ltmp2, $4  }
0x50: {  	v2 =	vld [tilespmem:s30+$0x16830];
	[tilespmem:s25+$0x16840] =	vst v0;
	v3 =	vmul.f32 $1.131370830e+01, v3  }
0x51: {  	v0 =	vld [tilespmem:s30+$0x16840];
	[tilespmem:s25+$0x16850] =	vst v1;
	v8 =	vmul.f32 $1.131370830e+01, v6  }
0x52: {  	v6 =	vmul.f32 $1.131370830e+01, v7;
	v1 =	vld [tilespmem:s30+$0x16850];
	[tilespmem:s25+$0x16860] =	vst v3  }
0x53: {  	s28 =	sadd.s32 $0x200, s28;
	v5 =	vmul.f32 $1.131370830e+01, v5;
	v3 =	vld [tilespmem:s30+$0x16860];
	[tilespmem:s25+$0x16870] =	vst v8;
	s25 =	smov.u32 s30  }
0x54: {  	[tilespmem:s25+$0x16800] =	vst v6;
	v4 =	vmul.f32 $1.131370830e+01, v4;
	v6 =	vld [tilespmem:s25+$0x16870]  }
0x55: {  	[tilespmem:s25+$0x16810] =	vst v5;
	v2 =	vmul.f32 $1.131370830e+01, v2  }
0x56: {  	[tilespmem:s25+$0x16820] =	vst v4;
	v0 =	vmul.f32 $1.131370830e+01, v0  }
0x57: {  	[tilespmem:s25+$0x16830] =	vst v2;
	v1 =	vmul.f32 $1.131370830e+01, v1  }
0x58: {  	[tilespmem:s25+$0x16840] =	vst v0;
	v0 =	vmul.f32 $1.131370830e+01, v3  }
0x59: {  	[tilespmem:s25+$0x16850] =	vst v1;
	v1 =	vmul.f32 $1.131370830e+01, v6  }
0x5a: {  	s1 =	rddreg [dreg:$0xb];
	[tilespmem:s25+$0x16860] =	vst v0  }
0x5b: {  	s28 =	simm.s32 $0x0;
	[tilespmem:s25+$0x16870] =	vst v1;
	s25 =	sadd.s32 s1, s14;
	s1 =	simm.s32 $0x16800  }
0x5c: {  	[hbm4b:s25+s28] =	stream.linear.scatter [tilespmem:s1], [sflag:$0xE], $0x2000, $0x38;
	[tilespmem:$0x1C800] =	vst v63  }
0x5d: {  	s25 =	sor.u32 $0x2, s15;
	_ =	swait.ge [sflag:s16], $0x2000  }
0x5e: {  	s28 =	sshll.u32 s25, $0x7;
	[sflag:s16] =	ssyncset.done $0x0  }
0x5f: {  	s28 =	sand.u32 $0x3FFFFF80, s28;
	[sflag:s16] =	ssyncadd.s32 $0xFFFFE000  }
0x60: {  	[tilespmem:s22], [sflag:$0x3] =	stream.indirect.gather [hbm4b:s2+s17], $0x80, s28, s17, $0xb8;
	[tilespmem:$0x1C800] =	vst v63  }
0x61: {  	_ =	swait.ge [sflag:s8], $0x2000  }
0x62: {  	[sflag:s8] =	ssyncset.done $0x0  }
0x63: {  	s28 =	simm.s32 $0x0;
	[sflag:s8] =	ssyncadd.s32 $0xFFFFE000  }
0x64: {  	v3 =	vld [tilespmem:s28+$0x18800]  }
0x65: {  	v5 =	vld [tilespmem:s28+$0x18810]  }
0x66: {  	v4 =	vld [tilespmem:s28+$0x18820]  }
0x67: {  	v2 =	vld [tilespmem:s28+$0x18830]  }
0x68: {  	v0 =	vld [tilespmem:s28+$0x18840]  }
0x69: {  	v1 =	vld [tilespmem:s28+$0x18850];
	v6 =	vmul.f32 $1.131370830e+01, v3  }
0x6a: {  	s30 =	simm.s32 $0x200;
	v5 =	vmul.f32 $1.131370830e+01, v5;
	v3 =	vld [tilespmem:s28+$0x18860]  }
.LBB2_8:
0x6b: {  	s1 =	sshra.s32 s30, $0x2;
	p1 =	sne.s32 s30, $0x7E00;
	[tilespmem:s28+$0x18800] =	vst v6;
	v4 =	vmul.f32 $1.131370830e+01, v4;
	v6 =	vld [tilespmem:s28+$0x18870]  }
0x6c: {  	v7 =	vld [tilespmem:s1+$0x18800];
	[tilespmem:s28+$0x18810] =	vst v5;
	v2 =	vmul.f32 $1.131370830e+01, v2  }
0x6d: {  	v5 =	vld [tilespmem:s1+$0x18810];
	[tilespmem:s28+$0x18820] =	vst v4;
	v0 =	vmul.f32 $1.131370830e+01, v0  }
.Ltmp3:
0x6e: {  	v4 =	vld [tilespmem:s1+$0x18820];
	[tilespmem:s28+$0x18830] =	vst v2;
	v1 =	vmul.f32 $1.131370830e+01, v1;
	(pc) =	sbr.rel @p1 .LBB2_8-.Ltmp3, $4  }
0x6f: {  	v2 =	vld [tilespmem:s1+$0x18830];
	[tilespmem:s28+$0x18840] =	vst v0;
	v3 =	vmul.f32 $1.131370830e+01, v3  }
0x70: {  	v0 =	vld [tilespmem:s1+$0x18840];
	[tilespmem:s28+$0x18850] =	vst v1;
	v8 =	vmul.f32 $1.131370830e+01, v6  }
0x71: {  	v6 =	vmul.f32 $1.131370830e+01, v7;
	v1 =	vld [tilespmem:s1+$0x18850];
	[tilespmem:s28+$0x18860] =	vst v3  }
0x72: {  	s30 =	sadd.s32 $0x200, s30;
	v5 =	vmul.f32 $1.131370830e+01, v5;
	v3 =	vld [tilespmem:s1+$0x18860];
	[tilespmem:s28+$0x18870] =	vst v8;
	s28 =	smov.u32 s1  }
0x73: {  	[tilespmem:s28+$0x18800] =	vst v6;
	v4 =	vmul.f32 $1.131370830e+01, v4;
	v6 =	vld [tilespmem:s28+$0x18870]  }
0x74: {  	[tilespmem:s28+$0x18810] =	vst v5;
	v2 =	vmul.f32 $1.131370830e+01, v2  }
0x75: {  	[tilespmem:s28+$0x18820] =	vst v4;
	v0 =	vmul.f32 $1.131370830e+01, v0  }
0x76: {  	[tilespmem:s28+$0x18830] =	vst v2;
	v1 =	vmul.f32 $1.131370830e+01, v1  }
0x77: {  	[tilespmem:s28+$0x18840] =	vst v0;
	v0 =	vmul.f32 $1.131370830e+01, v3  }
0x78: {  	[tilespmem:s28+$0x18850] =	vst v1;
	v1 =	vmul.f32 $1.131370830e+01, v6  }
0x79: {  	s1 =	rddreg [dreg:$0xc];
	[tilespmem:s28+$0x18860] =	vst v0  }
0x7a: {  	s30 =	simm.s32 $0x18800;
	s1 =	sadd.s32 s1, s14;
	[tilespmem:s28+$0x18870] =	vst v1;
	s28 =	simm.s32 $0x0  }
0x7b: {  	[hbm4b:s1+s28] =	stream.linear.scatter [tilespmem:s30], [sflag:$0xF], $0x2000, $0x38;
	[tilespmem:$0x1C800] =	vst v63  }
0x7c: {  	s28 =	sor.u32 $0x3, s15;
	_ =	swait.ge [sflag:s19], $0x2000  }
0x7d: {  	s15 =	sshll.u32 s28, $0x7;
	[sflag:s19] =	ssyncset.done $0x0  }
0x7e: {  	s1 =	sand.u32 $0x3FFFFF80, s15;
	[sflag:s19] =	ssyncadd.s32 $0xFFFFE000  }
0x7f: {  	[tilespmem:s24], [sflag:$0x4] =	stream.indirect.gather [hbm4b:s2+s17], $0x80, s1, s17, $0xb8;
	[tilespmem:$0x1C800] =	vst v63  }
0x80: {  	_ =	swait.ge [sflag:s9], $0x2000  }
0x81: {  	[sflag:s9] =	ssyncset.done $0x0  }
0x82: {  	s15 =	simm.s32 $0x0;
	[sflag:s9] =	ssyncadd.s32 $0xFFFFE000  }
0x83: {  	v3 =	vld [tilespmem:s15+$0x1A800]  }
0x84: {  	v5 =	vld [tilespmem:s15+$0x1A810]  }
0x85: {  	v4 =	vld [tilespmem:s15+$0x1A820]  }
0x86: {  	v2 =	vld [tilespmem:s15+$0x1A830]  }
0x87: {  	v0 =	vld [tilespmem:s15+$0x1A840]  }
0x88: {  	v1 =	vld [tilespmem:s15+$0x1A850];
	v6 =	vmul.f32 $1.131370830e+01, v3  }
0x89: {  	s30 =	simm.s32 $0x200;
	v5 =	vmul.f32 $1.131370830e+01, v5;
	v3 =	vld [tilespmem:s15+$0x1A860]  }
.LBB2_10:
0x8a: {  	s1 =	sshra.s32 s30, $0x2;
	p1 =	sne.s32 s30, $0x7E00;
	[tilespmem:s15+$0x1A800] =	vst v6;
	v4 =	vmul.f32 $1.131370830e+01, v4;
	v6 =	vld [tilespmem:s15+$0x1A870]  }
0x8b: {  	v7 =	vld [tilespmem:s1+$0x1A800];
	[tilespmem:s15+$0x1A810] =	vst v5;
	v2 =	vmul.f32 $1.131370830e+01, v2  }
0x8c: {  	v5 =	vld [tilespmem:s1+$0x1A810];
	[tilespmem:s15+$0x1A820] =	vst v4;
	v0 =	vmul.f32 $1.131370830e+01, v0  }
.Ltmp4:
0x8d: {  	v4 =	vld [tilespmem:s1+$0x1A820];
	[tilespmem:s15+$0x1A830] =	vst v2;
	v1 =	vmul.f32 $1.131370830e+01, v1;
	(pc) =	sbr.rel @p1 .LBB2_10-.Ltmp4, $4  }
0x8e: {  	v2 =	vld [tilespmem:s1+$0x1A830];
	[tilespmem:s15+$0x1A840] =	vst v0;
	v3 =	vmul.f32 $1.131370830e+01, v3  }
0x8f: {  	v0 =	vld [tilespmem:s1+$0x1A840];
	[tilespmem:s15+$0x1A850] =	vst v1;
	v8 =	vmul.f32 $1.131370830e+01, v6  }
0x90: {  	v6 =	vmul.f32 $1.131370830e+01, v7;
	v1 =	vld [tilespmem:s1+$0x1A850];
	[tilespmem:s15+$0x1A860] =	vst v3  }
0x91: {  	s30 =	sadd.s32 $0x200, s30;
	v5 =	vmul.f32 $1.131370830e+01, v5;
	v3 =	vld [tilespmem:s1+$0x1A860];
	[tilespmem:s15+$0x1A870] =	vst v8;
	s15 =	smov.u32 s1  }
0x92: {  	[tilespmem:s15+$0x1A800] =	vst v6;
	v4 =	vmul.f32 $1.131370830e+01, v4;
	v61 =	vld [tilespmem:s15+$0x1A870]  }
0x93: {  	[tilespmem:s15+$0x1A810] =	vst v5;
	v2 =	vmul.f32 $1.131370830e+01, v2  }
0x94: {  	[tilespmem:s15+$0x1A820] =	vst v4;
	v0 =	vmul.f32 $1.131370830e+01, v0  }
0x95: {  	[tilespmem:s15+$0x1A830] =	vst v2;
	v1 =	vmul.f32 $1.131370830e+01, v1  }
0x96: {  	[tilespmem:s15+$0x1A840] =	vst v0;
	v62 =	vmul.f32 $1.131370830e+01, v3  }
0x97: {  	[tilespmem:s15+$0x1A850] =	vst v1;
	v63 =	vmul.f32 $1.131370830e+01, v61  }
0x98: {  	s1 =	rddreg [dreg:$0xd];
	[tilespmem:s15+$0x1A860] =	vst v62  }
.Ltmp5:
0x99: {  	s1 =	sadd.s32 s1, s14;
	[tilespmem:s15+$0x1A870] =	vst v63;
	s15 =	simm.s32 $0x1A800;
	(pc) =	sbr.rel .LBB2_12-.Ltmp5, $4  }
0x9a: {  	[hbm4b:s1+s4] =	stream.linear.scatter [tilespmem:s15], [sflag:$0x10], $0x2000, $0x38;
	[tilespmem:$0x1C800] =	vst v63  }
0x9b: {  	_ =	swait.ge [sflag:s21], $0x2000  }
0x9c: {  	s30 =	simm.s32 $0x14800;
	s14 =	sshll.u32 s25, $0xD;
	[sflag:s21] =	ssyncset.done $0x0  }
0x9d: {  	s15 =	sshll.u32 s13, $0xD;
	s13 =	sshll.u32 s28, $0xD;
	[sflag:s21] =	ssyncadd.s32 $0xFFFFE000  }
.LBB2_31:
0x9e: {  	s12 =	simm.s32 $0x0  }
0x9f: {  	[tilespmem:s18], [sflag:$0x1] =	stream.indirect.gather [hbm4b:s2+s17], $0x80, s12, s17, $0xb8;
	[tilespmem:$0x1C800] =	vst v63  }
0xa0: {  	s1 =	simm.s32 $0x80  }
0xa1: {  	[tilespmem:s20], [sflag:$0x2] =	stream.indirect.gather [hbm4b:s2+s17], $0x80, s1, s17, $0xb8;
	[tilespmem:$0x1C800] =	vst v63  }
0xa2: {  	s25 =	simm.s32 $0x100;
	s28 =	simm.s32 $0x180  }
0xa3: {  	[tilespmem:s22], [sflag:$0x3] =	stream.indirect.gather [hbm4b:s2+s17], $0x80, s25, s17, $0xb8;
	[tilespmem:$0x1C800] =	vst v63  }
0xa4: {  	s13 =	simm.s32 $0x6000;
	s15 =	simm.s32 $0x2000;
	s14 =	simm.s32 $0x4000  }
0xa5: {  	[tilespmem:s24], [sflag:$0x4] =	stream.indirect.gather [hbm4b:s2+s17], $0x80, s28, s17, $0xb8;
	[tilespmem:$0x1C800] =	vst v63  }
.LBB2_12:
0xa6: {  	s12 =	sshrl.u32 s12, $0x2  }
0xa7: {  	s1 =	sadd.s32 $0x200, s12  }
0xa8: {  	[tilespmem:s30], [sflag:$0x5] =	stream.indirect.gather [hbm4b:s2+s17], $0x80, s1, s17, $0xb8;
	[tilespmem:$0x1C800] =	vst v63  }
0xa9: {  	_ =	swait.ge [sflag:s26], $0x2000  }
0xaa: {  	[sflag:s26] =	ssyncset.done $0x0  }
0xab: {  	s25 =	simm.s32 $0x0;
	[sflag:s26] =	ssyncadd.s32 $0xFFFFE000  }
0xac: {  	v3 =	vld [tilespmem:s25+$0xC800]  }
0xad: {  	v5 =	vld [tilespmem:s25+$0xC810]  }
0xae: {  	v4 =	vld [tilespmem:s25+$0xC820]  }
0xaf: {  	v2 =	vld [tilespmem:s25+$0xC830]  }
0xb0: {  	v0 =	vld [tilespmem:s25+$0xC840]  }
0xb1: {  	v1 =	vld [tilespmem:s25+$0xC850];
	v6 =	vmul.f32 $1.131370830e+01, v3  }
0xb2: {  	s28 =	simm.s32 $0x200;
	v5 =	vmul.f32 $1.131370830e+01, v5;
	v3 =	vld [tilespmem:s25+$0xC860]  }
.LBB2_13:
0xb3: {  	s1 =	sshra.s32 s28, $0x2;
	p1 =	sne.s32 s28, $0x7E00;
	[tilespmem:s25+$0xC800] =	vst v6;
	v4 =	vmul.f32 $1.131370830e+01, v4;
	v6 =	vld [tilespmem:s25+$0xC870]  }
0xb4: {  	v7 =	vld [tilespmem:s1+$0xC800];
	[tilespmem:s25+$0xC810] =	vst v5;
	v2 =	vmul.f32 $1.131370830e+01, v2  }
0xb5: {  	v5 =	vld [tilespmem:s1+$0xC810];
	[tilespmem:s25+$0xC820] =	vst v4;
	v0 =	vmul.f32 $1.131370830e+01, v0  }
.Ltmp6:
0xb6: {  	v4 =	vld [tilespmem:s1+$0xC820];
	[tilespmem:s25+$0xC830] =	vst v2;
	v1 =	vmul.f32 $1.131370830e+01, v1;
	(pc) =	sbr.rel @p1 .LBB2_13-.Ltmp6, $4  }
0xb7: {  	v2 =	vld [tilespmem:s1+$0xC830];
	[tilespmem:s25+$0xC840] =	vst v0;
	v3 =	vmul.f32 $1.131370830e+01, v3  }
0xb8: {  	v0 =	vld [tilespmem:s1+$0xC840];
	[tilespmem:s25+$0xC850] =	vst v1;
	v8 =	vmul.f32 $1.131370830e+01, v6  }
0xb9: {  	v6 =	vmul.f32 $1.131370830e+01, v7;
	v1 =	vld [tilespmem:s1+$0xC850];
	[tilespmem:s25+$0xC860] =	vst v3  }
0xba: {  	s28 =	sadd.s32 $0x200, s28;
	v5 =	vmul.f32 $1.131370830e+01, v5;
	v3 =	vld [tilespmem:s1+$0xC860];
	[tilespmem:s25+$0xC870] =	vst v8;
	s25 =	smov.u32 s1  }
0xbb: {  	[tilespmem:s25+$0xC800] =	vst v6;
	v4 =	vmul.f32 $1.131370830e+01, v4;
	v6 =	vld [tilespmem:s25+$0xC870]  }
0xbc: {  	[tilespmem:s25+$0xC810] =	vst v5;
	v2 =	vmul.f32 $1.131370830e+01, v2  }
0xbd: {  	[tilespmem:s25+$0xC820] =	vst v4;
	v0 =	vmul.f32 $1.131370830e+01, v0  }
0xbe: {  	[tilespmem:s25+$0xC830] =	vst v2;
	v1 =	vmul.f32 $1.131370830e+01, v1  }
0xbf: {  	s1 =	sshll.u32 s23, $0x10;
	[tilespmem:s25+$0xC840] =	vst v0;
	v0 =	vmul.f32 $1.131370830e+01, v3  }
0xc0: {  	s1 =	sadd.s32 s5, s1;
	[tilespmem:s25+$0xC850] =	vst v1;
	v1 =	vmul.f32 $1.131370830e+01, v6  }
0xc1: {  	s1 =	sshrl.u32 s1, $0x3;
	[tilespmem:s25+$0xC860] =	vst v0  }
0xc2: {  	s1 =	sadd.s32 s3, s1;
	[tilespmem:s25+$0xC870] =	vst v1  }
0xc3: {  	[hbm4b:s1+s4] =	stream.linear.scatter [tilespmem:s18], [sflag:$0x9], $0x2000, $0x38;
	[tilespmem:$0x1C800] =	vst v63  }
0xc4: {  	s1 =	simm.s32 @!p0 $0xE  }
0xc5: {  	_ =	swait.ge @!p0 [sflag:s1], $0x2000  }
0xc6: {  	[sflag:s1] =	ssyncset.done @!p0 $0x0  }
0xc7: {  	s25 =	simm.s32 $0x16800;
	[sflag:s1] =	ssyncadd.s32 @!p0 $0xFFFFE000;
	s1 =	sadd.s32 $0x280, s12  }
0xc8: {  	[tilespmem:s25], [sflag:$0x6] =	stream.indirect.gather [hbm4b:s2+s17], $0x80, s1, s17, $0xb8;
	[tilespmem:$0x1C800] =	vst v63  }
0xc9: {  	_ =	swait.ge [sflag:s29], $0x2000  }
0xca: {  	[sflag:s29] =	ssyncset.done $0x0  }
0xcb: {  	s25 =	simm.s32 $0x0;
	[sflag:s29] =	ssyncadd.s32 $0xFFFFE000  }
0xcc: {  	v3 =	vld [tilespmem:s25+$0xE800]  }
0xcd: {  	v5 =	vld [tilespmem:s25+$0xE810]  }
0xce: {  	v4 =	vld [tilespmem:s25+$0xE820]  }
0xcf: {  	v2 =	vld [tilespmem:s25+$0xE830]  }
0xd0: {  	v0 =	vld [tilespmem:s25+$0xE840]  }
0xd1: {  	v1 =	vld [tilespmem:s25+$0xE850];
	v6 =	vmul.f32 $1.131370830e+01, v3  }
0xd2: {  	s28 =	simm.s32 $0x200;
	v5 =	vmul.f32 $1.131370830e+01, v5;
	v3 =	vld [tilespmem:s25+$0xE860]  }
.LBB2_15:
0xd3: {  	s1 =	sshra.s32 s28, $0x2;
	p1 =	sne.s32 s28, $0x7E00;
	[tilespmem:s25+$0xE800] =	vst v6;
	v4 =	vmul.f32 $1.131370830e+01, v4;
	v6 =	vld [tilespmem:s25+$0xE870]  }
0xd4: {  	v7 =	vld [tilespmem:s1+$0xE800];
	[tilespmem:s25+$0xE810] =	vst v5;
	v2 =	vmul.f32 $1.131370830e+01, v2  }
0xd5: {  	v5 =	vld [tilespmem:s1+$0xE810];
	[tilespmem:s25+$0xE820] =	vst v4;
	v0 =	vmul.f32 $1.131370830e+01, v0  }
.Ltmp7:
0xd6: {  	v4 =	vld [tilespmem:s1+$0xE820];
	[tilespmem:s25+$0xE830] =	vst v2;
	v1 =	vmul.f32 $1.131370830e+01, v1;
	(pc) =	sbr.rel @p1 .LBB2_15-.Ltmp7, $4  }
0xd7: {  	v2 =	vld [tilespmem:s1+$0xE830];
	[tilespmem:s25+$0xE840] =	vst v0;
	v3 =	vmul.f32 $1.131370830e+01, v3  }
0xd8: {  	v0 =	vld [tilespmem:s1+$0xE840];
	[tilespmem:s25+$0xE850] =	vst v1;
	v8 =	vmul.f32 $1.131370830e+01, v6  }
0xd9: {  	v6 =	vmul.f32 $1.131370830e+01, v7;
	v1 =	vld [tilespmem:s1+$0xE850];
	[tilespmem:s25+$0xE860] =	vst v3  }
0xda: {  	s28 =	sadd.s32 $0x200, s28;
	v5 =	vmul.f32 $1.131370830e+01, v5;
	v3 =	vld [tilespmem:s1+$0xE860];
	[tilespmem:s25+$0xE870] =	vst v8;
	s25 =	smov.u32 s1  }
0xdb: {  	[tilespmem:s25+$0xE800] =	vst v6;
	v4 =	vmul.f32 $1.131370830e+01, v4;
	v6 =	vld [tilespmem:s25+$0xE870]  }
0xdc: {  	[tilespmem:s25+$0xE810] =	vst v5;
	v2 =	vmul.f32 $1.131370830e+01, v2  }
0xdd: {  	[tilespmem:s25+$0xE820] =	vst v4;
	v0 =	vmul.f32 $1.131370830e+01, v0  }
0xde: {  	[tilespmem:s25+$0xE830] =	vst v2;
	v1 =	vmul.f32 $1.131370830e+01, v1  }
0xdf: {  	[tilespmem:s25+$0xE840] =	vst v0;
	v0 =	vmul.f32 $1.131370830e+01, v3  }
0xe0: {  	s1 =	sadd.s32 s5, s15;
	[tilespmem:s25+$0xE850] =	vst v1;
	v1 =	vmul.f32 $1.131370830e+01, v6  }
0xe1: {  	s1 =	sshrl.u32 s1, $0x3;
	[tilespmem:s25+$0xE860] =	vst v0  }
0xe2: {  	s1 =	sadd.s32 s3, s1;
	[tilespmem:s25+$0xE870] =	vst v1  }
0xe3: {  	[hbm4b:s1+s4] =	stream.linear.scatter [tilespmem:s20], [sflag:$0xA], $0x2000, $0x38;
	[tilespmem:$0x1C800] =	vst v63  }
0xe4: {  	s1 =	simm.s32 @!p0 $0xF  }
0xe5: {  	_ =	swait.ge @!p0 [sflag:s1], $0x2000  }
0xe6: {  	[sflag:s1] =	ssyncset.done @!p0 $0x0  }
0xe7: {  	s28 =	simm.s32 $0x18800;
	s25 =	sadd.s32 $0x300, s12;
	[sflag:s1] =	ssyncadd.s32 @!p0 $0xFFFFE000  }
0xe8: {  	[tilespmem:s28], [sflag:$0x7] =	stream.indirect.gather [hbm4b:s2+s17], $0x80, s25, s17, $0xb8;
	[tilespmem:$0x1C800] =	vst v63  }
0xe9: {  	_ =	swait.ge [sflag:s31], $0x2000  }
0xea: {  	[sflag:s31] =	ssyncset.done $0x0  }
0xeb: {  	s15 =	simm.s32 $0x0;
	[sflag:s31] =	ssyncadd.s32 $0xFFFFE000  }
0xec: {  	v3 =	vld [tilespmem:s15+$0x10800]  }
0xed: {  	v5 =	vld [tilespmem:s15+$0x10810]  }
0xee: {  	v4 =	vld [tilespmem:s15+$0x10820]  }
0xef: {  	v2 =	vld [tilespmem:s15+$0x10830]  }
0xf0: {  	v0 =	vld [tilespmem:s15+$0x10840]  }
0xf1: {  	v1 =	vld [tilespmem:s15+$0x10850];
	v6 =	vmul.f32 $1.131370830e+01, v3  }
0xf2: {  	s25 =	simm.s32 $0x200;
	v5 =	vmul.f32 $1.131370830e+01, v5;
	v3 =	vld [tilespmem:s15+$0x10860]  }
.LBB2_17:
0xf3: {  	s1 =	sshra.s32 s25, $0x2;
	p1 =	sne.s32 s25, $0x7E00;
	[tilespmem:s15+$0x10800] =	vst v6;
	v4 =	vmul.f32 $1.131370830e+01, v4;
	v6 =	vld [tilespmem:s15+$0x10870]  }
0xf4: {  	v7 =	vld [tilespmem:s1+$0x10800];
	[tilespmem:s15+$0x10810] =	vst v5;
	v2 =	vmul.f32 $1.131370830e+01, v2  }
0xf5: {  	v5 =	vld [tilespmem:s1+$0x10810];
	[tilespmem:s15+$0x10820] =	vst v4;
	v0 =	vmul.f32 $1.131370830e+01, v0  }
.Ltmp8:
0xf6: {  	v4 =	vld [tilespmem:s1+$0x10820];
	[tilespmem:s15+$0x10830] =	vst v2;
	v1 =	vmul.f32 $1.131370830e+01, v1;
	(pc) =	sbr.rel @p1 .LBB2_17-.Ltmp8, $4  }
0xf7: {  	v2 =	vld [tilespmem:s1+$0x10830];
	[tilespmem:s15+$0x10840] =	vst v0;
	v3 =	vmul.f32 $1.131370830e+01, v3  }
0xf8: {  	v0 =	vld [tilespmem:s1+$0x10840];
	[tilespmem:s15+$0x10850] =	vst v1;
	v8 =	vmul.f32 $1.131370830e+01, v6  }
0xf9: {  	v6 =	vmul.f32 $1.131370830e+01, v7;
	v1 =	vld [tilespmem:s1+$0x10850];
	[tilespmem:s15+$0x10860] =	vst v3  }
0xfa: {  	s25 =	sadd.s32 $0x200, s25;
	v5 =	vmul.f32 $1.131370830e+01, v5;
	v3 =	vld [tilespmem:s1+$0x10860];
	[tilespmem:s15+$0x10870] =	vst v8;
	s15 =	smov.u32 s1  }
0xfb: {  	[tilespmem:s15+$0x10800] =	vst v6;
	v4 =	vmul.f32 $1.131370830e+01, v4;
	v6 =	vld [tilespmem:s15+$0x10870]  }
0xfc: {  	[tilespmem:s15+$0x10810] =	vst v5;
	v2 =	vmul.f32 $1.131370830e+01, v2  }
0xfd: {  	[tilespmem:s15+$0x10820] =	vst v4;
	v0 =	vmul.f32 $1.131370830e+01, v0  }
0xfe: {  	[tilespmem:s15+$0x10830] =	vst v2;
	v1 =	vmul.f32 $1.131370830e+01, v1  }
0xff: {  	[tilespmem:s15+$0x10840] =	vst v0;
	v0 =	vmul.f32 $1.131370830e+01, v3  }
0x100: {  	s1 =	sadd.s32 s5, s14;
	[tilespmem:s15+$0x10850] =	vst v1;
	v1 =	vmul.f32 $1.131370830e+01, v6  }
0x101: {  	s1 =	sshrl.u32 s1, $0x3;
	[tilespmem:s15+$0x10860] =	vst v0  }
0x102: {  	s1 =	sadd.s32 s3, s1;
	[tilespmem:s15+$0x10870] =	vst v1  }
0x103: {  	[hbm4b:s1+s4] =	stream.linear.scatter [tilespmem:s22], [sflag:$0xB], $0x2000, $0x38;
	[tilespmem:$0x1C800] =	vst v63  }
0x104: {  	s1 =	simm.s32 @!p0 $0x10  }
0x105: {  	_ =	swait.ge @!p0 [sflag:s1], $0x2000  }
0x106: {  	[sflag:s1] =	ssyncset.done @!p0 $0x0  }
0x107: {  	s25 =	sadd.s32 $0x380, s12;
	s28 =	simm.s32 $0x1A800;
	[sflag:s1] =	ssyncadd.s32 @!p0 $0xFFFFE000  }
0x108: {  	[tilespmem:s28], [sflag:$0x8] =	stream.indirect.gather [hbm4b:s2+s17], $0x80, s25, s17, $0xb8;
	[tilespmem:$0x1C800] =	vst v63  }
0x109: {  	_ =	swait.ge [sflag:s0], $0x2000  }
0x10a: {  	[sflag:s0] =	ssyncset.done $0x0  }
0x10b: {  	s12 =	simm.s32 $0x0;
	[sflag:s0] =	ssyncadd.s32 $0xFFFFE000  }
0x10c: {  	v3 =	vld [tilespmem:s12+$0x12800]  }
0x10d: {  	v5 =	vld [tilespmem:s12+$0x12810]  }
0x10e: {  	v4 =	vld [tilespmem:s12+$0x12820]  }
0x10f: {  	v2 =	vld [tilespmem:s12+$0x12830]  }
0x110: {  	v0 =	vld [tilespmem:s12+$0x12840]  }
0x111: {  	v1 =	vld [tilespmem:s12+$0x12850];
	v6 =	vmul.f32 $1.131370830e+01, v3  }
0x112: {  	s14 =	simm.s32 $0x200;
	v5 =	vmul.f32 $1.131370830e+01, v5;
	v3 =	vld [tilespmem:s12+$0x12860]  }
.LBB2_19:
0x113: {  	s1 =	sshra.s32 s14, $0x2;
	p0 =	sne.s32 s14, $0x7E00;
	[tilespmem:s12+$0x12800] =	vst v6;
	v4 =	vmul.f32 $1.131370830e+01, v4;
	v6 =	vld [tilespmem:s12+$0x12870]  }
0x114: {  	v7 =	vld [tilespmem:s1+$0x12800];
	[tilespmem:s12+$0x12810] =	vst v5;
	v2 =	vmul.f32 $1.131370830e+01, v2  }
0x115: {  	v5 =	vld [tilespmem:s1+$0x12810];
	[tilespmem:s12+$0x12820] =	vst v4;
	v0 =	vmul.f32 $1.131370830e+01, v0  }
.Ltmp9:
0x116: {  	v4 =	vld [tilespmem:s1+$0x12820];
	[tilespmem:s12+$0x12830] =	vst v2;
	v1 =	vmul.f32 $1.131370830e+01, v1;
	(pc) =	sbr.rel @p0 .LBB2_19-.Ltmp9, $4  }
0x117: {  	v2 =	vld [tilespmem:s1+$0x12830];
	[tilespmem:s12+$0x12840] =	vst v0;
	v3 =	vmul.f32 $1.131370830e+01, v3  }
0x118: {  	v0 =	vld [tilespmem:s1+$0x12840];
	[tilespmem:s12+$0x12850] =	vst v1;
	v8 =	vmul.f32 $1.131370830e+01, v6  }
0x119: {  	v6 =	vmul.f32 $1.131370830e+01, v7;
	v1 =	vld [tilespmem:s1+$0x12850];
	[tilespmem:s12+$0x12860] =	vst v3  }
0x11a: {  	s14 =	sadd.s32 $0x200, s14;
	v5 =	vmul.f32 $1.131370830e+01, v5;
	v3 =	vld [tilespmem:s1+$0x12860];
	[tilespmem:s12+$0x12870] =	vst v8;
	s12 =	smov.u32 s1  }
0x11b: {  	[tilespmem:s12+$0x12800] =	vst v6;
	v4 =	vmul.f32 $1.131370830e+01, v4;
	v61 =	vld [tilespmem:s12+$0x12870]  }
0x11c: {  	[tilespmem:s12+$0x12810] =	vst v5;
	v2 =	vmul.f32 $1.131370830e+01, v2  }
0x11d: {  	s23 =	sadd.s32 $0x1, s23;
	[tilespmem:s12+$0x12820] =	vst v4;
	v0 =	vmul.f32 $1.131370830e+01, v0  }
0x11e: {  	p0 =	sne.s32 s23, $0x32;
	[tilespmem:s12+$0x12830] =	vst v2;
	v1 =	vmul.f32 $1.131370830e+01, v1  }
.Ltmp10:
0x11f: {  	[tilespmem:s12+$0x12840] =	vst v0;
	v62 =	vmul.f32 $1.131370830e+01, v3;
	(pc) =	sbr.rel @p0 .LBB2_2-.Ltmp10, $4  }
0x120: {  	s1 =	sadd.s32 s5, s13;
	[tilespmem:s12+$0x12850] =	vst v1;
	v63 =	vmul.f32 $1.131370830e+01, v61  }
0x121: {  	s1 =	sshrl.u32 s1, $0x3;
	[tilespmem:s12+$0x12860] =	vst v62  }
0x122: {  	s1 =	sadd.s32 s3, s1;
	[tilespmem:s12+$0x12870] =	vst v63  }
0x123: {  	[hbm4b:s1+s4] =	stream.linear.scatter [tilespmem:s24], [sflag:$0xC], $0x2000, $0x38;
	[tilespmem:$0x1C800] =	vst v63  }
0x124: {  	_ =	swait.ge [sflag:s6], $0x2000  }
0x125: {  	[sflag:s6] =	ssyncset.done $0x0  }
0x126: {  	s12 =	simm.s32 $0x0;
	[sflag:s6] =	ssyncadd.s32 $0xFFFFE000  }
0x127: {  	v3 =	vld [tilespmem:s12+$0x14800]  }
0x128: {  	v5 =	vld [tilespmem:s12+$0x14810]  }
0x129: {  	v4 =	vld [tilespmem:s12+$0x14820]  }
0x12a: {  	v2 =	vld [tilespmem:s12+$0x14830]  }
0x12b: {  	v0 =	vld [tilespmem:s12+$0x14840]  }
0x12c: {  	v1 =	vld [tilespmem:s12+$0x14850];
	v6 =	vmul.f32 $1.131370830e+01, v3  }
0x12d: {  	s13 =	simm.s32 $0x200;
	v5 =	vmul.f32 $1.131370830e+01, v5;
	v3 =	vld [tilespmem:s12+$0x14860]  }
.LBB2_22:
0x12e: {  	s1 =	sshra.s32 s13, $0x2;
	p0 =	sne.s32 s13, $0x7E00;
	[tilespmem:s12+$0x14800] =	vst v6;
	v4 =	vmul.f32 $1.131370830e+01, v4;
	v6 =	vld [tilespmem:s12+$0x14870]  }
0x12f: {  	v7 =	vld [tilespmem:s1+$0x14800];
	[tilespmem:s12+$0x14810] =	vst v5;
	v2 =	vmul.f32 $1.131370830e+01, v2  }
0x130: {  	v5 =	vld [tilespmem:s1+$0x14810];
	[tilespmem:s12+$0x14820] =	vst v4;
	v0 =	vmul.f32 $1.131370830e+01, v0  }
.Ltmp11:
0x131: {  	v4 =	vld [tilespmem:s1+$0x14820];
	[tilespmem:s12+$0x14830] =	vst v2;
	v1 =	vmul.f32 $1.131370830e+01, v1;
	(pc) =	sbr.rel @p0 .LBB2_22-.Ltmp11, $4  }
0x132: {  	v2 =	vld [tilespmem:s1+$0x14830];
	[tilespmem:s12+$0x14840] =	vst v0;
	v3 =	vmul.f32 $1.131370830e+01, v3  }
0x133: {  	v0 =	vld [tilespmem:s1+$0x14840];
	[tilespmem:s12+$0x14850] =	vst v1;
	v8 =	vmul.f32 $1.131370830e+01, v6  }
0x134: {  	v6 =	vmul.f32 $1.131370830e+01, v7;
	v1 =	vld [tilespmem:s1+$0x14850];
	[tilespmem:s12+$0x14860] =	vst v3  }
0x135: {  	s13 =	sadd.s32 $0x200, s13;
	v5 =	vmul.f32 $1.131370830e+01, v5;
	v3 =	vld [tilespmem:s1+$0x14860];
	[tilespmem:s12+$0x14870] =	vst v8;
	s12 =	smov.u32 s1  }
0x136: {  	[tilespmem:s12+$0x14800] =	vst v6;
	v4 =	vmul.f32 $1.131370830e+01, v4;
	v6 =	vld [tilespmem:s12+$0x14870]  }
0x137: {  	[tilespmem:s12+$0x14810] =	vst v5;
	v2 =	vmul.f32 $1.131370830e+01, v2  }
0x138: {  	[tilespmem:s12+$0x14820] =	vst v4;
	v0 =	vmul.f32 $1.131370830e+01, v0  }
0x139: {  	[tilespmem:s12+$0x14830] =	vst v2;
	v1 =	vmul.f32 $1.131370830e+01, v1  }
0x13a: {  	[tilespmem:s12+$0x14840] =	vst v0;
	v0 =	vmul.f32 $1.131370830e+01, v3  }
0x13b: {  	[tilespmem:s12+$0x14850] =	vst v1;
	v1 =	vmul.f32 $1.131370830e+01, v6  }
0x13c: {  	[tilespmem:s12+$0x14860] =	vst v0  }
0x13d: {  	s1 =	simm.s32 $0x0;
	s28 =	rddreg [dreg:$0x5];
	[tilespmem:s12+$0x14870] =	vst v1  }
0x13e: {  	[hbm4b:s28+s1] =	stream.linear.scatter [tilespmem:s30], [sflag:$0xD], $0x2000, $0x38;
	[tilespmem:$0x1C800] =	vst v63  }
0x13f: {  	_ =	swait.ge [sflag:s7], $0x2000  }
0x140: {  	[sflag:s7] =	ssyncset.done $0x0  }
0x141: {  	s12 =	simm.s32 $0x0;
	[sflag:s7] =	ssyncadd.s32 $0xFFFFE000  }
0x142: {  	v3 =	vld [tilespmem:s12+$0x16800]  }
0x143: {  	v5 =	vld [tilespmem:s12+$0x16810]  }
0x144: {  	v4 =	vld [tilespmem:s12+$0x16820]  }
0x145: {  	v2 =	vld [tilespmem:s12+$0x16830]  }
0x146: {  	v0 =	vld [tilespmem:s12+$0x16840]  }
0x147: {  	v1 =	vld [tilespmem:s12+$0x16850];
	v6 =	vmul.f32 $1.131370830e+01, v3  }
0x148: {  	s13 =	simm.s32 $0x200;
	v5 =	vmul.f32 $1.131370830e+01, v5;
	v3 =	vld [tilespmem:s12+$0x16860]  }
.LBB2_24:
0x149: {  	s1 =	sshra.s32 s13, $0x2;
	p0 =	sne.s32 s13, $0x7E00;
	[tilespmem:s12+$0x16800] =	vst v6;
	v4 =	vmul.f32 $1.131370830e+01, v4;
	v6 =	vld [tilespmem:s12+$0x16870]  }
0x14a: {  	v7 =	vld [tilespmem:s1+$0x16800];
	[tilespmem:s12+$0x16810] =	vst v5;
	v2 =	vmul.f32 $1.131370830e+01, v2  }
0x14b: {  	v5 =	vld [tilespmem:s1+$0x16810];
	[tilespmem:s12+$0x16820] =	vst v4;
	v0 =	vmul.f32 $1.131370830e+01, v0  }
.Ltmp12:
0x14c: {  	v4 =	vld [tilespmem:s1+$0x16820];
	[tilespmem:s12+$0x16830] =	vst v2;
	v1 =	vmul.f32 $1.131370830e+01, v1;
	(pc) =	sbr.rel @p0 .LBB2_24-.Ltmp12, $4  }
0x14d: {  	v2 =	vld [tilespmem:s1+$0x16830];
	[tilespmem:s12+$0x16840] =	vst v0;
	v3 =	vmul.f32 $1.131370830e+01, v3  }
0x14e: {  	v0 =	vld [tilespmem:s1+$0x16840];
	[tilespmem:s12+$0x16850] =	vst v1;
	v8 =	vmul.f32 $1.131370830e+01, v6  }
0x14f: {  	v6 =	vmul.f32 $1.131370830e+01, v7;
	v1 =	vld [tilespmem:s1+$0x16850];
	[tilespmem:s12+$0x16860] =	vst v3  }
0x150: {  	s13 =	sadd.s32 $0x200, s13;
	v5 =	vmul.f32 $1.131370830e+01, v5;
	v3 =	vld [tilespmem:s1+$0x16860];
	[tilespmem:s12+$0x16870] =	vst v8;
	s12 =	smov.u32 s1  }
0x151: {  	[tilespmem:s12+$0x16800] =	vst v6;
	v4 =	vmul.f32 $1.131370830e+01, v4;
	v6 =	vld [tilespmem:s12+$0x16870]  }
0x152: {  	[tilespmem:s12+$0x16810] =	vst v5;
	v2 =	vmul.f32 $1.131370830e+01, v2  }
0x153: {  	[tilespmem:s12+$0x16820] =	vst v4;
	v0 =	vmul.f32 $1.131370830e+01, v0  }
0x154: {  	[tilespmem:s12+$0x16830] =	vst v2;
	v1 =	vmul.f32 $1.131370830e+01, v1  }
0x155: {  	[tilespmem:s12+$0x16840] =	vst v0;
	v0 =	vmul.f32 $1.131370830e+01, v3  }
0x156: {  	[tilespmem:s12+$0x16850] =	vst v1;
	v1 =	vmul.f32 $1.131370830e+01, v6  }
0x157: {  	[tilespmem:s12+$0x16860] =	vst v0  }
0x158: {  	s1 =	simm.s32 $0x0;
	s28 =	rddreg [dreg:$0x6];
	s13 =	simm.s32 $0x16800;
	[tilespmem:s12+$0x16870] =	vst v1  }
0x159: {  	[hbm4b:s28+s1] =	stream.linear.scatter [tilespmem:s13], [sflag:$0xE], $0x2000, $0x38;
	[tilespmem:$0x1C800] =	vst v63  }
0x15a: {  	_ =	swait.ge [sflag:s8], $0x2000  }
0x15b: {  	[sflag:s8] =	ssyncset.done $0x0  }
0x15c: {  	s12 =	simm.s32 $0x0;
	[sflag:s8] =	ssyncadd.s32 $0xFFFFE000  }
0x15d: {  	v3 =	vld [tilespmem:s12+$0x18800]  }
0x15e: {  	v5 =	vld [tilespmem:s12+$0x18810]  }
0x15f: {  	v4 =	vld [tilespmem:s12+$0x18820]  }
0x160: {  	v2 =	vld [tilespmem:s12+$0x18830]  }
0x161: {  	v0 =	vld [tilespmem:s12+$0x18840]  }
0x162: {  	v1 =	vld [tilespmem:s12+$0x18850];
	v6 =	vmul.f32 $1.131370830e+01, v3  }
0x163: {  	s13 =	simm.s32 $0x200;
	v5 =	vmul.f32 $1.131370830e+01, v5;
	v3 =	vld [tilespmem:s12+$0x18860]  }
.LBB2_26:
0x164: {  	s1 =	sshra.s32 s13, $0x2;
	p0 =	sne.s32 s13, $0x7E00;
	[tilespmem:s12+$0x18800] =	vst v6;
	v4 =	vmul.f32 $1.131370830e+01, v4;
	v6 =	vld [tilespmem:s12+$0x18870]  }
0x165: {  	v7 =	vld [tilespmem:s1+$0x18800];
	[tilespmem:s12+$0x18810] =	vst v5;
	v2 =	vmul.f32 $1.131370830e+01, v2  }
0x166: {  	v5 =	vld [tilespmem:s1+$0x18810];
	[tilespmem:s12+$0x18820] =	vst v4;
	v0 =	vmul.f32 $1.131370830e+01, v0  }
.Ltmp13:
0x167: {  	v4 =	vld [tilespmem:s1+$0x18820];
	[tilespmem:s12+$0x18830] =	vst v2;
	v1 =	vmul.f32 $1.131370830e+01, v1;
	(pc) =	sbr.rel @p0 .LBB2_26-.Ltmp13, $4  }
0x168: {  	v2 =	vld [tilespmem:s1+$0x18830];
	[tilespmem:s12+$0x18840] =	vst v0;
	v3 =	vmul.f32 $1.131370830e+01, v3  }
0x169: {  	v0 =	vld [tilespmem:s1+$0x18840];
	[tilespmem:s12+$0x18850] =	vst v1;
	v8 =	vmul.f32 $1.131370830e+01, v6  }
0x16a: {  	v6 =	vmul.f32 $1.131370830e+01, v7;
	v1 =	vld [tilespmem:s1+$0x18850];
	[tilespmem:s12+$0x18860] =	vst v3  }
0x16b: {  	s13 =	sadd.s32 $0x200, s13;
	v5 =	vmul.f32 $1.131370830e+01, v5;
	v3 =	vld [tilespmem:s1+$0x18860];
	[tilespmem:s12+$0x18870] =	vst v8;
	s12 =	smov.u32 s1  }
0x16c: {  	[tilespmem:s12+$0x18800] =	vst v6;
	v4 =	vmul.f32 $1.131370830e+01, v4;
	v6 =	vld [tilespmem:s12+$0x18870]  }
0x16d: {  	[tilespmem:s12+$0x18810] =	vst v5;
	v2 =	vmul.f32 $1.131370830e+01, v2  }
0x16e: {  	[tilespmem:s12+$0x18820] =	vst v4;
	v0 =	vmul.f32 $1.131370830e+01, v0  }
0x16f: {  	[tilespmem:s12+$0x18830] =	vst v2;
	v1 =	vmul.f32 $1.131370830e+01, v1  }
0x170: {  	[tilespmem:s12+$0x18840] =	vst v0;
	v0 =	vmul.f32 $1.131370830e+01, v3  }
0x171: {  	[tilespmem:s12+$0x18850] =	vst v1;
	v1 =	vmul.f32 $1.131370830e+01, v6  }
0x172: {  	[tilespmem:s12+$0x18860] =	vst v0  }
0x173: {  	s1 =	simm.s32 $0x0;
	s28 =	rddreg [dreg:$0x7];
	s13 =	simm.s32 $0x18800;
	[tilespmem:s12+$0x18870] =	vst v1  }
0x174: {  	[hbm4b:s28+s1] =	stream.linear.scatter [tilespmem:s13], [sflag:$0xF], $0x2000, $0x38;
	[tilespmem:$0x1C800] =	vst v63  }
0x175: {  	_ =	swait.ge [sflag:s9], $0x2000  }
0x176: {  	[sflag:s9] =	ssyncset.done $0x0  }
0x177: {  	s12 =	simm.s32 $0x0;
	[sflag:s9] =	ssyncadd.s32 $0xFFFFE000  }
0x178: {  	v3 =	vld [tilespmem:s12+$0x1A800]  }
0x179: {  	v5 =	vld [tilespmem:s12+$0x1A810]  }
0x17a: {  	v4 =	vld [tilespmem:s12+$0x1A820]  }
0x17b: {  	v2 =	vld [tilespmem:s12+$0x1A830]  }
0x17c: {  	v0 =	vld [tilespmem:s12+$0x1A840]  }
0x17d: {  	v1 =	vld [tilespmem:s12+$0x1A850];
	v6 =	vmul.f32 $1.131370830e+01, v3  }
0x17e: {  	s13 =	simm.s32 $0x200;
	v5 =	vmul.f32 $1.131370830e+01, v5;
	v3 =	vld [tilespmem:s12+$0x1A860]  }
.LBB2_28:
0x17f: {  	s1 =	sshra.s32 s13, $0x2;
	p0 =	sne.s32 s13, $0x7E00;
	[tilespmem:s12+$0x1A800] =	vst v6;
	v4 =	vmul.f32 $1.131370830e+01, v4;
	v6 =	vld [tilespmem:s12+$0x1A870]  }
0x180: {  	v7 =	vld [tilespmem:s1+$0x1A800];
	[tilespmem:s12+$0x1A810] =	vst v5;
	v2 =	vmul.f32 $1.131370830e+01, v2  }
0x181: {  	v5 =	vld [tilespmem:s1+$0x1A810];
	[tilespmem:s12+$0x1A820] =	vst v4;
	v0 =	vmul.f32 $1.131370830e+01, v0  }
.Ltmp14:
0x182: {  	v4 =	vld [tilespmem:s1+$0x1A820];
	[tilespmem:s12+$0x1A830] =	vst v2;
	v1 =	vmul.f32 $1.131370830e+01, v1;
	(pc) =	sbr.rel @p0 .LBB2_28-.Ltmp14, $4  }
0x183: {  	v2 =	vld [tilespmem:s1+$0x1A830];
	[tilespmem:s12+$0x1A840] =	vst v0;
	v3 =	vmul.f32 $1.131370830e+01, v3  }
0x184: {  	v0 =	vld [tilespmem:s1+$0x1A840];
	[tilespmem:s12+$0x1A850] =	vst v1;
	v8 =	vmul.f32 $1.131370830e+01, v6  }
0x185: {  	v6 =	vmul.f32 $1.131370830e+01, v7;
	v1 =	vld [tilespmem:s1+$0x1A850];
	[tilespmem:s12+$0x1A860] =	vst v3  }
0x186: {  	s13 =	sadd.s32 $0x200, s13;
	v5 =	vmul.f32 $1.131370830e+01, v5;
	v3 =	vld [tilespmem:s1+$0x1A860];
	[tilespmem:s12+$0x1A870] =	vst v8;
	s12 =	smov.u32 s1  }
0x187: {  	[tilespmem:s12+$0x1A800] =	vst v6;
	v4 =	vmul.f32 $1.131370830e+01, v4;
	v61 =	vld [tilespmem:s12+$0x1A870]  }
0x188: {  	[tilespmem:s12+$0x1A810] =	vst v5;
	v2 =	vmul.f32 $1.131370830e+01, v2  }
0x189: {  	[tilespmem:s12+$0x1A820] =	vst v4;
	v0 =	vmul.f32 $1.131370830e+01, v0  }
0x18a: {  	[tilespmem:s12+$0x1A830] =	vst v2;
	v1 =	vmul.f32 $1.131370830e+01, v1  }
0x18b: {  	[tilespmem:s12+$0x1A840] =	vst v0;
	v62 =	vmul.f32 $1.131370830e+01, v3  }
0x18c: {  	[tilespmem:s12+$0x1A850] =	vst v1;
	v63 =	vmul.f32 $1.131370830e+01, v61  }
0x18d: {  	[tilespmem:s12+$0x1A860] =	vst v62  }
0x18e: {  	s1 =	rddreg [dreg:$0x8];
	s14 =	simm.s32 $0x1A800;
	[tilespmem:s12+$0x1A870] =	vst v63  }
0x18f: {  	[hbm4b:s1+s4] =	stream.linear.scatter [tilespmem:s14], [sflag:$0x10], $0x2000, $0x38;
	[tilespmem:$0x1C800] =	vst v63  }
0x190: {  	_ =	swait.ge [sflag:s10], $0x2000  }
0x191: {  	[sflag:s10] =	ssyncset.done $0x0  }
0x192: {  	[sflag:s10] =	ssyncadd.s32 $0xFFFFE000  }
0x193: {  	_ =	swait.ge [sflag:s11], $0x2000  }
0x194: {  	[sflag:s11] =	ssyncset.done $0x0  }
0x195: {  	[sflag:s11] =	ssyncadd.s32 $0xFFFFE000  }
0x196: {  	_ =	swait.ge [sflag:s16], $0x2000  }
0x197: {  	[sflag:s16] =	ssyncset.done $0x0  }
0x198: {  	[sflag:s16] =	ssyncadd.s32 $0xFFFFE000  }
0x199: {  	_ =	swait.ge [sflag:s19], $0x2000  }
0x19a: {  	[sflag:s19] =	ssyncset.done $0x0  }
0x19b: {  	[sflag:s19] =	ssyncadd.s32 $0xFFFFE000  }
0x19c: {  	_ =	swait.ge [sflag:s21], $0x2000  }
0x19d: {  	[sflag:s21] =	ssyncset.done $0x0  }
0x19e: {  	s15 =	simm.s32 $0xE;
	[sflag:s21] =	ssyncadd.s32 $0xFFFFE000  }
0x19f: {  	_ =	swait.ge [sflag:s15], $0x2000  }
0x1a0: {  	[sflag:s15] =	ssyncset.done $0x0  }
0x1a1: {  	s23 =	simm.s32 $0xF;
	[sflag:s15] =	ssyncadd.s32 $0xFFFFE000  }
0x1a2: {  	_ =	swait.ge [sflag:s23], $0x2000  }
0x1a3: {  	[sflag:s23] =	ssyncset.done $0x0  }
0x1a4: {  	s25 =	simm.s32 $0x10;
	[sflag:s23] =	ssyncadd.s32 $0xFFFFE000  }
0x1a5: {  	_ =	swait.ge [sflag:s25], $0x2000  }
0x1a6: {  	s13 =	rddreg [dreg:$0xe]  }
0x1a7: {  	s28 =	rddreg [dreg:$0x9];
	s13 =	sadd.s32 $0x1, s13  }
0x1a8: {  	p0 =	sne.s32 s13, s28  }
.Ltmp15:
0x1a9: {  	_ = 	snop;
	(pc) =	sbr.rel @p0 .LBB2_1-.Ltmp15, $3  }
0x1aa: {  	_ =	sdelay $0x1  }
0x1ab: {  	[sflag:s25] =	ssyncset.done $0x0  }
0x1ac: {  	[sflag:s25] =	ssyncadd.s32 $0xFFFFE000  }
0x1ad: {  	_ =	sfence.sel $0x180000  }
0x1ae: {  	[bflag:$0x0] =	sbarrier.arrive $0xFFFF  }
0x1af: {  	_ =	strace $0x90000047  }
0x1b0: {  	s0 =	stileid.u32;
	[bflag:$0x2] =	sbarrier.arrive $0xFFFF  }
0x1b1: {  	p0 =	sne.s32 s0, $0x0;
	s0 =	rddreg [dreg:$0x3]  }
0x1b2: {  	s0 =	sadd.s32 @!p0 $0x100000, s0  }
0x1b3: {  	[sflag:s0] =	ssyncadd.tile.s32 @!p0 $0x1;
	_ =	shalt  }
.Lfunc_end2:
_tile_overlayer_lowered:
.L_overlay_start_2:
0x1b4: {  	(tag) =	ssettag $0x2  }
0x1b5: {  	s0 =	rddreg [dreg:$0x0];
	s2 =	stileid.u32  }
0x1b6: {  	s1 =	rddreg [dreg:$0x1];
	p0 =	sne.s32 s2, $0x0  }
0x1b7: {  	s3 =	rddreg [dreg:$0x2];
	[bflag:$0x3] =	sbarrier.arrive $0xFFFF;
	s2 =	simm.s32 @!p0 $0x1C11  }
0x1b8: {  	[timem:s3], [sflag:s2] =	dma.local @!p0 [hbm:s0], s1  }
0x1b9: {  	s0 =	simm.s32 @!p0 $0x11  }
0x1ba: {  	_ =	swait.ge @!p0 [sflag:s0], s1  }
0x1bb: {  	s1 =	ssub.s32 @!p0 $0x0, s1;
	[sflag:s0] =	ssyncset.done @!p0 $0x0  }
0x1bc: {  	[sflag:s0] =	ssyncadd.s32 @!p0 s1  }
0x1bd: {  	[bflag:$0x3] =	sbarrier.arrive $0xFFFF  }
0x1be: {  	_ =	shalt  }

</sc_bundles>
